<compile_context>
chip_gen: v7x
topology: tpu7x:2x2x1
jax: 0.10.2.dev20260603
libtpu: 0.0.44.dev20260713+nightly
codegen_flags: <defaults>
</compile_context>

<pallas_src>
import functools

import jax
import jax.numpy as jnp
from jax import lax
from jax.experimental import pallas as pl
from jax.experimental.pallas import tpu as pltpu
from jax.experimental.pallas import tpu_sc as plsc

USER_N = 25000
NN = 50000
EDGES = 800000
DD = 64
BATCH = 16384

NC = 2
NS = 16
HALF = DD // 2

CH = 128
TOT_E = 2 * EDGES
CPS = 16
NSC = 49
NK = NSC * CPS
PADE = NS * NK * CH
SPAD = 50048
ROWS_PER_SUB = SPAD // NS
ZROWS = 136



def _lane_bcast(vv, e2):
    return lax.gather(
        vv, jnp.full((16, 1), e2, jnp.int32),
        lax.GatherDimensionNumbers(offset_dims=(),
                                   collapsed_slice_dims=(0,),
                                   start_index_map=(0,)),
        (1,), mode=lax.GatherScatterMode.PROMISE_IN_BOUNDS)


WB = 136
WTAIL = 88


def _sc_spmm_body(row_hbm, col_hbm, val_hbm, t4_hbm, bias_hbm, fe_hbm,
                  srow, scol, sval, gidx, rbuf, zbuf, bias_v, acc, gsem, ssem):
    c = lax.axis_index("c")
    s = lax.axis_index("s")

    def _zrow(i, carry):
        zbuf[i, pl.ds(0, 16)] = jnp.zeros((16,), jnp.float32)
        zbuf[i, pl.ds(16, 16)] = jnp.zeros((16,), jnp.float32)
        return carry

    lax.fori_loop(0, ZROWS, _zrow, 0)

    def _zcopy(i, carry):
        pltpu.sync_copy(zbuf, acc.at[pl.ds(s * ROWS_PER_SUB + i * ZROWS, ZROWS)])
        return carry

    lax.fori_loop(0, ROWS_PER_SUB // ZROWS, _zcopy, 0)
    plsc.subcore_barrier()

    crow0 = s * NK

    def _load_sc(sc):
        r0 = crow0 + sc * CPS
        pltpu.sync_copy(row_hbm.at[pl.ds(r0, CPS)], srow)
        pltpu.sync_copy(col_hbm.at[pl.ds(r0, CPS)], scol)
        pltpu.sync_copy(val_hbm.at[pl.ds(r0, CPS)], sval)

    def _prep_and_fire(kn):
        j = lax.rem(kn, CPS)
        b = lax.rem(kn, 4)

        def _g(g, cc):
            cv = scol[j, pl.ds(g * 16, 16)]
            gidx[b, pl.ds(g * 16, 16)] = cv + c
            return cc

        lax.fori_loop(0, CH // 16, _g, 0, unroll=True)
        pltpu.async_copy(t4_hbm.at[gidx.at[b]], rbuf.at[b], gsem.at[b])

    def _scatter_wait(b):
        pltpu.make_async_copy(rbuf.at[b], acc.at[srow.at[0]], ssem.at[b]).wait()

    _load_sc(0)
    _prep_and_fire(0)

    def _iter(k, carry):
        b = lax.rem(k, 4)
        j = lax.rem(k, CPS)
        kn = k + 1
        jn = lax.rem(kn, CPS)
        bn = lax.rem(kn, 4)

        @pl.when(jnp.logical_and(kn < NK, jn != 0))
        def _fire_ahead():
            @pl.when(j >= 3)
            def _drain():
                _scatter_wait(bn)

            _prep_and_fire(kn)

        pltpu.make_async_copy(t4_hbm.at[gidx.at[b]], rbuf.at[b], gsem.at[b]).wait()

        def _scale(g, cc):
            vv = sval[j, pl.ds(g * 16, 16)]
            for e2 in range(16):
                bv = _lane_bcast(vv, e2)
                e = g * 16 + e2
                r0 = rbuf[b, e, pl.ds(0, 16)]
                rbuf[b, e, pl.ds(0, 16)] = r0 * bv
                r1 = rbuf[b, e, pl.ds(16, 16)]
                rbuf[b, e, pl.ds(16, 16)] = r1 * bv
            return cc

        pass

        pltpu.async_copy(rbuf.at[b], acc.at[srow.at[j]], ssem.at[b], add=True)

        @pl.when(jnp.logical_and(kn < NK, jn == 0))
        def _boundary():
            _scatter_wait(b)
            _scatter_wait(lax.rem(k + 3, 4))
            _scatter_wait(lax.rem(k + 2, 4))
            _scatter_wait(bn)
            _load_sc(lax.div(kn, CPS))
            _prep_and_fire(kn)

        return carry

    lax.fori_loop(0, NK, _iter, 0)
    _scatter_wait(0)
    _scatter_wait(1)
    _scatter_wait(2)
    _scatter_wait(3)
    plsc.subcore_barrier()

    pltpu.sync_copy(bias_hbm.at[c], bias_v)
    b0 = bias_v[pl.ds(0, 16)]
    b1 = bias_v[pl.ds(16, 16)]
    r0 = s * ROWS_PER_SUB
    col0 = 2 * DD // 2 + HALF * c

    def _wchunk(base, nr_rows):
        pltpu.sync_copy(acc.at[pl.ds(base, nr_rows)], zbuf.at[pl.ds(0, nr_rows)])

        def _relu(r, cc):
            x0 = zbuf[r, pl.ds(0, 16)]
            zbuf[r, pl.ds(0, 16)] = jnp.maximum(x0 + b0, 0.0)
            x1 = zbuf[r, pl.ds(16, 16)]
            zbuf[r, pl.ds(16, 16)] = jnp.maximum(x1 + b1, 0.0)
            return cc

        lax.fori_loop(0, nr_rows, _relu, 0)
        pltpu.sync_copy(zbuf.at[pl.ds(0, nr_rows)],
                        fe_hbm.at[pl.ds(base, nr_rows), pl.ds(col0, HALF)])

    nfull = jnp.where(s == NS - 1, (ROWS_PER_SUB - 48 - WTAIL) // WB,
                      ROWS_PER_SUB // WB)

    def _wloop(i, carry):
        _wchunk(r0 + i * WB, WB)
        return carry

    lax.fori_loop(0, nfull, _wloop, 0)

    @pl.when(s == NS - 1)
    def _wtail():
        _wchunk(r0 + ((ROWS_PER_SUB - 48 - WTAIL) // WB) * WB, WTAIL)


_sc_spmm = pl.kernel(
    _sc_spmm_body,
    out_type=jax.ShapeDtypeStruct((NN, 2 * DD), jnp.float32),
    mesh=plsc.VectorSubcoreMesh(core_axis_name="c", subcore_axis_name="s"),
    scratch_types=[
        pltpu.VMEM((CPS, CH), jnp.int32),
        pltpu.VMEM((CPS, CH), jnp.int32),
        pltpu.VMEM((CPS, CH), jnp.float32),
        pltpu.VMEM((4, CH), jnp.int32),
        pltpu.VMEM((4, CH, HALF), jnp.float32),
        pltpu.VMEM((ZROWS, HALF), jnp.float32),
        pltpu.VMEM((HALF,), jnp.float32),
        pltpu.VMEM_SHARED((SPAD, HALF), jnp.float32),
        pltpu.SemaphoreType.DMA((4,)),
        pltpu.SemaphoreType.DMA((4,)),
    ],
    compiler_params=pltpu.CompilerParams(use_tc_tiling_on_sc=False),
)


ROWS_PER_W = BATCH // (NC * NS)
GCH = 128


def _sc_gather_body(fe_hbm, uidx_hbm, iidx_hbm, ue_hbm, ie_hbm,
                    idx_v, gbuf, sem):
    c = lax.axis_index("c")
    s = lax.axis_index("s")
    wid = s * NC + c

    def _table(idx_hbm, out_hbm):
        def _ch(j, carry):
            base = wid * ROWS_PER_W + j * GCH
            pltpu.sync_copy(idx_hbm.at[pl.ds(base, GCH)], idx_v)
            pltpu.async_copy(fe_hbm.at[idx_v], gbuf, sem).wait()
            pltpu.sync_copy(gbuf, out_hbm.at[pl.ds(base, GCH)])
            return carry

        lax.fori_loop(0, ROWS_PER_W // GCH, _ch, 0)

    _table(uidx_hbm, ue_hbm)
    _table(iidx_hbm, ie_hbm)


_sc_gather = pl.kernel(
    _sc_gather_body,
    out_type=[
        jax.ShapeDtypeStruct((BATCH, 2 * DD), jnp.float32),
        jax.ShapeDtypeStruct((BATCH, 2 * DD), jnp.float32),
    ],
    mesh=plsc.VectorSubcoreMesh(core_axis_name="c", subcore_axis_name="s"),
    scratch_types=[
        pltpu.VMEM((GCH,), jnp.int32),
        pltpu.VMEM((GCH, 2 * DD), jnp.float32),
        pltpu.SemaphoreType.DMA,
    ],
)


RB = 2000
NB = NN // RB


def _tc_pre_body(f_ref, wl_ref, wi_ref, wl1_ref, wi1_ref, t_ref):
    x = f_ref[...]
    x2 = x * x
    g = (jnp.dot(x, wl_ref[...], preferred_element_type=jnp.float32,
                  precision=lax.Precision.HIGHEST)
         + jnp.dot(x2, wi_ref[...], preferred_element_type=jnp.float32,
                  precision=lax.Precision.HIGHEST))
    h = (jnp.dot(x, wl1_ref[...], preferred_element_type=jnp.float32,
                  precision=lax.Precision.HIGHEST)
         + jnp.dot(x2, wi1_ref[...], preferred_element_type=jnp.float32,
                  precision=lax.Precision.HIGHEST))
    t_ref[...] = jnp.concatenate([g, h], axis=1)


_tc_pre = pl.pallas_call(
    _tc_pre_body,
    grid=(NB,),
    in_specs=[
        pl.BlockSpec((RB, DD), lambda i: (i, 0)),
        pl.BlockSpec((DD, DD), lambda i: (0, 0)),
        pl.BlockSpec((DD, DD), lambda i: (0, 0)),
        pl.BlockSpec((DD, DD), lambda i: (0, 0)),
        pl.BlockSpec((DD, DD), lambda i: (0, 0)),
    ],
    out_specs=pl.BlockSpec((RB, 2 * DD), lambda i: (i, 0)),
    out_shape=jax.ShapeDtypeStruct((NN, 2 * DD), jnp.float32),
)


FRB = 2000
FNB = NN // FRB


def _tc_fin_body(fe_ref, f_ref, out_ref):
    out_ref[...] = jnp.concatenate([f_ref[...], fe_ref[...][:, DD:]], axis=1)


_tc_fin = pl.pallas_call(
    _tc_fin_body,
    grid=(FNB,),
    in_specs=[
        pl.BlockSpec((FRB, 2 * DD), lambda i: (i, 0)),
        pl.BlockSpec((FRB, DD), lambda i: (i, 0)),
    ],
    out_specs=pl.BlockSpec((FRB, 2 * DD), lambda i: (i, 0)),
    out_shape=jax.ShapeDtypeStruct((NN, 2 * DD), jnp.float32),
    input_output_aliases={0: 0},
)


HB = 2048
HNB = BATCH // HB


def _tc_head_body(u_ref, i_ref, w1u_ref, w1i_ref, b1_ref, w2_ref, b2_ref,
                  w3_ref, b3_ref, out_ref):
    u = u_ref[...]
    it = i_ref[...]
    h = (jnp.dot(u, w1u_ref[...], preferred_element_type=jnp.float32,
                  precision=lax.Precision.HIGHEST)
         + jnp.dot(it, w1i_ref[...], preferred_element_type=jnp.float32,
                  precision=lax.Precision.HIGHEST)
         + b1_ref[...])
    h = jnp.maximum(h, 0.0)
    h2 = jnp.dot(h, w2_ref[...], preferred_element_type=jnp.float32,
                  precision=lax.Precision.HIGHEST) + b2_ref[...]
    p = jnp.sum(h2 * w3_ref[...], axis=1, keepdims=True) + b3_ref[...]
    out_ref[...] = p


_tc_head = pl.pallas_call(
    _tc_head_body,
    grid=(HNB,),
    in_specs=[
        pl.BlockSpec((HB, 2 * DD), lambda i: (i, 0)),
        pl.BlockSpec((HB, 2 * DD), lambda i: (i, 0)),
        pl.BlockSpec((2 * DD, DD), lambda i: (0, 0)),
        pl.BlockSpec((2 * DD, DD), lambda i: (0, 0)),
        pl.BlockSpec((1, DD), lambda i: (0, 0)),
        pl.BlockSpec((DD, HALF), lambda i: (0, 0)),
        pl.BlockSpec((1, HALF), lambda i: (0, 0)),
        pl.BlockSpec((1, HALF), lambda i: (0, 0)),
        pl.BlockSpec((1, 1), lambda i: (0, 0)),
    ],
    out_specs=pl.BlockSpec((HB, 1), lambda i: (i, 0)),
    out_shape=jax.ShapeDtypeStruct((BATCH, 1), jnp.float32),
)



@jax.jit
def kernel(userIdx, itemIdx, L_row, L_col, L_val, L3_row, L3_col, L3_val,
           uEmbd, iEmbd, W_lin, b_lin, W_lin1, b_lin1, W_inter, b_inter,
           W_inter1, b_inter1, W1, b1, W2, b2, W3, b3):
    uidx = userIdx.astype(jnp.int32)
    iidx = (itemIdx + USER_N).astype(jnp.int32)

    F = jnp.concatenate([uEmbd, iEmbd], axis=0)
    npad = PADE - TOT_E
    pidx = jnp.arange(npad, dtype=jnp.int32) * 7 % NN
    cat_row = jnp.concatenate(
        [L_row.astype(jnp.int32), L3_row.astype(jnp.int32), pidx]).reshape(-1, CH)
    cat_col = jnp.concatenate(
        [L_col.astype(jnp.int32) * 4, L3_col.astype(jnp.int32) * 4 + 2,
         pidx * 4]).reshape(-1, CH)
    cat_val = jnp.concatenate(
        [L_val, L3_val, jnp.zeros((npad,), jnp.float32)]).reshape(-1, CH)

    t_wide = _tc_pre(F, W_lin, W_inter, W_lin1, W_inter1)
    t4 = t_wide.reshape(4 * NN, HALF)

    bsum = (b_lin + b_inter + b_lin1 + b_inter1).reshape(2, HALF)
    fe_half = _sc_spmm(cat_row, cat_col, cat_val, t4, bsum)

    final_embd = _tc_fin(fe_half, F)

    u_embd, i_embd = _sc_gather(final_embd, uidx, iidx)

    pred = _tc_head(u_embd, i_embd, W1[:2 * DD], W1[2 * DD:],
                    b1.reshape(1, DD), W2, b2.reshape(1, HALF),
                    W3.reshape(1, HALF), b3.reshape(1, 1))
    return (pred.reshape(BATCH), u_embd, i_embd, final_embd)

# --- scband reference (transcript-rebuilt; emitter-appended) ---
"""Pipeline reference for scband-gcf-21706764714013 (READ-ONLY COPY).

The authoritative reference and input builder live on the scoring server;
editing this copy changes nothing except your own understanding.
"""

import jax, jax.numpy as jnp
import numpy as np

USER_NUM = 25000
ITEM_NUM = 25000
N = USER_NUM + ITEM_NUM
E = 800000
D = 64
B = 16384


def _spmm(row, col, val, x, n):
    # sparse (COO) @ dense  ==  gather rows of x by col, scale by val, scatter-add by row
    return jax.ops.segment_sum(val[:, None] * x[col], row, num_segments=n)


def setup_inputs(seed: int = 0) -> dict:
    key = jax.random.key(seed)
    ks = jax.random.split(key, 32)
    inp = {}
    inp["userIdx"] = jax.random.randint(ks[0], (B,), 0, USER_NUM)
    inp["itemIdx"] = jax.random.randint(ks[1], (B,), 0, ITEM_NUM)
    # normalized symmetric Laplacian (LaplacianMat) as COO
    inp["L_row"] = jax.random.randint(ks[2], (E,), 0, N)
    inp["L_col"] = jax.random.randint(ks[3], (E,), 0, N)
    inp["L_val"] = jax.random.uniform(ks[4], (E,), dtype=jnp.float32) / 16.0
    # UILaplacianMat as COO
    inp["L3_row"] = jax.random.randint(ks[5], (E,), 0, N)
    inp["L3_col"] = jax.random.randint(ks[6], (E,), 0, N)
    inp["L3_val"] = jax.random.uniform(ks[7], (E,), dtype=jnp.float32) / 16.0
    # embedding tables
    inp["uEmbd"] = jax.random.normal(ks[8], (USER_NUM, D), dtype=jnp.float32) * 0.1
    inp["iEmbd"] = jax.random.normal(ks[9], (ITEM_NUM, D), dtype=jnp.float32) * 0.1
    s = 1.0 / np.sqrt(D)
    # GNNLayer params (layers=[64,64] -> exactly one GNNLayer)
    inp["W_lin"] = jax.random.uniform(ks[10], (D, D), minval=-s, maxval=s, dtype=jnp.float32)
    inp["b_lin"] = jax.random.uniform(ks[11], (D,), minval=-s, maxval=s, dtype=jnp.float32)
    inp["W_lin1"] = jax.random.uniform(ks[12], (D, D), minval=-s, maxval=s, dtype=jnp.float32)
    inp["b_lin1"] = jax.random.uniform(ks[13], (D,), minval=-s, maxval=s, dtype=jnp.float32)
    inp["W_inter"] = jax.random.uniform(ks[14], (D, D), minval=-s, maxval=s, dtype=jnp.float32)
    inp["b_inter"] = jax.random.uniform(ks[15], (D,), minval=-s, maxval=s, dtype=jnp.float32)
    inp["W_inter1"] = jax.random.uniform(ks[16], (D, D), minval=-s, maxval=s, dtype=jnp.float32)
    inp["b_inter1"] = jax.random.uniform(ks[17], (D,), minval=-s, maxval=s, dtype=jnp.float32)
    # transForm heads: finalEmbd dim = 2*D = 128; concat(user, item) = 256
    s1 = 1.0 / np.sqrt(4 * D)
    inp["W1"] = jax.random.uniform(ks[18], (4 * D, 64), minval=-s1, maxval=s1, dtype=jnp.float32)
    inp["b1"] = jax.random.uniform(ks[19], (64,), minval=-s1, maxval=s1, dtype=jnp.float32)
    s2 = 1.0 / np.sqrt(64)
    inp["W2"] = jax.random.uniform(ks[20], (64, 32), minval=-s2, maxval=s2, dtype=jnp.float32)
    inp["b2"] = jax.random.uniform(ks[21], (32,), minval=-s2, maxval=s2, dtype=jnp.float32)
    s3 = 1.0 / np.sqrt(32)
    inp["W3"] = jax.random.uniform(ks[22], (32, 1), minval=-s3, maxval=s3, dtype=jnp.float32)
    inp["b3"] = jax.random.uniform(ks[23], (1,), minval=-s3, maxval=s3, dtype=jnp.float32)
    return inp


def reference(userIdx, itemIdx, L_row, L_col, L_val, L3_row, L3_col, L3_val,
              uEmbd, iEmbd, W_lin, b_lin, W_lin1, b_lin1, W_inter, b_inter,
              W_inter1, b_inter1, W1, b1, W2, b2, W3, b3):
    # getFeatureMat: full-table gather of user + item embeddings
    features = jnp.concatenate([uEmbd, iEmbd], axis=0)
    finalEmbd = features
    # single GNNLayer (GCF with layers=[64,64])
    inter_feature = features * features
    inter_part1 = _spmm(L_row, L_col, L_val, features, N) @ W_lin + b_lin
    inter_part2 = _spmm(L_row, L_col, L_val, inter_feature, N) @ W_inter + b_inter
    inter_partw = _spmm(L3_row, L3_col, L3_val, features, N) @ W_lin1 + b_lin1
    inter_partw2 = _spmm(L3_row, L3_col, L3_val, inter_feature, N) @ W_inter1 + b_inter1
    features = jax.nn.relu(inter_part1 + inter_partw + inter_part2 + inter_partw2)
    finalEmbd = jnp.concatenate([finalEmbd, features], axis=1)
    userEmbd = finalEmbd[userIdx]
    itemEmbd = finalEmbd[itemIdx + USER_NUM]
    embd = jnp.concatenate([userEmbd, itemEmbd], axis=1)
    embd = jax.nn.relu(embd @ W1 + b1)
    embd = embd @ W2 + b2
    embd = embd @ W3 + b3
    prediction = embd.flatten()
    return (prediction, userEmbd, itemEmbd, finalEmbd)

if __name__ == "__main__":
    import jax
    _d = setup_inputs()
    print(jax.jit(kernel)(*tuple(_d.values())))

</pallas_src>

<mosaic_0001>
#map = affine_map<(d0, d1) -> (0, 0)>
module attributes {stable_mosaic.version = 14 : i64} {
  func.func @_sc_spmm_body(%arg0: i32, %arg1: i32, %arg2: memref<12544x128xi32, #tpu.memory_space<hbm>>, %arg3: memref<12544x128xi32, #tpu.memory_space<hbm>>, %arg4: memref<12544x128xf32, #tpu.memory_space<hbm>>, %arg5: memref<200000x32xf32, #tpu.memory_space<hbm>>, %arg6: memref<2x32xf32, #tpu.memory_space<hbm>>, %arg7: memref<50000x128xf32, #tpu.memory_space<hbm>>, %arg8: memref<16x128xi32, #tpu.memory_space<vmem>>, %arg9: memref<16x128xi32, #tpu.memory_space<vmem>>, %arg10: memref<16x128xf32, #tpu.memory_space<vmem>>, %arg11: memref<4x128xi32, #tpu.memory_space<vmem>>, %arg12: memref<4x128x32xf32, #tpu.memory_space<vmem>>, %arg13: memref<136x32xf32, #tpu.memory_space<vmem>>, %arg14: memref<32xf32, #tpu.memory_space<vmem>>, %arg15: memref<50048x32xf32, #tpu.memory_space<vmem_shared>>, %arg16: memref<4x!tpu.dma_semaphore, #tpu.memory_space<semaphore_mem>>, %arg17: memref<4x!tpu.dma_semaphore, #tpu.memory_space<semaphore_mem>>) attributes {dimension_semantics = [#tpu.dimension_semantics<core_parallel>, #tpu.dimension_semantics<subcore_parallel>], iteration_bounds = array<i64: 2, 16>, scalar_prefetch = 0 : i64, scratch_operands = 10 : i64, tpu.core_type = #tpu.core_type<sc_vector_subcore>, window_params = [{transform_indices = #map}, {transform_indices = #map}, {transform_indices = #map}, {transform_indices = #map}, {transform_indices = #map}, {transform_indices = #map}]} {
    %scan3A = arith.constant 0 : i32
    %scan3A_0 = arith.constant 0 : i32
    %scan3A_1 = arith.constant 136 : i32
    %scan3A_2 = arith.addi %scan3A_0, %scan3A_1 : i32
    %scan3A_3 = arith.constant 1 : i32
    scf.for %scan3A_249 = %scan3A_0 to %scan3A_2 step %scan3A_3  : i32 {
      %broadcast_in_dim3A = arith.constant 0.000000e+00 : f32
      %broadcast_in_dim3A_250 = vector.broadcast %broadcast_in_dim3A : f32 to vector<16xf32>
      %swap3A_251 = arith.index_cast %scan3A_249 : i32 to index
      %swap3A_252 = arith.constant 0 : index
      %swap3A_253 = tpu.vector_load %arg13[%swap3A_251, %swap3A_252] {strides = array<i32>} : memref<136x32xf32, #tpu.memory_space<vmem>>, vector<1x16xf32>,
      %swap3A_254 = vector.shape_cast %swap3A_253 : vector<1x16xf32> to vector<16xf32>
      %swap3A_255 = vector.shape_cast %broadcast_in_dim3A_250 : vector<16xf32> to vector<1x16xf32>
      tpu.vector_store %arg13[%swap3A_251, %swap3A_252], %swap3A_255 {strides = array<i32>} : memref<136x32xf32, #tpu.memory_space<vmem>>, vector<1x16xf32>,
      %broadcast_in_dim3A_256 = arith.constant 0.000000e+00 : f32
      %broadcast_in_dim3A_257 = vector.broadcast %broadcast_in_dim3A_256 : f32 to vector<16xf32>
      %swap3A_258 = arith.index_cast %scan3A_249 : i32 to index
      %swap3A_259 = arith.constant 16 : index
      %swap3A_260 = tpu.vector_load %arg13[%swap3A_258, %swap3A_259] {strides = array<i32>} : memref<136x32xf32, #tpu.memory_space<vmem>>, vector<1x16xf32>,
      %swap3A_261 = vector.shape_cast %swap3A_260 : vector<1x16xf32> to vector<16xf32>
      %swap3A_262 = vector.shape_cast %broadcast_in_dim3A_257 : vector<16xf32> to vector<1x16xf32>
      tpu.vector_store %arg13[%swap3A_258, %swap3A_259], %swap3A_262 {strides = array<i32>} : memref<136x32xf32, #tpu.memory_space<vmem>>, vector<1x16xf32>,
    }
    %scan3A_4 = arith.constant 136 : i32
    %scan3A_5 = arith.constant 0 : i32
    %scan3A_6 = arith.constant 0 : i32
    %scan3A_7 = arith.constant 23 : i32
    %scan3A_8 = arith.addi %scan3A_6, %scan3A_7 : i32
    %scan3A_9 = arith.constant 1 : i32
    scf.for %scan3A_249 = %scan3A_6 to %scan3A_8 step %scan3A_9  : i32 {
      %mul3A_250 = arith.constant 3128 : i32
      %mul3A_251 = arith.muli %arg1, %mul3A_250 : i32
      %mul3A_252 = arith.constant 136 : i32
      %mul3A_253 = arith.muli %scan3A_249, %mul3A_252 : i32
      %add3A_254 = arith.addi %mul3A_251, %mul3A_253 : i32
      "tpu.region"() ({
        %run_scoped3A = tpu.sem_alloc : memref<!tpu.dma_semaphore, #tpu.memory_space<semaphore_mem>>
        %dma_start3A_255 = arith.constant 0 : i32
        %dma_start3A_256 = tpu.memref_slice %arg15[%add3A_254, %dma_start3A_255] : memref<50048x32xf32, #tpu.memory_space<vmem_shared>> -> memref<136x32xf32, #tpu.memory_space<vmem_shared>>
        %dma_start3A_257 = arith.constant 0 : i32
        %dma_start3A_258 = tpu.memref_slice %arg15[%add3A_254, %dma_start3A_257] : memref<50048x32xf32, #tpu.memory_space<vmem_shared>> -> memref<136x32xf32, #tpu.memory_space<vmem_shared>>
        tpu.enqueue_dma source(%arg13 : memref<136x32xf32, #tpu.memory_space<vmem>>) target(%dma_start3A_258 : memref<136x32xf32, #tpu.memory_space<vmem_shared>>) target_semaphore(%run_scoped3A : memref<!tpu.dma_semaphore, #tpu.memory_space<semaphore_mem>>)
        %dma_wait3A_259 = arith.constant 0 : i32
        %dma_wait3A_260 = tpu.memref_slice %arg15[%add3A_254, %dma_wait3A_259] : memref<50048x32xf32, #tpu.memory_space<vmem_shared>> -> memref<136x32xf32, #tpu.memory_space<vmem_shared>>
        %dma_wait3A_261 = arith.constant 0 : i32
        %dma_wait3A_262 = tpu.memref_slice %arg15[%add3A_254, %dma_wait3A_261] : memref<50048x32xf32, #tpu.memory_space<vmem_shared>> -> memref<136x32xf32, #tpu.memory_space<vmem_shared>>
        tpu.wait_dma2 semaphore(%run_scoped3A : memref<!tpu.dma_semaphore, #tpu.memory_space<semaphore_mem>>) src(%arg13 : memref<136x32xf32, #tpu.memory_space<vmem>>) dst(%dma_wait3A_262 : memref<136x32xf32, #tpu.memory_space<vmem_shared>>)
        tpu.yield
      }) : () -> ()
    }
    %scan3A_10 = arith.constant 23 : i32
    %barrier3A = arith.constant 0 : index
    tpu.barrier barrier_id(%barrier3A)
    %mul3A = arith.constant 784 : i32
    %mul3A_11 = arith.muli %arg1, %mul3A : i32
    %add3A = arith.constant 0 : i32
    %add3A_12 = arith.addi %mul3A_11, %add3A : i32
    "tpu.region"() ({
      %run_scoped3A = tpu.sem_alloc : memref<!tpu.dma_semaphore, #tpu.memory_space<semaphore_mem>>
      %dma_start3A_249 = arith.constant 0 : i32
      %dma_start3A_250 = tpu.memref_slice %arg2[%add3A_12, %dma_start3A_249] : memref<12544x128xi32, #tpu.memory_space<hbm>> -> memref<16x128xi32, #tpu.memory_space<hbm>>
      %dma_start3A_251 = arith.constant 0 : i32
      %dma_start3A_252 = tpu.memref_slice %arg2[%add3A_12, %dma_start3A_251] : memref<12544x128xi32, #tpu.memory_space<hbm>> -> memref<16x128xi32, #tpu.memory_space<hbm>>
      tpu.enqueue_dma source(%dma_start3A_252 : memref<16x128xi32, #tpu.memory_space<hbm>>) target(%arg8 : memref<16x128xi32, #tpu.memory_space<vmem>>) target_semaphore(%run_scoped3A : memref<!tpu.dma_semaphore, #tpu.memory_space<semaphore_mem>>)
      %dma_wait3A_253 = arith.constant 0 : i32
      %dma_wait3A_254 = tpu.memref_slice %arg2[%add3A_12, %dma_wait3A_253] : memref<12544x128xi32, #tpu.memory_space<hbm>> -> memref<16x128xi32, #tpu.memory_space<hbm>>
      %dma_wait3A_255 = arith.constant 0 : i32
      %dma_wait3A_256 = tpu.memref_slice %arg2[%add3A_12, %dma_wait3A_255] : memref<12544x128xi32, #tpu.memory_space<hbm>> -> memref<16x128xi32, #tpu.memory_space<hbm>>
      tpu.wait_dma2 semaphore(%run_scoped3A : memref<!tpu.dma_semaphore, #tpu.memory_space<semaphore_mem>>) src(%dma_wait3A_256 : memref<16x128xi32, #tpu.memory_space<hbm>>) dst(%arg8 : memref<16x128xi32, #tpu.memory_space<vmem>>)
      tpu.yield
    }) : () -> ()
    "tpu.region"() ({
      %run_scoped3A = tpu.sem_alloc : memref<!tpu.dma_semaphore, #tpu.memory_space<semaphore_mem>>
      %dma_start3A_249 = arith.constant 0 : i32
      %dma_start3A_250 = tpu.memref_slice %arg3[%add3A_12, %dma_start3A_249] : memref<12544x128xi32, #tpu.memory_space<hbm>> -> memref<16x128xi32, #tpu.memory_space<hbm>>
      %dma_start3A_251 = arith.constant 0 : i32
      %dma_start3A_252 = tpu.memref_slice %arg3[%add3A_12, %dma_start3A_251] : memref<12544x128xi32, #tpu.memory_space<hbm>> -> memref<16x128xi32, #tpu.memory_space<hbm>>
      tpu.enqueue_dma source(%dma_start3A_252 : memref<16x128xi32, #tpu.memory_space<hbm>>) target(%arg9 : memref<16x128xi32, #tpu.memory_space<vmem>>) target_semaphore(%run_scoped3A : memref<!tpu.dma_semaphore, #tpu.memory_space<semaphore_mem>>)
      %dma_wait3A_253 = arith.constant 0 : i32
      %dma_wait3A_254 = tpu.memref_slice %arg3[%add3A_12, %dma_wait3A_253] : memref<12544x128xi32, #tpu.memory_space<hbm>> -> memref<16x128xi32, #tpu.memory_space<hbm>>
      %dma_wait3A_255 = arith.constant 0 : i32
      %dma_wait3A_256 = tpu.memref_slice %arg3[%add3A_12, %dma_wait3A_255] : memref<12544x128xi32, #tpu.memory_space<hbm>> -> memref<16x128xi32, #tpu.memory_space<hbm>>
      tpu.wait_dma2 semaphore(%run_scoped3A : memref<!tpu.dma_semaphore, #tpu.memory_space<semaphore_mem>>) src(%dma_wait3A_256 : memref<16x128xi32, #tpu.memory_space<hbm>>) dst(%arg9 : memref<16x128xi32, #tpu.memory_space<vmem>>)
      tpu.yield
    }) : () -> ()
    "tpu.region"() ({
      %run_scoped3A = tpu.sem_alloc : memref<!tpu.dma_semaphore, #tpu.memory_space<semaphore_mem>>
      %dma_start3A_249 = arith.constant 0 : i32
      %dma_start3A_250 = tpu.memref_slice %arg4[%add3A_12, %dma_start3A_249] : memref<12544x128xf32, #tpu.memory_space<hbm>> -> memref<16x128xf32, #tpu.memory_space<hbm>>
      %dma_start3A_251 = arith.constant 0 : i32
      %dma_start3A_252 = tpu.memref_slice %arg4[%add3A_12, %dma_start3A_251] : memref<12544x128xf32, #tpu.memory_space<hbm>> -> memref<16x128xf32, #tpu.memory_space<hbm>>
      tpu.enqueue_dma source(%dma_start3A_252 : memref<16x128xf32, #tpu.memory_space<hbm>>) target(%arg10 : memref<16x128xf32, #tpu.memory_space<vmem>>) target_semaphore(%run_scoped3A : memref<!tpu.dma_semaphore, #tpu.memory_space<semaphore_mem>>)
      %dma_wait3A_253 = arith.constant 0 : i32
      %dma_wait3A_254 = tpu.memref_slice %arg4[%add3A_12, %dma_wait3A_253] : memref<12544x128xf32, #tpu.memory_space<hbm>> -> memref<16x128xf32, #tpu.memory_space<hbm>>
      %dma_wait3A_255 = arith.constant 0 : i32
      %dma_wait3A_256 = tpu.memref_slice %arg4[%add3A_12, %dma_wait3A_255] : memref<12544x128xf32, #tpu.memory_space<hbm>> -> memref<16x128xf32, #tpu.memory_space<hbm>>
      tpu.wait_dma2 semaphore(%run_scoped3A : memref<!tpu.dma_semaphore, #tpu.memory_space<semaphore_mem>>) src(%dma_wait3A_256 : memref<16x128xf32, #tpu.memory_space<hbm>>) dst(%arg10 : memref<16x128xf32, #tpu.memory_space<vmem>>)
      tpu.yield
    }) : () -> ()
    %rem3A = arith.constant 0 : i32
    %rem3A_13 = arith.constant 16 : i32
    %rem3A_14 = arith.remsi %rem3A, %rem3A_13 : i32
    %rem3A_15 = arith.constant 0 : i32
    %rem3A_16 = arith.constant 4 : i32
    %rem3A_17 = arith.remsi %rem3A_15, %rem3A_16 : i32
    %scan3A_18 = arith.constant 0 : i32
    %scan3A_19 = arith.constant 0 : i32
    %mul3A_20 = arith.constant 16 : i32
    %mul3A_21 = arith.muli %scan3A_19, %mul3A_20 : i32
    %get3A = arith.index_cast %rem3A_14 : i32 to index
    %get3A_22 = arith.index_cast %mul3A_21 : i32 to index
    %get3A_23 = tpu.vector_load %arg9[%get3A, %get3A_22] {strides = array<i32>} : memref<16x128xi32, #tpu.memory_space<vmem>>, vector<1x16xi32>,
    %get3A_24 = vector.shape_cast %get3A_23 : vector<1x16xi32> to vector<16xi32>
    %add3A_25 = vector.broadcast %arg0 : i32 to vector<16xi32>
    %add3A_26 = arith.addi %get3A_24, %add3A_25 : vector<16xi32>
    %mul3A_27 = arith.constant 16 : i32
    %mul3A_28 = arith.muli %scan3A_19, %mul3A_27 : i32
    %swap3A = arith.index_cast %rem3A_17 : i32 to index
    %swap3A_29 = arith.index_cast %mul3A_28 : i32 to index
    %swap3A_30 = tpu.vector_load %arg11[%swap3A, %swap3A_29] {strides = array<i32>} : memref<4x128xi32, #tpu.memory_space<vmem>>, vector<1x16xi32>,
    %swap3A_31 = vector.shape_cast %swap3A_30 : vector<1x16xi32> to vector<16xi32>
    %swap3A_32 = vector.shape_cast %add3A_26 : vector<16xi32> to vector<1x16xi32>
    tpu.vector_store %arg11[%swap3A, %swap3A_29], %swap3A_32 {strides = array<i32>} : memref<4x128xi32, #tpu.memory_space<vmem>>, vector<1x16xi32>,
    %scan3A_33 = arith.constant 1 : i32
    %mul3A_34 = arith.constant 16 : i32
    %mul3A_35 = arith.muli %scan3A_33, %mul3A_34 : i32
    %get3A_36 = arith.index_cast %rem3A_14 : i32 to index
    %get3A_37 = arith.index_cast %mul3A_35 : i32 to index
    %get3A_38 = tpu.vector_load %arg9[%get3A_36, %get3A_37] {strides = array<i32>} : memref<16x128xi32, #tpu.memory_space<vmem>>, vector<1x16xi32>,
    %get3A_39 = vector.shape_cast %get3A_38 : vector<1x16xi32> to vector<16xi32>
    %add3A_40 = vector.broadcast %arg0 : i32 to vector<16xi32>
    %add3A_41 = arith.addi %get3A_39, %add3A_40 : vector<16xi32>
    %mul3A_42 = arith.constant 16 : i32
    %mul3A_43 = arith.muli %scan3A_33, %mul3A_42 : i32
    %swap3A_44 = arith.index_cast %rem3A_17 : i32 to index
    %swap3A_45 = arith.index_cast %mul3A_43 : i32 to index
    %swap3A_46 = tpu.vector_load %arg11[%swap3A_44, %swap3A_45] {strides = array<i32>} : memref<4x128xi32, #tpu.memory_space<vmem>>, vector<1x16xi32>,
    %swap3A_47 = vector.shape_cast %swap3A_46 : vector<1x16xi32> to vector<16xi32>
    %swap3A_48 = vector.shape_cast %add3A_41 : vector<16xi32> to vector<1x16xi32>
    tpu.vector_store %arg11[%swap3A_44, %swap3A_45], %swap3A_48 {strides = array<i32>} : memref<4x128xi32, #tpu.memory_space<vmem>>, vector<1x16xi32>,
    %scan3A_49 = arith.constant 2 : i32
    %mul3A_50 = arith.constant 16 : i32
    %mul3A_51 = arith.muli %scan3A_49, %mul3A_50 : i32
    %get3A_52 = arith.index_cast %rem3A_14 : i32 to index
    %get3A_53 = arith.index_cast %mul3A_51 : i32 to index
    %get3A_54 = tpu.vector_load %arg9[%get3A_52, %get3A_53] {strides = array<i32>} : memref<16x128xi32, #tpu.memory_space<vmem>>, vector<1x16xi32>,
    %get3A_55 = vector.shape_cast %get3A_54 : vector<1x16xi32> to vector<16xi32>
    %add3A_56 = vector.broadcast %arg0 : i32 to vector<16xi32>
    %add3A_57 = arith.addi %get3A_55, %add3A_56 : vector<16xi32>
    %mul3A_58 = arith.constant 16 : i32
    %mul3A_59 = arith.muli %scan3A_49, %mul3A_58 : i32
    %swap3A_60 = arith.index_cast %rem3A_17 : i32 to index
    %swap3A_61 = arith.index_cast %mul3A_59 : i32 to index
    %swap3A_62 = tpu.vector_load %arg11[%swap3A_60, %swap3A_61] {strides = array<i32>} : memref<4x128xi32, #tpu.memory_space<vmem>>, vector<1x16xi32>,
    %swap3A_63 = vector.shape_cast %swap3A_62 : vector<1x16xi32> to vector<16xi32>
    %swap3A_64 = vector.shape_cast %add3A_57 : vector<16xi32> to vector<1x16xi32>
    tpu.vector_store %arg11[%swap3A_60, %swap3A_61], %swap3A_64 {strides = array<i32>} : memref<4x128xi32, #tpu.memory_space<vmem>>, vector<1x16xi32>,
    %scan3A_65 = arith.constant 3 : i32
    %mul3A_66 = arith.constant 16 : i32
    %mul3A_67 = arith.muli %scan3A_65, %mul3A_66 : i32
    %get3A_68 = arith.index_cast %rem3A_14 : i32 to index
    %get3A_69 = arith.index_cast %mul3A_67 : i32 to index
    %get3A_70 = tpu.vector_load %arg9[%get3A_68, %get3A_69] {strides = array<i32>} : memref<16x128xi32, #tpu.memory_space<vmem>>, vector<1x16xi32>,
    %get3A_71 = vector.shape_cast %get3A_70 : vector<1x16xi32> to vector<16xi32>
    %add3A_72 = vector.broadcast %arg0 : i32 to vector<16xi32>
    %add3A_73 = arith.addi %get3A_71, %add3A_72 : vector<16xi32>
    %mul3A_74 = arith.constant 16 : i32
    %mul3A_75 = arith.muli %scan3A_65, %mul3A_74 : i32
    %swap3A_76 = arith.index_cast %rem3A_17 : i32 to index
    %swap3A_77 = arith.index_cast %mul3A_75 : i32 to index
    %swap3A_78 = tpu.vector_load %arg11[%swap3A_76, %swap3A_77] {strides = array<i32>} : memref<4x128xi32, #tpu.memory_space<vmem>>, vector<1x16xi32>,
    %swap3A_79 = vector.shape_cast %swap3A_78 : vector<1x16xi32> to vector<16xi32>
    %swap3A_80 = vector.shape_cast %add3A_73 : vector<16xi32> to vector<1x16xi32>
    tpu.vector_store %arg11[%swap3A_76, %swap3A_77], %swap3A_80 {strides = array<i32>} : memref<4x128xi32, #tpu.memory_space<vmem>>, vector<1x16xi32>,
    %scan3A_81 = arith.constant 4 : i32
    %mul3A_82 = arith.constant 16 : i32
    %mul3A_83 = arith.muli %scan3A_81, %mul3A_82 : i32
    %get3A_84 = arith.index_cast %rem3A_14 : i32 to index
    %get3A_85 = arith.index_cast %mul3A_83 : i32 to index
    %get3A_86 = tpu.vector_load %arg9[%get3A_84, %get3A_85] {strides = array<i32>} : memref<16x128xi32, #tpu.memory_space<vmem>>, vector<1x16xi32>,
    %get3A_87 = vector.shape_cast %get3A_86 : vector<1x16xi32> to vector<16xi32>
    %add3A_88 = vector.broadcast %arg0 : i32 to vector<16xi32>
    %add3A_89 = arith.addi %get3A_87, %add3A_88 : vector<16xi32>
    %mul3A_90 = arith.constant 16 : i32
    %mul3A_91 = arith.muli %scan3A_81, %mul3A_90 : i32
    %swap3A_92 = arith.index_cast %rem3A_17 : i32 to index
    %swap3A_93 = arith.index_cast %mul3A_91 : i32 to index
    %swap3A_94 = tpu.vector_load %arg11[%swap3A_92, %swap3A_93] {strides = array<i32>} : memref<4x128xi32, #tpu.memory_space<vmem>>, vector<1x16xi32>,
    %swap3A_95 = vector.shape_cast %swap3A_94 : vector<1x16xi32> to vector<16xi32>
    %swap3A_96 = vector.shape_cast %add3A_89 : vector<16xi32> to vector<1x16xi32>
    tpu.vector_store %arg11[%swap3A_92, %swap3A_93], %swap3A_96 {strides = array<i32>} : memref<4x128xi32, #tpu.memory_space<vmem>>, vector<1x16xi32>,
    %scan3A_97 = arith.constant 5 : i32
    %mul3A_98 = arith.constant 16 : i32
    %mul3A_99 = arith.muli %scan3A_97, %mul3A_98 : i32
    %get3A_100 = arith.index_cast %rem3A_14 : i32 to index
    %get3A_101 = arith.index_cast %mul3A_99 : i32 to index
    %get3A_102 = tpu.vector_load %arg9[%get3A_100, %get3A_101] {strides = array<i32>} : memref<16x128xi32, #tpu.memory_space<vmem>>, vector<1x16xi32>,
    %get3A_103 = vector.shape_cast %get3A_102 : vector<1x16xi32> to vector<16xi32>
    %add3A_104 = vector.broadcast %arg0 : i32 to vector<16xi32>
    %add3A_105 = arith.addi %get3A_103, %add3A_104 : vector<16xi32>
    %mul3A_106 = arith.constant 16 : i32
    %mul3A_107 = arith.muli %scan3A_97, %mul3A_106 : i32
    %swap3A_108 = arith.index_cast %rem3A_17 : i32 to index
    %swap3A_109 = arith.index_cast %mul3A_107 : i32 to index
    %swap3A_110 = tpu.vector_load %arg11[%swap3A_108, %swap3A_109] {strides = array<i32>} : memref<4x128xi32, #tpu.memory_space<vmem>>, vector<1x16xi32>,
    %swap3A_111 = vector.shape_cast %swap3A_110 : vector<1x16xi32> to vector<16xi32>
    %swap3A_112 = vector.shape_cast %add3A_105 : vector<16xi32> to vector<1x16xi32>
    tpu.vector_store %arg11[%swap3A_108, %swap3A_109], %swap3A_112 {strides = array<i32>} : memref<4x128xi32, #tpu.memory_space<vmem>>, vector<1x16xi32>,
    %scan3A_113 = arith.constant 6 : i32
    %mul3A_114 = arith.constant 16 : i32
    %mul3A_115 = arith.muli %scan3A_113, %mul3A_114 : i32
    %get3A_116 = arith.index_cast %rem3A_14 : i32 to index
    %get3A_117 = arith.index_cast %mul3A_115 : i32 to index
    %get3A_118 = tpu.vector_load %arg9[%get3A_116, %get3A_117] {strides = array<i32>} : memref<16x128xi32, #tpu.memory_space<vmem>>, vector<1x16xi32>,
    %get3A_119 = vector.shape_cast %get3A_118 : vector<1x16xi32> to vector<16xi32>
    %add3A_120 = vector.broadcast %arg0 : i32 to vector<16xi32>
    %add3A_121 = arith.addi %get3A_119, %add3A_120 : vector<16xi32>
    %mul3A_122 = arith.constant 16 : i32
    %mul3A_123 = arith.muli %scan3A_113, %mul3A_122 : i32
    %swap3A_124 = arith.index_cast %rem3A_17 : i32 to index
    %swap3A_125 = arith.index_cast %mul3A_123 : i32 to index
    %swap3A_126 = tpu.vector_load %arg11[%swap3A_124, %swap3A_125] {strides = array<i32>} : memref<4x128xi32, #tpu.memory_space<vmem>>, vector<1x16xi32>,
    %swap3A_127 = vector.shape_cast %swap3A_126 : vector<1x16xi32> to vector<16xi32>
    %swap3A_128 = vector.shape_cast %add3A_121 : vector<16xi32> to vector<1x16xi32>
    tpu.vector_store %arg11[%swap3A_124, %swap3A_125], %swap3A_128 {strides = array<i32>} : memref<4x128xi32, #tpu.memory_space<vmem>>, vector<1x16xi32>,
    %scan3A_129 = arith.constant 7 : i32
    %mul3A_130 = arith.constant 16 : i32
    %mul3A_131 = arith.muli %scan3A_129, %mul3A_130 : i32
    %get3A_132 = arith.index_cast %rem3A_14 : i32 to index
    %get3A_133 = arith.index_cast %mul3A_131 : i32 to index
    %get3A_134 = tpu.vector_load %arg9[%get3A_132, %get3A_133] {strides = array<i32>} : memref<16x128xi32, #tpu.memory_space<vmem>>, vector<1x16xi32>,
    %get3A_135 = vector.shape_cast %get3A_134 : vector<1x16xi32> to vector<16xi32>
    %add3A_136 = vector.broadcast %arg0 : i32 to vector<16xi32>
    %add3A_137 = arith.addi %get3A_135, %add3A_136 : vector<16xi32>
    %mul3A_138 = arith.constant 16 : i32
    %mul3A_139 = arith.muli %scan3A_129, %mul3A_138 : i32
    %swap3A_140 = arith.index_cast %rem3A_17 : i32 to index
    %swap3A_141 = arith.index_cast %mul3A_139 : i32 to index
    %swap3A_142 = tpu.vector_load %arg11[%swap3A_140, %swap3A_141] {strides = array<i32>} : memref<4x128xi32, #tpu.memory_space<vmem>>, vector<1x16xi32>,
    %swap3A_143 = vector.shape_cast %swap3A_142 : vector<1x16xi32> to vector<16xi32>
    %swap3A_144 = vector.shape_cast %add3A_137 : vector<16xi32> to vector<1x16xi32>
    tpu.vector_store %arg11[%swap3A_140, %swap3A_141], %swap3A_144 {strides = array<i32>} : memref<4x128xi32, #tpu.memory_space<vmem>>, vector<1x16xi32>,
    %scan3A_145 = arith.constant 8 : i32
    %dma_start3A = arith.constant 0 : i32
    %dma_start3A_146 = arith.constant 0 : i32
    %dma_start3A_147 = tpu.memref_slice %arg12[%rem3A_17, %dma_start3A, %dma_start3A_146] : memref<4x128x32xf32, #tpu.memory_space<vmem>> -> memref<1x128x32xf32, #tpu.memory_space<vmem>>
    %dma_start3A_148 = tpu.memref_squeeze %dma_start3A_147 : memref<1x128x32xf32, #tpu.memory_space<vmem>> -> memref<128x32xf32, #tpu.memory_space<vmem>>
    %dma_start3A_149 = arith.constant 0 : i32
    %dma_start3A_150 = tpu.memref_slice %arg11[%rem3A_17, %dma_start3A_149] : memref<4x128xi32, #tpu.memory_space<vmem>> -> memref<1x128xi32, #tpu.memory_space<vmem>>
    %dma_start3A_151 = tpu.memref_squeeze %dma_start3A_150 : memref<1x128xi32, #tpu.memory_space<vmem>> -> memref<128xi32, #tpu.memory_space<vmem>>
    %dma_start3A_152 = arith.constant 0 : i32
    %dma_start3A_153 = arith.constant 0 : i32
    %dma_start3A_154 = tpu.memref_slice %arg5[%dma_start3A_152, %dma_start3A_153] : memref<200000x32xf32, #tpu.memory_space<hbm>> -> memref<200000x32xf32, #tpu.memory_space<hbm>>
    %dma_start3A_155 = tpu.memref_slice %arg16[%rem3A_17] : memref<4x!tpu.dma_semaphore, #tpu.memory_space<semaphore_mem>> -> memref<1x!tpu.dma_semaphore, #tpu.memory_space<semaphore_mem>>
    %dma_start3A_156 = tpu.memref_squeeze %dma_start3A_155 : memref<1x!tpu.dma_semaphore, #tpu.memory_space<semaphore_mem>> -> memref<!tpu.dma_semaphore, #tpu.memory_space<semaphore_mem>>
    tpu.enqueue_indirect_dma source(%dma_start3A_154 : memref<200000x32xf32, #tpu.memory_space<hbm>>) target(%dma_start3A_148 : memref<128x32xf32, #tpu.memory_space<vmem>>) offsets(%dma_start3A_151 : memref<128xi32, #tpu.memory_space<vmem>>) semaphore(%dma_start3A_156 : memref<!tpu.dma_semaphore, #tpu.memory_space<semaphore_mem>>)
    %scan3A_157 = arith.constant 0 : i32
    %scan3A_158 = arith.constant 0 : i32
    %scan3A_159 = arith.constant 784 : i32
    %scan3A_160 = arith.addi %scan3A_158, %scan3A_159 : i32
    %scan3A_161 = arith.constant 1 : i32
    scf.for %scan3A_249 = %scan3A_158 to %scan3A_160 step %scan3A_161  : i32 {
      %rem3A_250 = arith.constant 4 : i32
      %rem3A_251 = arith.remsi %scan3A_249, %rem3A_250 : i32
      %rem3A_252 = arith.constant 16 : i32
      %rem3A_253 = arith.remsi %scan3A_249, %rem3A_252 : i32
      %add3A_254 = arith.constant 1 : i32
      %add3A_255 = arith.addi %scan3A_249, %add3A_254 : i32
      %rem3A_256 = arith.constant 16 : i32
      %rem3A_257 = arith.remsi %add3A_255, %rem3A_256 : i32
      %rem3A_258 = arith.constant 4 : i32
      %rem3A_259 = arith.remsi %add3A_255, %rem3A_258 : i32
      %lt3A = arith.constant 784 : i32
      %lt3A_260 = arith.cmpi slt, %add3A_255, %lt3A : i32
      %ne3A = arith.constant 0 : i32
      %ne3A_261 = arith.cmpi ne, %rem3A_257, %ne3A : i32
      %and3A = arith.andi %lt3A_260, %ne3A_261 : i1
      %convert_element_type3A_262 = arith.extui %and3A : i1 to i32
      %cond3A_263 = arith.constant 0 : i32
      %cond3A_264 = arith.cmpi ne, %convert_element_type3A_262, %cond3A_263 : i32
      scf.if %cond3A_264 {
        %ge3A = arith.constant 3 : i32
        %ge3A_297 = arith.cmpi sge, %rem3A_253, %ge3A : i32
        %convert_element_type3A_298 = arith.extui %ge3A_297 : i1 to i32
        %cond3A_299 = arith.constant 0 : i32
        %cond3A_300 = arith.cmpi ne, %convert_element_type3A_298, %cond3A_299 : i32
        scf.if %cond3A_300 {
          %dma_wait3A_447 = arith.constant 0 : i32
          %dma_wait3A_448 = arith.constant 0 : i32
          %dma_wait3A_449 = arith.constant 0 : i32
          %dma_wait3A_450 = tpu.memref_slice %arg12[%rem3A_259, %dma_wait3A_448, %dma_wait3A_449] : memref<4x128x32xf32, #tpu.memory_space<vmem>> -> memref<1x128x32xf32, #tpu.memory_space<vmem>>
          %dma_wait3A_451 = tpu.memref_squeeze %dma_wait3A_450 : memref<1x128x32xf32, #tpu.memory_space<vmem>> -> memref<128x32xf32, #tpu.memory_space<vmem>>
          %dma_wait3A_452 = arith.constant 0 : i32
          %dma_wait3A_453 = tpu.memref_slice %arg8[%dma_wait3A_447, %dma_wait3A_452] : memref<16x128xi32, #tpu.memory_space<vmem>> -> memref<1x128xi32, #tpu.memory_space<vmem>>
          %dma_wait3A_454 = tpu.memref_squeeze %dma_wait3A_453 : memref<1x128xi32, #tpu.memory_space<vmem>> -> memref<128xi32, #tpu.memory_space<vmem>>
          %dma_wait3A_455 = arith.constant 0 : i32
          %dma_wait3A_456 = arith.constant 0 : i32
          %dma_wait3A_457 = tpu.memref_slice %arg15[%dma_wait3A_455, %dma_wait3A_456] : memref<50048x32xf32, #tpu.memory_space<vmem_shared>> -> memref<50048x32xf32, #tpu.memory_space<vmem_shared>>
          %dma_wait3A_458 = tpu.memref_slice %arg17[%rem3A_259] : memref<4x!tpu.dma_semaphore, #tpu.memory_space<semaphore_mem>> -> memref<1x!tpu.dma_semaphore, #tpu.memory_space<semaphore_mem>>
          %dma_wait3A_459 = tpu.memref_squeeze %dma_wait3A_458 : memref<1x!tpu.dma_semaphore, #tpu.memory_space<semaphore_mem>> -> memref<!tpu.dma_semaphore, #tpu.memory_space<semaphore_mem>>
          tpu.wait_indirect_dma semaphore(%dma_wait3A_459 : memref<!tpu.dma_semaphore, #tpu.memory_space<semaphore_mem>>) src(%dma_wait3A_451 : memref<128x32xf32, #tpu.memory_space<vmem>>) dst(%dma_wait3A_457 : memref<50048x32xf32, #tpu.memory_space<vmem_shared>>)
        } else {
        }
        %rem3A_301 = arith.constant 16 : i32
        %rem3A_302 = arith.remsi %add3A_255, %rem3A_301 : i32
        %rem3A_303 = arith.constant 4 : i32
        %rem3A_304 = arith.remsi %add3A_255, %rem3A_303 : i32
        %scan3A_305 = arith.constant 0 : i32
        %scan3A_306 = arith.constant 0 : i32
        %mul3A_307 = arith.constant 16 : i32
        %mul3A_308 = arith.muli %scan3A_306, %mul3A_307 : i32
        %get3A_309 = arith.index_cast %rem3A_302 : i32 to index
        %get3A_310 = arith.index_cast %mul3A_308 : i32 to index
        %get3A_311 = tpu.vector_load %arg9[%get3A_309, %get3A_310] {strides = array<i32>} : memref<16x128xi32, #tpu.memory_space<vmem>>, vector<1x16xi32>,
        %get3A_312 = vector.shape_cast %get3A_311 : vector<1x16xi32> to vector<16xi32>
        %add3A_313 = vector.broadcast %arg0 : i32 to vector<16xi32>
        %add3A_314 = arith.addi %get3A_312, %add3A_313 : vector<16xi32>
        %mul3A_315 = arith.constant 16 : i32
        %mul3A_316 = arith.muli %scan3A_306, %mul3A_315 : i32
        %swap3A_317 = arith.index_cast %rem3A_304 : i32 to index
        %swap3A_318 = arith.index_cast %mul3A_316 : i32 to index
        %swap3A_319 = tpu.vector_load %arg11[%swap3A_317, %swap3A_318] {strides = array<i32>} : memref<4x128xi32, #tpu.memory_space<vmem>>, vector<1x16xi32>,
        %swap3A_320 = vector.shape_cast %swap3A_319 : vector<1x16xi32> to vector<16xi32>
        %swap3A_321 = vector.shape_cast %add3A_314 : vector<16xi32> to vector<1x16xi32>
        tpu.vector_store %arg11[%swap3A_317, %swap3A_318], %swap3A_321 {strides = array<i32>} : memref<4x128xi32, #tpu.memory_space<vmem>>, vector<1x16xi32>,
        %scan3A_322 = arith.constant 1 : i32
        %mul3A_323 = arith.constant 16 : i32
        %mul3A_324 = arith.muli %scan3A_322, %mul3A_323 : i32
        %get3A_325 = arith.index_cast %rem3A_302 : i32 to index
        %get3A_326 = arith.index_cast %mul3A_324 : i32 to index
        %get3A_327 = tpu.vector_load %arg9[%get3A_325, %get3A_326] {strides = array<i32>} : memref<16x128xi32, #tpu.memory_space<vmem>>, vector<1x16xi32>,
        %get3A_328 = vector.shape_cast %get3A_327 : vector<1x16xi32> to vector<16xi32>
        %add3A_329 = vector.broadcast %arg0 : i32 to vector<16xi32>
        %add3A_330 = arith.addi %get3A_328, %add3A_329 : vector<16xi32>
        %mul3A_331 = arith.constant 16 : i32
        %mul3A_332 = arith.muli %scan3A_322, %mul3A_331 : i32
        %swap3A_333 = arith.index_cast %rem3A_304 : i32 to index
        %swap3A_334 = arith.index_cast %mul3A_332 : i32 to index
        %swap3A_335 = tpu.vector_load %arg11[%swap3A_333, %swap3A_334] {strides = array<i32>} : memref<4x128xi32, #tpu.memory_space<vmem>>, vector<1x16xi32>,
        %swap3A_336 = vector.shape_cast %swap3A_335 : vector<1x16xi32> to vector<16xi32>
        %swap3A_337 = vector.shape_cast %add3A_330 : vector<16xi32> to vector<1x16xi32>
        tpu.vector_store %arg11[%swap3A_333, %swap3A_334], %swap3A_337 {strides = array<i32>} : memref<4x128xi32, #tpu.memory_space<vmem>>, vector<1x16xi32>,
        %scan3A_338 = arith.constant 2 : i32
        %mul3A_339 = arith.constant 16 : i32
        %mul3A_340 = arith.muli %scan3A_338, %mul3A_339 : i32
        %get3A_341 = arith.index_cast %rem3A_302 : i32 to index
        %get3A_342 = arith.index_cast %mul3A_340 : i32 to index
        %get3A_343 = tpu.vector_load %arg9[%get3A_341, %get3A_342] {strides = array<i32>} : memref<16x128xi32, #tpu.memory_space<vmem>>, vector<1x16xi32>,
        %get3A_344 = vector.shape_cast %get3A_343 : vector<1x16xi32> to vector<16xi32>
        %add3A_345 = vector.broadcast %arg0 : i32 to vector<16xi32>
        %add3A_346 = arith.addi %get3A_344, %add3A_345 : vector<16xi32>
        %mul3A_347 = arith.constant 16 : i32
        %mul3A_348 = arith.muli %scan3A_338, %mul3A_347 : i32
        %swap3A_349 = arith.index_cast %rem3A_304 : i32 to index
        %swap3A_350 = arith.index_cast %mul3A_348 : i32 to index
        %swap3A_351 = tpu.vector_load %arg11[%swap3A_349, %swap3A_350] {strides = array<i32>} : memref<4x128xi32, #tpu.memory_space<vmem>>, vector<1x16xi32>,
        %swap3A_352 = vector.shape_cast %swap3A_351 : vector<1x16xi32> to vector<16xi32>
        %swap3A_353 = vector.shape_cast %add3A_346 : vector<16xi32> to vector<1x16xi32>
        tpu.vector_store %arg11[%swap3A_349, %swap3A_350], %swap3A_353 {strides = array<i32>} : memref<4x128xi32, #tpu.memory_space<vmem>>, vector<1x16xi32>,
        %scan3A_354 = arith.constant 3 : i32
        %mul3A_355 = arith.constant 16 : i32
        %mul3A_356 = arith.muli %scan3A_354, %mul3A_355 : i32
        %get3A_357 = arith.index_cast %rem3A_302 : i32 to index
        %get3A_358 = arith.index_cast %mul3A_356 : i32 to index
        %get3A_359 = tpu.vector_load %arg9[%get3A_357, %get3A_358] {strides = array<i32>} : memref<16x128xi32, #tpu.memory_space<vmem>>, vector<1x16xi32>,
        %get3A_360 = vector.shape_cast %get3A_359 : vector<1x16xi32> to vector<16xi32>
        %add3A_361 = vector.broadcast %arg0 : i32 to vector<16xi32>
        %add3A_362 = arith.addi %get3A_360, %add3A_361 : vector<16xi32>
        %mul3A_363 = arith.constant 16 : i32
        %mul3A_364 = arith.muli %scan3A_354, %mul3A_363 : i32
        %swap3A_365 = arith.index_cast %rem3A_304 : i32 to index
        %swap3A_366 = arith.index_cast %mul3A_364 : i32 to index
        %swap3A_367 = tpu.vector_load %arg11[%swap3A_365, %swap3A_366] {strides = array<i32>} : memref<4x128xi32, #tpu.memory_space<vmem>>, vector<1x16xi32>,
        %swap3A_368 = vector.shape_cast %swap3A_367 : vector<1x16xi32> to vector<16xi32>
        %swap3A_369 = vector.shape_cast %add3A_362 : vector<16xi32> to vector<1x16xi32>
        tpu.vector_store %arg11[%swap3A_365, %swap3A_366], %swap3A_369 {strides = array<i32>} : memref<4x128xi32, #tpu.memory_space<vmem>>, vector<1x16xi32>,
        %scan3A_370 = arith.constant 4 : i32
        %mul3A_371 = arith.constant 16 : i32
        %mul3A_372 = arith.muli %scan3A_370, %mul3A_371 : i32
        %get3A_373 = arith.index_cast %rem3A_302 : i32 to index
        %get3A_374 = arith.index_cast %mul3A_372 : i32 to index
        %get3A_375 = tpu.vector_load %arg9[%get3A_373, %get3A_374] {strides = array<i32>} : memref<16x128xi32, #tpu.memory_space<vmem>>, vector<1x16xi32>,
        %get3A_376 = vector.shape_cast %get3A_375 : vector<1x16xi32> to vector<16xi32>
        %add3A_377 = vector.broadcast %arg0 : i32 to vector<16xi32>
        %add3A_378 = arith.addi %get3A_376, %add3A_377 : vector<16xi32>
        %mul3A_379 = arith.constant 16 : i32
        %mul3A_380 = arith.muli %scan3A_370, %mul3A_379 : i32
        %swap3A_381 = arith.index_cast %rem3A_304 : i32 to index
        %swap3A_382 = arith.index_cast %mul3A_380 : i32 to index
        %swap3A_383 = tpu.vector_load %arg11[%swap3A_381, %swap3A_382] {strides = array<i32>} : memref<4x128xi32, #tpu.memory_space<vmem>>, vector<1x16xi32>,
        %swap3A_384 = vector.shape_cast %swap3A_383 : vector<1x16xi32> to vector<16xi32>
        %swap3A_385 = vector.shape_cast %add3A_378 : vector<16xi32> to vector<1x16xi32>
        tpu.vector_store %arg11[%swap3A_381, %swap3A_382], %swap3A_385 {strides = array<i32>} : memref<4x128xi32, #tpu.memory_space<vmem>>, vector<1x16xi32>,
        %scan3A_386 = arith.constant 5 : i32
        %mul3A_387 = arith.constant 16 : i32
        %mul3A_388 = arith.muli %scan3A_386, %mul3A_387 : i32
        %get3A_389 = arith.index_cast %rem3A_302 : i32 to index
        %get3A_390 = arith.index_cast %mul3A_388 : i32 to index
        %get3A_391 = tpu.vector_load %arg9[%get3A_389, %get3A_390] {strides = array<i32>} : memref<16x128xi32, #tpu.memory_space<vmem>>, vector<1x16xi32>,
        %get3A_392 = vector.shape_cast %get3A_391 : vector<1x16xi32> to vector<16xi32>
        %add3A_393 = vector.broadcast %arg0 : i32 to vector<16xi32>
        %add3A_394 = arith.addi %get3A_392, %add3A_393 : vector<16xi32>
        %mul3A_395 = arith.constant 16 : i32
        %mul3A_396 = arith.muli %scan3A_386, %mul3A_395 : i32
        %swap3A_397 = arith.index_cast %rem3A_304 : i32 to index
        %swap3A_398 = arith.index_cast %mul3A_396 : i32 to index
        %swap3A_399 = tpu.vector_load %arg11[%swap3A_397, %swap3A_398] {strides = array<i32>} : memref<4x128xi32, #tpu.memory_space<vmem>>, vector<1x16xi32>,
        %swap3A_400 = vector.shape_cast %swap3A_399 : vector<1x16xi32> to vector<16xi32>
        %swap3A_401 = vector.shape_cast %add3A_394 : vector<16xi32> to vector<1x16xi32>
        tpu.vector_store %arg11[%swap3A_397, %swap3A_398], %swap3A_401 {strides = array<i32>} : memref<4x128xi32, #tpu.memory_space<vmem>>, vector<1x16xi32>,
        %scan3A_402 = arith.constant 6 : i32
        %mul3A_403 = arith.constant 16 : i32
        %mul3A_404 = arith.muli %scan3A_402, %mul3A_403 : i32
        %get3A_405 = arith.index_cast %rem3A_302 : i32 to index
        %get3A_406 = arith.index_cast %mul3A_404 : i32 to index
        %get3A_407 = tpu.vector_load %arg9[%get3A_405, %get3A_406] {strides = array<i32>} : memref<16x128xi32, #tpu.memory_space<vmem>>, vector<1x16xi32>,
        %get3A_408 = vector.shape_cast %get3A_407 : vector<1x16xi32> to vector<16xi32>
        %add3A_409 = vector.broadcast %arg0 : i32 to vector<16xi32>
        %add3A_410 = arith.addi %get3A_408, %add3A_409 : vector<16xi32>
        %mul3A_411 = arith.constant 16 : i32
        %mul3A_412 = arith.muli %scan3A_402, %mul3A_411 : i32
        %swap3A_413 = arith.index_cast %rem3A_304 : i32 to index
        %swap3A_414 = arith.index_cast %mul3A_412 : i32 to index
        %swap3A_415 = tpu.vector_load %arg11[%swap3A_413, %swap3A_414] {strides = array<i32>} : memref<4x128xi32, #tpu.memory_space<vmem>>, vector<1x16xi32>,
        %swap3A_416 = vector.shape_cast %swap3A_415 : vector<1x16xi32> to vector<16xi32>
        %swap3A_417 = vector.shape_cast %add3A_410 : vector<16xi32> to vector<1x16xi32>
        tpu.vector_store %arg11[%swap3A_413, %swap3A_414], %swap3A_417 {strides = array<i32>} : memref<4x128xi32, #tpu.memory_space<vmem>>, vector<1x16xi32>,
        %scan3A_418 = arith.constant 7 : i32
        %mul3A_419 = arith.constant 16 : i32
        %mul3A_420 = arith.muli %scan3A_418, %mul3A_419 : i32
        %get3A_421 = arith.index_cast %rem3A_302 : i32 to index
        %get3A_422 = arith.index_cast %mul3A_420 : i32 to index
        %get3A_423 = tpu.vector_load %arg9[%get3A_421, %get3A_422] {strides = array<i32>} : memref<16x128xi32, #tpu.memory_space<vmem>>, vector<1x16xi32>,
        %get3A_424 = vector.shape_cast %get3A_423 : vector<1x16xi32> to vector<16xi32>
        %add3A_425 = vector.broadcast %arg0 : i32 to vector<16xi32>
        %add3A_426 = arith.addi %get3A_424, %add3A_425 : vector<16xi32>
        %mul3A_427 = arith.constant 16 : i32
        %mul3A_428 = arith.muli %scan3A_418, %mul3A_427 : i32
        %swap3A_429 = arith.index_cast %rem3A_304 : i32 to index
        %swap3A_430 = arith.index_cast %mul3A_428 : i32 to index
        %swap3A_431 = tpu.vector_load %arg11[%swap3A_429, %swap3A_430] {strides = array<i32>} : memref<4x128xi32, #tpu.memory_space<vmem>>, vector<1x16xi32>,
        %swap3A_432 = vector.shape_cast %swap3A_431 : vector<1x16xi32> to vector<16xi32>
        %swap3A_433 = vector.shape_cast %add3A_426 : vector<16xi32> to vector<1x16xi32>
        tpu.vector_store %arg11[%swap3A_429, %swap3A_430], %swap3A_433 {strides = array<i32>} : memref<4x128xi32, #tpu.memory_space<vmem>>, vector<1x16xi32>,
        %scan3A_434 = arith.constant 8 : i32
        %dma_start3A_435 = arith.constant 0 : i32
        %dma_start3A_436 = arith.constant 0 : i32
        %dma_start3A_437 = tpu.memref_slice %arg12[%rem3A_304, %dma_start3A_435, %dma_start3A_436] : memref<4x128x32xf32, #tpu.memory_space<vmem>> -> memref<1x128x32xf32, #tpu.memory_space<vmem>>
        %dma_start3A_438 = tpu.memref_squeeze %dma_start3A_437 : memref<1x128x32xf32, #tpu.memory_space<vmem>> -> memref<128x32xf32, #tpu.memory_space<vmem>>
        %dma_start3A_439 = arith.constant 0 : i32
        %dma_start3A_440 = tpu.memref_slice %arg11[%rem3A_304, %dma_start3A_439] : memref<4x128xi32, #tpu.memory_space<vmem>> -> memref<1x128xi32, #tpu.memory_space<vmem>>
        %dma_start3A_441 = tpu.memref_squeeze %dma_start3A_440 : memref<1x128xi32, #tpu.memory_space<vmem>> -> memref<128xi32, #tpu.memory_space<vmem>>
        %dma_start3A_442 = arith.constant 0 : i32
        %dma_start3A_443 = arith.constant 0 : i32
        %dma_start3A_444 = tpu.memref_slice %arg5[%dma_start3A_442, %dma_start3A_443] : memref<200000x32xf32, #tpu.memory_space<hbm>> -> memref<200000x32xf32, #tpu.memory_space<hbm>>
        %dma_start3A_445 = tpu.memref_slice %arg16[%rem3A_304] : memref<4x!tpu.dma_semaphore, #tpu.memory_space<semaphore_mem>> -> memref<1x!tpu.dma_semaphore, #tpu.memory_space<semaphore_mem>>
        %dma_start3A_446 = tpu.memref_squeeze %dma_start3A_445 : memref<1x!tpu.dma_semaphore, #tpu.memory_space<semaphore_mem>> -> memref<!tpu.dma_semaphore, #tpu.memory_space<semaphore_mem>>
        tpu.enqueue_indirect_dma source(%dma_start3A_444 : memref<200000x32xf32, #tpu.memory_space<hbm>>) target(%dma_start3A_438 : memref<128x32xf32, #tpu.memory_space<vmem>>) offsets(%dma_start3A_441 : memref<128xi32, #tpu.memory_space<vmem>>) semaphore(%dma_start3A_446 : memref<!tpu.dma_semaphore, #tpu.memory_space<semaphore_mem>>)
      } else {
      }
      %dma_wait3A_265 = arith.constant 0 : i32
      %dma_wait3A_266 = arith.constant 0 : i32
      %dma_wait3A_267 = tpu.memref_slice %arg12[%rem3A_251, %dma_wait3A_265, %dma_wait3A_266] : memref<4x128x32xf32, #tpu.memory_space<vmem>> -> memref<1x128x32xf32, #tpu.memory_space<vmem>>
      %dma_wait3A_268 = tpu.memref_squeeze %dma_wait3A_267 : memref<1x128x32xf32, #tpu.memory_space<vmem>> -> memref<128x32xf32, #tpu.memory_space<vmem>>
      %dma_wait3A_269 = arith.constant 0 : i32
      %dma_wait3A_270 = tpu.memref_slice %arg11[%rem3A_251, %dma_wait3A_269] : memref<4x128xi32, #tpu.memory_space<vmem>> -> memref<1x128xi32, #tpu.memory_space<vmem>>
      %dma_wait3A_271 = tpu.memref_squeeze %dma_wait3A_270 : memref<1x128xi32, #tpu.memory_space<vmem>> -> memref<128xi32, #tpu.memory_space<vmem>>
      %dma_wait3A_272 = arith.constant 0 : i32
      %dma_wait3A_273 = arith.constant 0 : i32
      %dma_wait3A_274 = tpu.memref_slice %arg5[%dma_wait3A_272, %dma_wait3A_273] : memref<200000x32xf32, #tpu.memory_space<hbm>> -> memref<200000x32xf32, #tpu.memory_space<hbm>>
      %dma_wait3A_275 = tpu.memref_slice %arg16[%rem3A_251] : memref<4x!tpu.dma_semaphore, #tpu.memory_space<semaphore_mem>> -> memref<1x!tpu.dma_semaphore, #tpu.memory_space<semaphore_mem>>
      %dma_wait3A_276 = tpu.memref_squeeze %dma_wait3A_275 : memref<1x!tpu.dma_semaphore, #tpu.memory_space<semaphore_mem>> -> memref<!tpu.dma_semaphore, #tpu.memory_space<semaphore_mem>>
      tpu.wait_indirect_dma semaphore(%dma_wait3A_276 : memref<!tpu.dma_semaphore, #tpu.memory_space<semaphore_mem>>) src(%dma_wait3A_274 : memref<200000x32xf32, #tpu.memory_space<hbm>>) dst(%dma_wait3A_268 : memref<128x32xf32, #tpu.memory_space<vmem>>)
      %dma_start3A_277 = arith.constant 0 : i32
      %dma_start3A_278 = arith.constant 0 : i32
      %dma_start3A_279 = tpu.memref_slice %arg12[%rem3A_251, %dma_start3A_277, %dma_start3A_278] : memref<4x128x32xf32, #tpu.memory_space<vmem>> -> memref<1x128x32xf32, #tpu.memory_space<vmem>>
      %dma_start3A_280 = tpu.memref_squeeze %dma_start3A_279 : memref<1x128x32xf32, #tpu.memory_space<vmem>> -> memref<128x32xf32, #tpu.memory_space<vmem>>
      %dma_start3A_281 = arith.constant 0 : i32
      %dma_start3A_282 = tpu.memref_slice %arg8[%rem3A_253, %dma_start3A_281] : memref<16x128xi32, #tpu.memory_space<vmem>> -> memref<1x128xi32, #tpu.memory_space<vmem>>
      %dma_start3A_283 = tpu.memref_squeeze %dma_start3A_282 : memref<1x128xi32, #tpu.memory_space<vmem>> -> memref<128xi32, #tpu.memory_space<vmem>>
      %dma_start3A_284 = arith.constant 0 : i32
      %dma_start3A_285 = arith.constant 0 : i32
      %dma_start3A_286 = tpu.memref_slice %arg15[%dma_start3A_284, %dma_start3A_285] : memref<50048x32xf32, #tpu.memory_space<vmem_shared>> -> memref<50048x32xf32, #tpu.memory_space<vmem_shared>>
      %dma_start3A_287 = tpu.memref_slice %arg17[%rem3A_251] : memref<4x!tpu.dma_semaphore, #tpu.memory_space<semaphore_mem>> -> memref<1x!tpu.dma_semaphore, #tpu.memory_space<semaphore_mem>>
      %dma_start3A_288 = tpu.memref_squeeze %dma_start3A_287 : memref<1x!tpu.dma_semaphore, #tpu.memory_space<semaphore_mem>> -> memref<!tpu.dma_semaphore, #tpu.memory_space<semaphore_mem>>
      tpu.enqueue_indirect_dma source(%dma_start3A_280 : memref<128x32xf32, #tpu.memory_space<vmem>>) target(%dma_start3A_286 : memref<50048x32xf32, #tpu.memory_space<vmem_shared>>) offsets(%dma_start3A_283 : memref<128xi32, #tpu.memory_space<vmem>>) semaphore(%dma_start3A_288 : memref<!tpu.dma_semaphore, #tpu.memory_space<semaphore_mem>>) {add = true}
      %lt3A_289 = arith.constant 784 : i32
      %lt3A_290 = arith.cmpi slt, %add3A_255, %lt3A_289 : i32
      %eq3A_291 = arith.constant 0 : i32
      %eq3A_292 = arith.cmpi eq, %rem3A_257, %eq3A_291 : i32
      %and3A_293 = arith.andi %lt3A_290, %eq3A_292 : i1
      %convert_element_type3A_294 = arith.extui %and3A_293 : i1 to i32
      %cond3A_295 = arith.constant 0 : i32
      %cond3A_296 = arith.cmpi ne, %convert_element_type3A_294, %cond3A_295 : i32
      scf.if %cond3A_296 {
        %dma_wait3A_297 = arith.constant 0 : i32
        %dma_wait3A_298 = arith.constant 0 : i32
        %dma_wait3A_299 = arith.constant 0 : i32
        %dma_wait3A_300 = tpu.memref_slice %arg12[%rem3A_251, %dma_wait3A_298, %dma_wait3A_299] : memref<4x128x32xf32, #tpu.memory_space<vmem>> -> memref<1x128x32xf32, #tpu.memory_space<vmem>>
        %dma_wait3A_301 = tpu.memref_squeeze %dma_wait3A_300 : memref<1x128x32xf32, #tpu.memory_space<vmem>> -> memref<128x32xf32, #tpu.memory_space<vmem>>
        %dma_wait3A_302 = arith.constant 0 : i32
        %dma_wait3A_303 = tpu.memref_slice %arg8[%dma_wait3A_297, %dma_wait3A_302] : memref<16x128xi32, #tpu.memory_space<vmem>> -> memref<1x128xi32, #tpu.memory_space<vmem>>
        %dma_wait3A_304 = tpu.memref_squeeze %dma_wait3A_303 : memref<1x128xi32, #tpu.memory_space<vmem>> -> memref<128xi32, #tpu.memory_space<vmem>>
        %dma_wait3A_305 = arith.constant 0 : i32
        %dma_wait3A_306 = arith.constant 0 : i32
        %dma_wait3A_307 = tpu.memref_slice %arg15[%dma_wait3A_305, %dma_wait3A_306] : memref<50048x32xf32, #tpu.memory_space<vmem_shared>> -> memref<50048x32xf32, #tpu.memory_space<vmem_shared>>
        %dma_wait3A_308 = tpu.memref_slice %arg17[%rem3A_251] : memref<4x!tpu.dma_semaphore, #tpu.memory_space<semaphore_mem>> -> memref<1x!tpu.dma_semaphore, #tpu.memory_space<semaphore_mem>>
        %dma_wait3A_309 = tpu.memref_squeeze %dma_wait3A_308 : memref<1x!tpu.dma_semaphore, #tpu.memory_space<semaphore_mem>> -> memref<!tpu.dma_semaphore, #tpu.memory_space<semaphore_mem>>
        tpu.wait_indirect_dma semaphore(%dma_wait3A_309 : memref<!tpu.dma_semaphore, #tpu.memory_space<semaphore_mem>>) src(%dma_wait3A_301 : memref<128x32xf32, #tpu.memory_space<vmem>>) dst(%dma_wait3A_307 : memref<50048x32xf32, #tpu.memory_space<vmem_shared>>)
        %add3A_310 = arith.constant 3 : i32
        %add3A_311 = arith.addi %scan3A_249, %add3A_310 : i32
        %rem3A_312 = arith.constant 4 : i32
        %rem3A_313 = arith.remsi %add3A_311, %rem3A_312 : i32
        %dma_wait3A_314 = arith.constant 0 : i32
        %dma_wait3A_315 = arith.constant 0 : i32
        %dma_wait3A_316 = arith.constant 0 : i32
        %dma_wait3A_317 = tpu.memref_slice %arg12[%rem3A_313, %dma_wait3A_315, %dma_wait3A_316] : memref<4x128x32xf32, #tpu.memory_space<vmem>> -> memref<1x128x32xf32, #tpu.memory_space<vmem>>
        %dma_wait3A_318 = tpu.memref_squeeze %dma_wait3A_317 : memref<1x128x32xf32, #tpu.memory_space<vmem>> -> memref<128x32xf32, #tpu.memory_space<vmem>>
        %dma_wait3A_319 = arith.constant 0 : i32
        %dma_wait3A_320 = tpu.memref_slice %arg8[%dma_wait3A_314, %dma_wait3A_319] : memref<16x128xi32, #tpu.memory_space<vmem>> -> memref<1x128xi32, #tpu.memory_space<vmem>>
        %dma_wait3A_321 = tpu.memref_squeeze %dma_wait3A_320 : memref<1x128xi32, #tpu.memory_space<vmem>> -> memref<128xi32, #tpu.memory_space<vmem>>
        %dma_wait3A_322 = arith.constant 0 : i32
        %dma_wait3A_323 = arith.constant 0 : i32
        %dma_wait3A_324 = tpu.memref_slice %arg15[%dma_wait3A_322, %dma_wait3A_323] : memref<50048x32xf32, #tpu.memory_space<vmem_shared>> -> memref<50048x32xf32, #tpu.memory_space<vmem_shared>>
        %dma_wait3A_325 = tpu.memref_slice %arg17[%rem3A_313] : memref<4x!tpu.dma_semaphore, #tpu.memory_space<semaphore_mem>> -> memref<1x!tpu.dma_semaphore, #tpu.memory_space<semaphore_mem>>
        %dma_wait3A_326 = tpu.memref_squeeze %dma_wait3A_325 : memref<1x!tpu.dma_semaphore, #tpu.memory_space<semaphore_mem>> -> memref<!tpu.dma_semaphore, #tpu.memory_space<semaphore_mem>>
        tpu.wait_indirect_dma semaphore(%dma_wait3A_326 : memref<!tpu.dma_semaphore, #tpu.memory_space<semaphore_mem>>) src(%dma_wait3A_318 : memref<128x32xf32, #tpu.memory_space<vmem>>) dst(%dma_wait3A_324 : memref<50048x32xf32, #tpu.memory_space<vmem_shared>>)
        %add3A_327 = arith.constant 2 : i32
        %add3A_328 = arith.addi %scan3A_249, %add3A_327 : i32
        %rem3A_329 = arith.constant 4 : i32
        %rem3A_330 = arith.remsi %add3A_328, %rem3A_329 : i32
        %dma_wait3A_331 = arith.constant 0 : i32
        %dma_wait3A_332 = arith.constant 0 : i32
        %dma_wait3A_333 = arith.constant 0 : i32
        %dma_wait3A_334 = tpu.memref_slice %arg12[%rem3A_330, %dma_wait3A_332, %dma_wait3A_333] : memref<4x128x32xf32, #tpu.memory_space<vmem>> -> memref<1x128x32xf32, #tpu.memory_space<vmem>>
        %dma_wait3A_335 = tpu.memref_squeeze %dma_wait3A_334 : memref<1x128x32xf32, #tpu.memory_space<vmem>> -> memref<128x32xf32, #tpu.memory_space<vmem>>
        %dma_wait3A_336 = arith.constant 0 : i32
        %dma_wait3A_337 = tpu.memref_slice %arg8[%dma_wait3A_331, %dma_wait3A_336] : memref<16x128xi32, #tpu.memory_space<vmem>> -> memref<1x128xi32, #tpu.memory_space<vmem>>
        %dma_wait3A_338 = tpu.memref_squeeze %dma_wait3A_337 : memref<1x128xi32, #tpu.memory_space<vmem>> -> memref<128xi32, #tpu.memory_space<vmem>>
        %dma_wait3A_339 = arith.constant 0 : i32
        %dma_wait3A_340 = arith.constant 0 : i32
        %dma_wait3A_341 = tpu.memref_slice %arg15[%dma_wait3A_339, %dma_wait3A_340] : memref<50048x32xf32, #tpu.memory_space<vmem_shared>> -> memref<50048x32xf32, #tpu.memory_space<vmem_shared>>
        %dma_wait3A_342 = tpu.memref_slice %arg17[%rem3A_330] : memref<4x!tpu.dma_semaphore, #tpu.memory_space<semaphore_mem>> -> memref<1x!tpu.dma_semaphore, #tpu.memory_space<semaphore_mem>>
        %dma_wait3A_343 = tpu.memref_squeeze %dma_wait3A_342 : memref<1x!tpu.dma_semaphore, #tpu.memory_space<semaphore_mem>> -> memref<!tpu.dma_semaphore, #tpu.memory_space<semaphore_mem>>
        tpu.wait_indirect_dma semaphore(%dma_wait3A_343 : memref<!tpu.dma_semaphore, #tpu.memory_space<semaphore_mem>>) src(%dma_wait3A_335 : memref<128x32xf32, #tpu.memory_space<vmem>>) dst(%dma_wait3A_341 : memref<50048x32xf32, #tpu.memory_space<vmem_shared>>)
        %dma_wait3A_344 = arith.constant 0 : i32
        %dma_wait3A_345 = arith.constant 0 : i32
        %dma_wait3A_346 = arith.constant 0 : i32
        %dma_wait3A_347 = tpu.memref_slice %arg12[%rem3A_259, %dma_wait3A_345, %dma_wait3A_346] : memref<4x128x32xf32, #tpu.memory_space<vmem>> -> memref<1x128x32xf32, #tpu.memory_space<vmem>>
        %dma_wait3A_348 = tpu.memref_squeeze %dma_wait3A_347 : memref<1x128x32xf32, #tpu.memory_space<vmem>> -> memref<128x32xf32, #tpu.memory_space<vmem>>
        %dma_wait3A_349 = arith.constant 0 : i32
        %dma_wait3A_350 = tpu.memref_slice %arg8[%dma_wait3A_344, %dma_wait3A_349] : memref<16x128xi32, #tpu.memory_space<vmem>> -> memref<1x128xi32, #tpu.memory_space<vmem>>
        %dma_wait3A_351 = tpu.memref_squeeze %dma_wait3A_350 : memref<1x128xi32, #tpu.memory_space<vmem>> -> memref<128xi32, #tpu.memory_space<vmem>>
        %dma_wait3A_352 = arith.constant 0 : i32
        %dma_wait3A_353 = arith.constant 0 : i32
        %dma_wait3A_354 = tpu.memref_slice %arg15[%dma_wait3A_352, %dma_wait3A_353] : memref<50048x32xf32, #tpu.memory_space<vmem_shared>> -> memref<50048x32xf32, #tpu.memory_space<vmem_shared>>
        %dma_wait3A_355 = tpu.memref_slice %arg17[%rem3A_259] : memref<4x!tpu.dma_semaphore, #tpu.memory_space<semaphore_mem>> -> memref<1x!tpu.dma_semaphore, #tpu.memory_space<semaphore_mem>>
        %dma_wait3A_356 = tpu.memref_squeeze %dma_wait3A_355 : memref<1x!tpu.dma_semaphore, #tpu.memory_space<semaphore_mem>> -> memref<!tpu.dma_semaphore, #tpu.memory_space<semaphore_mem>>
        tpu.wait_indirect_dma semaphore(%dma_wait3A_356 : memref<!tpu.dma_semaphore, #tpu.memory_space<semaphore_mem>>) src(%dma_wait3A_348 : memref<128x32xf32, #tpu.memory_space<vmem>>) dst(%dma_wait3A_354 : memref<50048x32xf32, #tpu.memory_space<vmem_shared>>)
        %div3A = arith.constant 16 : i32
        %div3A_357 = arith.divsi %add3A_255, %div3A : i32
        %mul3A_358 = arith.constant 16 : i32
        %mul3A_359 = arith.muli %div3A_357, %mul3A_358 : i32
        %add3A_360 = arith.addi %mul3A_11, %mul3A_359 : i32
        "tpu.region"() ({
          %run_scoped3A = tpu.sem_alloc : memref<!tpu.dma_semaphore, #tpu.memory_space<semaphore_mem>>
          %dma_start3A_507 = arith.constant 0 : i32
          %dma_start3A_508 = tpu.memref_slice %arg2[%add3A_360, %dma_start3A_507] : memref<12544x128xi32, #tpu.memory_space<hbm>> -> memref<16x128xi32, #tpu.memory_space<hbm>>
          %dma_start3A_509 = arith.constant 0 : i32
          %dma_start3A_510 = tpu.memref_slice %arg2[%add3A_360, %dma_start3A_509] : memref<12544x128xi32, #tpu.memory_space<hbm>> -> memref<16x128xi32, #tpu.memory_space<hbm>>
          tpu.enqueue_dma source(%dma_start3A_510 : memref<16x128xi32, #tpu.memory_space<hbm>>) target(%arg8 : memref<16x128xi32, #tpu.memory_space<vmem>>) target_semaphore(%run_scoped3A : memref<!tpu.dma_semaphore, #tpu.memory_space<semaphore_mem>>)
          %dma_wait3A_511 = arith.constant 0 : i32
          %dma_wait3A_512 = tpu.memref_slice %arg2[%add3A_360, %dma_wait3A_511] : memref<12544x128xi32, #tpu.memory_space<hbm>> -> memref<16x128xi32, #tpu.memory_space<hbm>>
          %dma_wait3A_513 = arith.constant 0 : i32
          %dma_wait3A_514 = tpu.memref_slice %arg2[%add3A_360, %dma_wait3A_513] : memref<12544x128xi32, #tpu.memory_space<hbm>> -> memref<16x128xi32, #tpu.memory_space<hbm>>
          tpu.wait_dma2 semaphore(%run_scoped3A : memref<!tpu.dma_semaphore, #tpu.memory_space<semaphore_mem>>) src(%dma_wait3A_514 : memref<16x128xi32, #tpu.memory_space<hbm>>) dst(%arg8 : memref<16x128xi32, #tpu.memory_space<vmem>>)
          tpu.yield
        }) : () -> ()
        "tpu.region"() ({
          %run_scoped3A = tpu.sem_alloc : memref<!tpu.dma_semaphore, #tpu.memory_space<semaphore_mem>>
          %dma_start3A_507 = arith.constant 0 : i32
          %dma_start3A_508 = tpu.memref_slice %arg3[%add3A_360, %dma_start3A_507] : memref<12544x128xi32, #tpu.memory_space<hbm>> -> memref<16x128xi32, #tpu.memory_space<hbm>>
          %dma_start3A_509 = arith.constant 0 : i32
          %dma_start3A_510 = tpu.memref_slice %arg3[%add3A_360, %dma_start3A_509] : memref<12544x128xi32, #tpu.memory_space<hbm>> -> memref<16x128xi32, #tpu.memory_space<hbm>>
          tpu.enqueue_dma source(%dma_start3A_510 : memref<16x128xi32, #tpu.memory_space<hbm>>) target(%arg9 : memref<16x128xi32, #tpu.memory_space<vmem>>) target_semaphore(%run_scoped3A : memref<!tpu.dma_semaphore, #tpu.memory_space<semaphore_mem>>)
          %dma_wait3A_511 = arith.constant 0 : i32
          %dma_wait3A_512 = tpu.memref_slice %arg3[%add3A_360, %dma_wait3A_511] : memref<12544x128xi32, #tpu.memory_space<hbm>> -> memref<16x128xi32, #tpu.memory_space<hbm>>
          %dma_wait3A_513 = arith.constant 0 : i32
          %dma_wait3A_514 = tpu.memref_slice %arg3[%add3A_360, %dma_wait3A_513] : memref<12544x128xi32, #tpu.memory_space<hbm>> -> memref<16x128xi32, #tpu.memory_space<hbm>>
          tpu.wait_dma2 semaphore(%run_scoped3A : memref<!tpu.dma_semaphore, #tpu.memory_space<semaphore_mem>>) src(%dma_wait3A_514 : memref<16x128xi32, #tpu.memory_space<hbm>>) dst(%arg9 : memref<16x128xi32, #tpu.memory_space<vmem>>)
          tpu.yield
        }) : () -> ()
        "tpu.region"() ({
          %run_scoped3A = tpu.sem_alloc : memref<!tpu.dma_semaphore, #tpu.memory_space<semaphore_mem>>
          %dma_start3A_507 = arith.constant 0 : i32
          %dma_start3A_508 = tpu.memref_slice %arg4[%add3A_360, %dma_start3A_507] : memref<12544x128xf32, #tpu.memory_space<hbm>> -> memref<16x128xf32, #tpu.memory_space<hbm>>
          %dma_start3A_509 = arith.constant 0 : i32
          %dma_start3A_510 = tpu.memref_slice %arg4[%add3A_360, %dma_start3A_509] : memref<12544x128xf32, #tpu.memory_space<hbm>> -> memref<16x128xf32, #tpu.memory_space<hbm>>
          tpu.enqueue_dma source(%dma_start3A_510 : memref<16x128xf32, #tpu.memory_space<hbm>>) target(%arg10 : memref<16x128xf32, #tpu.memory_space<vmem>>) target_semaphore(%run_scoped3A : memref<!tpu.dma_semaphore, #tpu.memory_space<semaphore_mem>>)
          %dma_wait3A_511 = arith.constant 0 : i32
          %dma_wait3A_512 = tpu.memref_slice %arg4[%add3A_360, %dma_wait3A_511] : memref<12544x128xf32, #tpu.memory_space<hbm>> -> memref<16x128xf32, #tpu.memory_space<hbm>>
          %dma_wait3A_513 = arith.constant 0 : i32
          %dma_wait3A_514 = tpu.memref_slice %arg4[%add3A_360, %dma_wait3A_513] : memref<12544x128xf32, #tpu.memory_space<hbm>> -> memref<16x128xf32, #tpu.memory_space<hbm>>
          tpu.wait_dma2 semaphore(%run_scoped3A : memref<!tpu.dma_semaphore, #tpu.memory_space<semaphore_mem>>) src(%dma_wait3A_514 : memref<16x128xf32, #tpu.memory_space<hbm>>) dst(%arg10 : memref<16x128xf32, #tpu.memory_space<vmem>>)
          tpu.yield
        }) : () -> ()
        %rem3A_361 = arith.constant 16 : i32
        %rem3A_362 = arith.remsi %add3A_255, %rem3A_361 : i32
        %rem3A_363 = arith.constant 4 : i32
        %rem3A_364 = arith.remsi %add3A_255, %rem3A_363 : i32
        %scan3A_365 = arith.constant 0 : i32
        %scan3A_366 = arith.constant 0 : i32
        %mul3A_367 = arith.constant 16 : i32
        %mul3A_368 = arith.muli %scan3A_366, %mul3A_367 : i32
        %get3A_369 = arith.index_cast %rem3A_362 : i32 to index
        %get3A_370 = arith.index_cast %mul3A_368 : i32 to index
        %get3A_371 = tpu.vector_load %arg9[%get3A_369, %get3A_370] {strides = array<i32>} : memref<16x128xi32, #tpu.memory_space<vmem>>, vector<1x16xi32>,
        %get3A_372 = vector.shape_cast %get3A_371 : vector<1x16xi32> to vector<16xi32>
        %add3A_373 = vector.broadcast %arg0 : i32 to vector<16xi32>
        %add3A_374 = arith.addi %get3A_372, %add3A_373 : vector<16xi32>
        %mul3A_375 = arith.constant 16 : i32
        %mul3A_376 = arith.muli %scan3A_366, %mul3A_375 : i32
        %swap3A_377 = arith.index_cast %rem3A_364 : i32 to index
        %swap3A_378 = arith.index_cast %mul3A_376 : i32 to index
        %swap3A_379 = tpu.vector_load %arg11[%swap3A_377, %swap3A_378] {strides = array<i32>} : memref<4x128xi32, #tpu.memory_space<vmem>>, vector<1x16xi32>,
        %swap3A_380 = vector.shape_cast %swap3A_379 : vector<1x16xi32> to vector<16xi32>
        %swap3A_381 = vector.shape_cast %add3A_374 : vector<16xi32> to vector<1x16xi32>
        tpu.vector_store %arg11[%swap3A_377, %swap3A_378], %swap3A_381 {strides = array<i32>} : memref<4x128xi32, #tpu.memory_space<vmem>>, vector<1x16xi32>,
        %scan3A_382 = arith.constant 1 : i32
        %mul3A_383 = arith.constant 16 : i32
        %mul3A_384 = arith.muli %scan3A_382, %mul3A_383 : i32
        %get3A_385 = arith.index_cast %rem3A_362 : i32 to index
        %get3A_386 = arith.index_cast %mul3A_384 : i32 to index
        %get3A_387 = tpu.vector_load %arg9[%get3A_385, %get3A_386] {strides = array<i32>} : memref<16x128xi32, #tpu.memory_space<vmem>>, vector<1x16xi32>,
        %get3A_388 = vector.shape_cast %get3A_387 : vector<1x16xi32> to vector<16xi32>
        %add3A_389 = vector.broadcast %arg0 : i32 to vector<16xi32>
        %add3A_390 = arith.addi %get3A_388, %add3A_389 : vector<16xi32>
        %mul3A_391 = arith.constant 16 : i32
        %mul3A_392 = arith.muli %scan3A_382, %mul3A_391 : i32
        %swap3A_393 = arith.index_cast %rem3A_364 : i32 to index
        %swap3A_394 = arith.index_cast %mul3A_392 : i32 to index
        %swap3A_395 = tpu.vector_load %arg11[%swap3A_393, %swap3A_394] {strides = array<i32>} : memref<4x128xi32, #tpu.memory_space<vmem>>, vector<1x16xi32>,
        %swap3A_396 = vector.shape_cast %swap3A_395 : vector<1x16xi32> to vector<16xi32>
        %swap3A_397 = vector.shape_cast %add3A_390 : vector<16xi32> to vector<1x16xi32>
        tpu.vector_store %arg11[%swap3A_393, %swap3A_394], %swap3A_397 {strides = array<i32>} : memref<4x128xi32, #tpu.memory_space<vmem>>, vector<1x16xi32>,
        %scan3A_398 = arith.constant 2 : i32
        %mul3A_399 = arith.constant 16 : i32
        %mul3A_400 = arith.muli %scan3A_398, %mul3A_399 : i32
        %get3A_401 = arith.index_cast %rem3A_362 : i32 to index
        %get3A_402 = arith.index_cast %mul3A_400 : i32 to index
        %get3A_403 = tpu.vector_load %arg9[%get3A_401, %get3A_402] {strides = array<i32>} : memref<16x128xi32, #tpu.memory_space<vmem>>, vector<1x16xi32>,
        %get3A_404 = vector.shape_cast %get3A_403 : vector<1x16xi32> to vector<16xi32>
        %add3A_405 = vector.broadcast %arg0 : i32 to vector<16xi32>
        %add3A_406 = arith.addi %get3A_404, %add3A_405 : vector<16xi32>
        %mul3A_407 = arith.constant 16 : i32
        %mul3A_408 = arith.muli %scan3A_398, %mul3A_407 : i32
        %swap3A_409 = arith.index_cast %rem3A_364 : i32 to index
        %swap3A_410 = arith.index_cast %mul3A_408 : i32 to index
        %swap3A_411 = tpu.vector_load %arg11[%swap3A_409, %swap3A_410] {strides = array<i32>} : memref<4x128xi32, #tpu.memory_space<vmem>>, vector<1x16xi32>,
        %swap3A_412 = vector.shape_cast %swap3A_411 : vector<1x16xi32> to vector<16xi32>
        %swap3A_413 = vector.shape_cast %add3A_406 : vector<16xi32> to vector<1x16xi32>
        tpu.vector_store %arg11[%swap3A_409, %swap3A_410], %swap3A_413 {strides = array<i32>} : memref<4x128xi32, #tpu.memory_space<vmem>>, vector<1x16xi32>,
        %scan3A_414 = arith.constant 3 : i32
        %mul3A_415 = arith.constant 16 : i32
        %mul3A_416 = arith.muli %scan3A_414, %mul3A_415 : i32
        %get3A_417 = arith.index_cast %rem3A_362 : i32 to index
        %get3A_418 = arith.index_cast %mul3A_416 : i32 to index
        %get3A_419 = tpu.vector_load %arg9[%get3A_417, %get3A_418] {strides = array<i32>} : memref<16x128xi32, #tpu.memory_space<vmem>>, vector<1x16xi32>,
        %get3A_420 = vector.shape_cast %get3A_419 : vector<1x16xi32> to vector<16xi32>
        %add3A_421 = vector.broadcast %arg0 : i32 to vector<16xi32>
        %add3A_422 = arith.addi %get3A_420, %add3A_421 : vector<16xi32>
        %mul3A_423 = arith.constant 16 : i32
        %mul3A_424 = arith.muli %scan3A_414, %mul3A_423 : i32
        %swap3A_425 = arith.index_cast %rem3A_364 : i32 to index
        %swap3A_426 = arith.index_cast %mul3A_424 : i32 to index
        %swap3A_427 = tpu.vector_load %arg11[%swap3A_425, %swap3A_426] {strides = array<i32>} : memref<4x128xi32, #tpu.memory_space<vmem>>, vector<1x16xi32>,
        %swap3A_428 = vector.shape_cast %swap3A_427 : vector<1x16xi32> to vector<16xi32>
        %swap3A_429 = vector.shape_cast %add3A_422 : vector<16xi32> to vector<1x16xi32>
        tpu.vector_store %arg11[%swap3A_425, %swap3A_426], %swap3A_429 {strides = array<i32>} : memref<4x128xi32, #tpu.memory_space<vmem>>, vector<1x16xi32>,
        %scan3A_430 = arith.constant 4 : i32
        %mul3A_431 = arith.constant 16 : i32
        %mul3A_432 = arith.muli %scan3A_430, %mul3A_431 : i32
        %get3A_433 = arith.index_cast %rem3A_362 : i32 to index
        %get3A_434 = arith.index_cast %mul3A_432 : i32 to index
        %get3A_435 = tpu.vector_load %arg9[%get3A_433, %get3A_434] {strides = array<i32>} : memref<16x128xi32, #tpu.memory_space<vmem>>, vector<1x16xi32>,
        %get3A_436 = vector.shape_cast %get3A_435 : vector<1x16xi32> to vector<16xi32>
        %add3A_437 = vector.broadcast %arg0 : i32 to vector<16xi32>
        %add3A_438 = arith.addi %get3A_436, %add3A_437 : vector<16xi32>
        %mul3A_439 = arith.constant 16 : i32
        %mul3A_440 = arith.muli %scan3A_430, %mul3A_439 : i32
        %swap3A_441 = arith.index_cast %rem3A_364 : i32 to index
        %swap3A_442 = arith.index_cast %mul3A_440 : i32 to index
        %swap3A_443 = tpu.vector_load %arg11[%swap3A_441, %swap3A_442] {strides = array<i32>} : memref<4x128xi32, #tpu.memory_space<vmem>>, vector<1x16xi32>,
        %swap3A_444 = vector.shape_cast %swap3A_443 : vector<1x16xi32> to vector<16xi32>
        %swap3A_445 = vector.shape_cast %add3A_438 : vector<16xi32> to vector<1x16xi32>
        tpu.vector_store %arg11[%swap3A_441, %swap3A_442], %swap3A_445 {strides = array<i32>} : memref<4x128xi32, #tpu.memory_space<vmem>>, vector<1x16xi32>,
        %scan3A_446 = arith.constant 5 : i32
        %mul3A_447 = arith.constant 16 : i32
        %mul3A_448 = arith.muli %scan3A_446, %mul3A_447 : i32
        %get3A_449 = arith.index_cast %rem3A_362 : i32 to index
        %get3A_450 = arith.index_cast %mul3A_448 : i32 to index
        %get3A_451 = tpu.vector_load %arg9[%get3A_449, %get3A_450] {strides = array<i32>} : memref<16x128xi32, #tpu.memory_space<vmem>>, vector<1x16xi32>,
        %get3A_452 = vector.shape_cast %get3A_451 : vector<1x16xi32> to vector<16xi32>
        %add3A_453 = vector.broadcast %arg0 : i32 to vector<16xi32>
        %add3A_454 = arith.addi %get3A_452, %add3A_453 : vector<16xi32>
        %mul3A_455 = arith.constant 16 : i32
        %mul3A_456 = arith.muli %scan3A_446, %mul3A_455 : i32
        %swap3A_457 = arith.index_cast %rem3A_364 : i32 to index
        %swap3A_458 = arith.index_cast %mul3A_456 : i32 to index
        %swap3A_459 = tpu.vector_load %arg11[%swap3A_457, %swap3A_458] {strides = array<i32>} : memref<4x128xi32, #tpu.memory_space<vmem>>, vector<1x16xi32>,
        %swap3A_460 = vector.shape_cast %swap3A_459 : vector<1x16xi32> to vector<16xi32>
        %swap3A_461 = vector.shape_cast %add3A_454 : vector<16xi32> to vector<1x16xi32>
        tpu.vector_store %arg11[%swap3A_457, %swap3A_458], %swap3A_461 {strides = array<i32>} : memref<4x128xi32, #tpu.memory_space<vmem>>, vector<1x16xi32>,
        %scan3A_462 = arith.constant 6 : i32
        %mul3A_463 = arith.constant 16 : i32
        %mul3A_464 = arith.muli %scan3A_462, %mul3A_463 : i32
        %get3A_465 = arith.index_cast %rem3A_362 : i32 to index
        %get3A_466 = arith.index_cast %mul3A_464 : i32 to index
        %get3A_467 = tpu.vector_load %arg9[%get3A_465, %get3A_466] {strides = array<i32>} : memref<16x128xi32, #tpu.memory_space<vmem>>, vector<1x16xi32>,
        %get3A_468 = vector.shape_cast %get3A_467 : vector<1x16xi32> to vector<16xi32>
        %add3A_469 = vector.broadcast %arg0 : i32 to vector<16xi32>
        %add3A_470 = arith.addi %get3A_468, %add3A_469 : vector<16xi32>
        %mul3A_471 = arith.constant 16 : i32
        %mul3A_472 = arith.muli %scan3A_462, %mul3A_471 : i32
        %swap3A_473 = arith.index_cast %rem3A_364 : i32 to index
        %swap3A_474 = arith.index_cast %mul3A_472 : i32 to index
        %swap3A_475 = tpu.vector_load %arg11[%swap3A_473, %swap3A_474] {strides = array<i32>} : memref<4x128xi32, #tpu.memory_space<vmem>>, vector<1x16xi32>,
        %swap3A_476 = vector.shape_cast %swap3A_475 : vector<1x16xi32> to vector<16xi32>
        %swap3A_477 = vector.shape_cast %add3A_470 : vector<16xi32> to vector<1x16xi32>
        tpu.vector_store %arg11[%swap3A_473, %swap3A_474], %swap3A_477 {strides = array<i32>} : memref<4x128xi32, #tpu.memory_space<vmem>>, vector<1x16xi32>,
        %scan3A_478 = arith.constant 7 : i32
        %mul3A_479 = arith.constant 16 : i32
        %mul3A_480 = arith.muli %scan3A_478, %mul3A_479 : i32
        %get3A_481 = arith.index_cast %rem3A_362 : i32 to index
        %get3A_482 = arith.index_cast %mul3A_480 : i32 to index
        %get3A_483 = tpu.vector_load %arg9[%get3A_481, %get3A_482] {strides = array<i32>} : memref<16x128xi32, #tpu.memory_space<vmem>>, vector<1x16xi32>,
        %get3A_484 = vector.shape_cast %get3A_483 : vector<1x16xi32> to vector<16xi32>
        %add3A_485 = vector.broadcast %arg0 : i32 to vector<16xi32>
        %add3A_486 = arith.addi %get3A_484, %add3A_485 : vector<16xi32>
        %mul3A_487 = arith.constant 16 : i32
        %mul3A_488 = arith.muli %scan3A_478, %mul3A_487 : i32
        %swap3A_489 = arith.index_cast %rem3A_364 : i32 to index
        %swap3A_490 = arith.index_cast %mul3A_488 : i32 to index
        %swap3A_491 = tpu.vector_load %arg11[%swap3A_489, %swap3A_490] {strides = array<i32>} : memref<4x128xi32, #tpu.memory_space<vmem>>, vector<1x16xi32>,
        %swap3A_492 = vector.shape_cast %swap3A_491 : vector<1x16xi32> to vector<16xi32>
        %swap3A_493 = vector.shape_cast %add3A_486 : vector<16xi32> to vector<1x16xi32>
        tpu.vector_store %arg11[%swap3A_489, %swap3A_490], %swap3A_493 {strides = array<i32>} : memref<4x128xi32, #tpu.memory_space<vmem>>, vector<1x16xi32>,
        %scan3A_494 = arith.constant 8 : i32
        %dma_start3A_495 = arith.constant 0 : i32
        %dma_start3A_496 = arith.constant 0 : i32
        %dma_start3A_497 = tpu.memref_slice %arg12[%rem3A_364, %dma_start3A_495, %dma_start3A_496] : memref<4x128x32xf32, #tpu.memory_space<vmem>> -> memref<1x128x32xf32, #tpu.memory_space<vmem>>
        %dma_start3A_498 = tpu.memref_squeeze %dma_start3A_497 : memref<1x128x32xf32, #tpu.memory_space<vmem>> -> memref<128x32xf32, #tpu.memory_space<vmem>>
        %dma_start3A_499 = arith.constant 0 : i32
        %dma_start3A_500 = tpu.memref_slice %arg11[%rem3A_364, %dma_start3A_499] : memref<4x128xi32, #tpu.memory_space<vmem>> -> memref<1x128xi32, #tpu.memory_space<vmem>>
        %dma_start3A_501 = tpu.memref_squeeze %dma_start3A_500 : memref<1x128xi32, #tpu.memory_space<vmem>> -> memref<128xi32, #tpu.memory_space<vmem>>
        %dma_start3A_502 = arith.constant 0 : i32
        %dma_start3A_503 = arith.constant 0 : i32
        %dma_start3A_504 = tpu.memref_slice %arg5[%dma_start3A_502, %dma_start3A_503] : memref<200000x32xf32, #tpu.memory_space<hbm>> -> memref<200000x32xf32, #tpu.memory_space<hbm>>
        %dma_start3A_505 = tpu.memref_slice %arg16[%rem3A_364] : memref<4x!tpu.dma_semaphore, #tpu.memory_space<semaphore_mem>> -> memref<1x!tpu.dma_semaphore, #tpu.memory_space<semaphore_mem>>
        %dma_start3A_506 = tpu.memref_squeeze %dma_start3A_505 : memref<1x!tpu.dma_semaphore, #tpu.memory_space<semaphore_mem>> -> memref<!tpu.dma_semaphore, #tpu.memory_space<semaphore_mem>>
        tpu.enqueue_indirect_dma source(%dma_start3A_504 : memref<200000x32xf32, #tpu.memory_space<hbm>>) target(%dma_start3A_498 : memref<128x32xf32, #tpu.memory_space<vmem>>) offsets(%dma_start3A_501 : memref<128xi32, #tpu.memory_space<vmem>>) semaphore(%dma_start3A_506 : memref<!tpu.dma_semaphore, #tpu.memory_space<semaphore_mem>>)
      } else {
      }
    }
    %scan3A_162 = arith.constant 784 : i32
    %dma_wait3A = arith.constant 0 : i32
    %dma_wait3A_163 = arith.constant 0 : i32
    %dma_wait3A_164 = arith.constant 0 : i32
    %dma_wait3A_165 = arith.constant 0 : i32
    %dma_wait3A_166 = arith.constant 0 : i32
    %dma_wait3A_167 = tpu.memref_slice %arg12[%dma_wait3A, %dma_wait3A_165, %dma_wait3A_166] : memref<4x128x32xf32, #tpu.memory_space<vmem>> -> memref<1x128x32xf32, #tpu.memory_space<vmem>>
    %dma_wait3A_168 = tpu.memref_squeeze %dma_wait3A_167 : memref<1x128x32xf32, #tpu.memory_space<vmem>> -> memref<128x32xf32, #tpu.memory_space<vmem>>
    %dma_wait3A_169 = arith.constant 0 : i32
    %dma_wait3A_170 = tpu.memref_slice %arg8[%dma_wait3A_163, %dma_wait3A_169] : memref<16x128xi32, #tpu.memory_space<vmem>> -> memref<1x128xi32, #tpu.memory_space<vmem>>
    %dma_wait3A_171 = tpu.memref_squeeze %dma_wait3A_170 : memref<1x128xi32, #tpu.memory_space<vmem>> -> memref<128xi32, #tpu.memory_space<vmem>>
    %dma_wait3A_172 = arith.constant 0 : i32
    %dma_wait3A_173 = arith.constant 0 : i32
    %dma_wait3A_174 = tpu.memref_slice %arg15[%dma_wait3A_172, %dma_wait3A_173] : memref<50048x32xf32, #tpu.memory_space<vmem_shared>> -> memref<50048x32xf32, #tpu.memory_space<vmem_shared>>
    %dma_wait3A_175 = tpu.memref_slice %arg17[%dma_wait3A_164] : memref<4x!tpu.dma_semaphore, #tpu.memory_space<semaphore_mem>> -> memref<1x!tpu.dma_semaphore, #tpu.memory_space<semaphore_mem>>
    %dma_wait3A_176 = tpu.memref_squeeze %dma_wait3A_175 : memref<1x!tpu.dma_semaphore, #tpu.memory_space<semaphore_mem>> -> memref<!tpu.dma_semaphore, #tpu.memory_space<semaphore_mem>>
    tpu.wait_indirect_dma semaphore(%dma_wait3A_176 : memref<!tpu.dma_semaphore, #tpu.memory_space<semaphore_mem>>) src(%dma_wait3A_168 : memref<128x32xf32, #tpu.memory_space<vmem>>) dst(%dma_wait3A_174 : memref<50048x32xf32, #tpu.memory_space<vmem_shared>>)
    %dma_wait3A_177 = arith.constant 1 : i32
    %dma_wait3A_178 = arith.constant 0 : i32
    %dma_wait3A_179 = arith.constant 1 : i32
    %dma_wait3A_180 = arith.constant 0 : i32
    %dma_wait3A_181 = arith.constant 0 : i32
    %dma_wait3A_182 = tpu.memref_slice %arg12[%dma_wait3A_177, %dma_wait3A_180, %dma_wait3A_181] : memref<4x128x32xf32, #tpu.memory_space<vmem>> -> memref<1x128x32xf32, #tpu.memory_space<vmem>>
    %dma_wait3A_183 = tpu.memref_squeeze %dma_wait3A_182 : memref<1x128x32xf32, #tpu.memory_space<vmem>> -> memref<128x32xf32, #tpu.memory_space<vmem>>
    %dma_wait3A_184 = arith.constant 0 : i32
    %dma_wait3A_185 = tpu.memref_slice %arg8[%dma_wait3A_178, %dma_wait3A_184] : memref<16x128xi32, #tpu.memory_space<vmem>> -> memref<1x128xi32, #tpu.memory_space<vmem>>
    %dma_wait3A_186 = tpu.memref_squeeze %dma_wait3A_185 : memref<1x128xi32, #tpu.memory_space<vmem>> -> memref<128xi32, #tpu.memory_space<vmem>>
    %dma_wait3A_187 = arith.constant 0 : i32
    %dma_wait3A_188 = arith.constant 0 : i32
    %dma_wait3A_189 = tpu.memref_slice %arg15[%dma_wait3A_187, %dma_wait3A_188] : memref<50048x32xf32, #tpu.memory_space<vmem_shared>> -> memref<50048x32xf32, #tpu.memory_space<vmem_shared>>
    %dma_wait3A_190 = tpu.memref_slice %arg17[%dma_wait3A_179] : memref<4x!tpu.dma_semaphore, #tpu.memory_space<semaphore_mem>> -> memref<1x!tpu.dma_semaphore, #tpu.memory_space<semaphore_mem>>
    %dma_wait3A_191 = tpu.memref_squeeze %dma_wait3A_190 : memref<1x!tpu.dma_semaphore, #tpu.memory_space<semaphore_mem>> -> memref<!tpu.dma_semaphore, #tpu.memory_space<semaphore_mem>>
    tpu.wait_indirect_dma semaphore(%dma_wait3A_191 : memref<!tpu.dma_semaphore, #tpu.memory_space<semaphore_mem>>) src(%dma_wait3A_183 : memref<128x32xf32, #tpu.memory_space<vmem>>) dst(%dma_wait3A_189 : memref<50048x32xf32, #tpu.memory_space<vmem_shared>>)
    %dma_wait3A_192 = arith.constant 2 : i32
    %dma_wait3A_193 = arith.constant 0 : i32
    %dma_wait3A_194 = arith.constant 2 : i32
    %dma_wait3A_195 = arith.constant 0 : i32
    %dma_wait3A_196 = arith.constant 0 : i32
    %dma_wait3A_197 = tpu.memref_slice %arg12[%dma_wait3A_192, %dma_wait3A_195, %dma_wait3A_196] : memref<4x128x32xf32, #tpu.memory_space<vmem>> -> memref<1x128x32xf32, #tpu.memory_space<vmem>>
    %dma_wait3A_198 = tpu.memref_squeeze %dma_wait3A_197 : memref<1x128x32xf32, #tpu.memory_space<vmem>> -> memref<128x32xf32, #tpu.memory_space<vmem>>
    %dma_wait3A_199 = arith.constant 0 : i32
    %dma_wait3A_200 = tpu.memref_slice %arg8[%dma_wait3A_193, %dma_wait3A_199] : memref<16x128xi32, #tpu.memory_space<vmem>> -> memref<1x128xi32, #tpu.memory_space<vmem>>
    %dma_wait3A_201 = tpu.memref_squeeze %dma_wait3A_200 : memref<1x128xi32, #tpu.memory_space<vmem>> -> memref<128xi32, #tpu.memory_space<vmem>>
    %dma_wait3A_202 = arith.constant 0 : i32
    %dma_wait3A_203 = arith.constant 0 : i32
    %dma_wait3A_204 = tpu.memref_slice %arg15[%dma_wait3A_202, %dma_wait3A_203] : memref<50048x32xf32, #tpu.memory_space<vmem_shared>> -> memref<50048x32xf32, #tpu.memory_space<vmem_shared>>
    %dma_wait3A_205 = tpu.memref_slice %arg17[%dma_wait3A_194] : memref<4x!tpu.dma_semaphore, #tpu.memory_space<semaphore_mem>> -> memref<1x!tpu.dma_semaphore, #tpu.memory_space<semaphore_mem>>
    %dma_wait3A_206 = tpu.memref_squeeze %dma_wait3A_205 : memref<1x!tpu.dma_semaphore, #tpu.memory_space<semaphore_mem>> -> memref<!tpu.dma_semaphore, #tpu.memory_space<semaphore_mem>>
    tpu.wait_indirect_dma semaphore(%dma_wait3A_206 : memref<!tpu.dma_semaphore, #tpu.memory_space<semaphore_mem>>) src(%dma_wait3A_198 : memref<128x32xf32, #tpu.memory_space<vmem>>) dst(%dma_wait3A_204 : memref<50048x32xf32, #tpu.memory_space<vmem_shared>>)
    %dma_wait3A_207 = arith.constant 3 : i32
    %dma_wait3A_208 = arith.constant 0 : i32
    %dma_wait3A_209 = arith.constant 3 : i32
    %dma_wait3A_210 = arith.constant 0 : i32
    %dma_wait3A_211 = arith.constant 0 : i32
    %dma_wait3A_212 = tpu.memref_slice %arg12[%dma_wait3A_207, %dma_wait3A_210, %dma_wait3A_211] : memref<4x128x32xf32, #tpu.memory_space<vmem>> -> memref<1x128x32xf32, #tpu.memory_space<vmem>>
    %dma_wait3A_213 = tpu.memref_squeeze %dma_wait3A_212 : memref<1x128x32xf32, #tpu.memory_space<vmem>> -> memref<128x32xf32, #tpu.memory_space<vmem>>
    %dma_wait3A_214 = arith.constant 0 : i32
    %dma_wait3A_215 = tpu.memref_slice %arg8[%dma_wait3A_208, %dma_wait3A_214] : memref<16x128xi32, #tpu.memory_space<vmem>> -> memref<1x128xi32, #tpu.memory_space<vmem>>
    %dma_wait3A_216 = tpu.memref_squeeze %dma_wait3A_215 : memref<1x128xi32, #tpu.memory_space<vmem>> -> memref<128xi32, #tpu.memory_space<vmem>>
    %dma_wait3A_217 = arith.constant 0 : i32
    %dma_wait3A_218 = arith.constant 0 : i32
    %dma_wait3A_219 = tpu.memref_slice %arg15[%dma_wait3A_217, %dma_wait3A_218] : memref<50048x32xf32, #tpu.memory_space<vmem_shared>> -> memref<50048x32xf32, #tpu.memory_space<vmem_shared>>
    %dma_wait3A_220 = tpu.memref_slice %arg17[%dma_wait3A_209] : memref<4x!tpu.dma_semaphore, #tpu.memory_space<semaphore_mem>> -> memref<1x!tpu.dma_semaphore, #tpu.memory_space<semaphore_mem>>
    %dma_wait3A_221 = tpu.memref_squeeze %dma_wait3A_220 : memref<1x!tpu.dma_semaphore, #tpu.memory_space<semaphore_mem>> -> memref<!tpu.dma_semaphore, #tpu.memory_space<semaphore_mem>>
    tpu.wait_indirect_dma semaphore(%dma_wait3A_221 : memref<!tpu.dma_semaphore, #tpu.memory_space<semaphore_mem>>) src(%dma_wait3A_213 : memref<128x32xf32, #tpu.memory_space<vmem>>) dst(%dma_wait3A_219 : memref<50048x32xf32, #tpu.memory_space<vmem_shared>>)
    %barrier3A_222 = arith.constant 0 : index
    tpu.barrier barrier_id(%barrier3A_222)
    "tpu.region"() ({
      %run_scoped3A = tpu.sem_alloc : memref<!tpu.dma_semaphore, #tpu.memory_space<semaphore_mem>>
      %dma_start3A_249 = arith.constant 0 : i32
      %dma_start3A_250 = tpu.memref_slice %arg6[%arg0, %dma_start3A_249] : memref<2x32xf32, #tpu.memory_space<hbm>> -> memref<1x32xf32, #tpu.memory_space<hbm>>
      %dma_start3A_251 = tpu.memref_squeeze %dma_start3A_250 : memref<1x32xf32, #tpu.memory_space<hbm>> -> memref<32xf32, #tpu.memory_space<hbm>>
      %dma_start3A_252 = arith.constant 0 : i32
      %dma_start3A_253 = tpu.memref_slice %arg6[%arg0, %dma_start3A_252] : memref<2x32xf32, #tpu.memory_space<hbm>> -> memref<1x32xf32, #tpu.memory_space<hbm>>
      %dma_start3A_254 = tpu.memref_squeeze %dma_start3A_253 : memref<1x32xf32, #tpu.memory_space<hbm>> -> memref<32xf32, #tpu.memory_space<hbm>>
      tpu.enqueue_dma source(%dma_start3A_254 : memref<32xf32, #tpu.memory_space<hbm>>) target(%arg14 : memref<32xf32, #tpu.memory_space<vmem>>) target_semaphore(%run_scoped3A : memref<!tpu.dma_semaphore, #tpu.memory_space<semaphore_mem>>)
      %dma_wait3A_255 = arith.constant 0 : i32
      %dma_wait3A_256 = tpu.memref_slice %arg6[%arg0, %dma_wait3A_255] : memref<2x32xf32, #tpu.memory_space<hbm>> -> memref<1x32xf32, #tpu.memory_space<hbm>>
      %dma_wait3A_257 = tpu.memref_squeeze %dma_wait3A_256 : memref<1x32xf32, #tpu.memory_space<hbm>> -> memref<32xf32, #tpu.memory_space<hbm>>
      %dma_wait3A_258 = arith.constant 0 : i32
      %dma_wait3A_259 = tpu.memref_slice %arg6[%arg0, %dma_wait3A_258] : memref<2x32xf32, #tpu.memory_space<hbm>> -> memref<1x32xf32, #tpu.memory_space<hbm>>
      %dma_wait3A_260 = tpu.memref_squeeze %dma_wait3A_259 : memref<1x32xf32, #tpu.memory_space<hbm>> -> memref<32xf32, #tpu.memory_space<hbm>>
      tpu.wait_dma2 semaphore(%run_scoped3A : memref<!tpu.dma_semaphore, #tpu.memory_space<semaphore_mem>>) src(%dma_wait3A_260 : memref<32xf32, #tpu.memory_space<hbm>>) dst(%arg14 : memref<32xf32, #tpu.memory_space<vmem>>)
      tpu.yield
    }) : () -> ()
    %get3A_223 = arith.constant 0 : index
    %get3A_224 = tpu.vector_load %arg14[%get3A_223] {strides = array<i32>} : memref<32xf32, #tpu.memory_space<vmem>>, vector<16xf32>,
    %get3A_225 = vector.shape_cast %get3A_224 : vector<16xf32> to vector<16xf32>
    %get3A_226 = arith.constant 16 : index
    %get3A_227 = tpu.vector_load %arg14[%get3A_226] {strides = array<i32>} : memref<32xf32, #tpu.memory_space<vmem>>, vector<16xf32>,
    %get3A_228 = vector.shape_cast %get3A_227 : vector<16xf32> to vector<16xf32>
    %mul3A_229 = arith.constant 3128 : i32
    %mul3A_230 = arith.muli %arg1, %mul3A_229 : i32
    %mul3A_231 = arith.constant 32 : i32
    %mul3A_232 = arith.muli %mul3A_231, %arg0 : i32
    %add3A_233 = arith.constant 64 : i32
    %add3A_234 = arith.addi %add3A_233, %mul3A_232 : i32
    %eq3A = arith.constant 15 : i32
    %eq3A_235 = arith.cmpi eq, %arg1, %eq3A : i32
    %jit3A = arith.constant 22 : i32
    %jit3A_236 = arith.constant 23 : i32
    %select_n3A = arith.select %eq3A_235, %jit3A, %jit3A_236 : i32
    %while3A = arith.constant 0 : i32
    %while3A_237 = arith.constant 0 : i32
    %while3A_238 = arith.subi %select_n3A, %while3A_237 : i32
    %while3A_239 = arith.addi %while3A_237, %while3A_238 : i32
    %while3A_240 = arith.constant 1 : i32
    %while3A_241 = arith.divsi %while3A_238, %while3A_240 : i32
    %while3A_242 = arith.muli %while3A_241, %while3A_240 : i32
    %while3A_243 = arith.addi %while3A_237, %while3A_242 : i32
    %while3A_244 = arith.constant 1 : i32
    scf.for %while3A_249 = %while3A_237 to %while3A_243 step %while3A_244  : i32 {
      %mul3A_250 = arith.constant 136 : i32
      %mul3A_251 = arith.muli %while3A_249, %mul3A_250 : i32
      %add3A_252 = arith.addi %mul3A_230, %mul3A_251 : i32
      "tpu.region"() ({
        %run_scoped3A = tpu.sem_alloc : memref<!tpu.dma_semaphore, #tpu.memory_space<semaphore_mem>>
        %dma_start3A_259 = arith.constant 0 : i32
        %dma_start3A_260 = arith.constant 0 : i32
        %dma_start3A_261 = tpu.memref_slice %arg13[%dma_start3A_259, %dma_start3A_260] : memref<136x32xf32, #tpu.memory_space<vmem>> -> memref<136x32xf32, #tpu.memory_space<vmem>>
        %dma_start3A_262 = arith.constant 0 : i32
        %dma_start3A_263 = tpu.memref_slice %arg15[%add3A_252, %dma_start3A_262] : memref<50048x32xf32, #tpu.memory_space<vmem_shared>> -> memref<136x32xf32, #tpu.memory_space<vmem_shared>>
        %dma_start3A_264 = arith.constant 0 : i32
        %dma_start3A_265 = arith.constant 0 : i32
        %dma_start3A_266 = tpu.memref_slice %arg13[%dma_start3A_264, %dma_start3A_265] : memref<136x32xf32, #tpu.memory_space<vmem>> -> memref<136x32xf32, #tpu.memory_space<vmem>>
        %dma_start3A_267 = arith.constant 0 : i32
        %dma_start3A_268 = tpu.memref_slice %arg15[%add3A_252, %dma_start3A_267] : memref<50048x32xf32, #tpu.memory_space<vmem_shared>> -> memref<136x32xf32, #tpu.memory_space<vmem_shared>>
        tpu.enqueue_dma source(%dma_start3A_268 : memref<136x32xf32, #tpu.memory_space<vmem_shared>>) target(%dma_start3A_266 : memref<136x32xf32, #tpu.memory_space<vmem>>) target_semaphore(%run_scoped3A : memref<!tpu.dma_semaphore, #tpu.memory_space<semaphore_mem>>)
        %dma_wait3A_269 = arith.constant 0 : i32
        %dma_wait3A_270 = arith.constant 0 : i32
        %dma_wait3A_271 = tpu.memref_slice %arg13[%dma_wait3A_269, %dma_wait3A_270] : memref<136x32xf32, #tpu.memory_space<vmem>> -> memref<136x32xf32, #tpu.memory_space<vmem>>
        %dma_wait3A_272 = arith.constant 0 : i32
        %dma_wait3A_273 = tpu.memref_slice %arg15[%add3A_252, %dma_wait3A_272] : memref<50048x32xf32, #tpu.memory_space<vmem_shared>> -> memref<136x32xf32, #tpu.memory_space<vmem_shared>>
        %dma_wait3A_274 = arith.constant 0 : i32
        %dma_wait3A_275 = arith.constant 0 : i32
        %dma_wait3A_276 = tpu.memref_slice %arg13[%dma_wait3A_274, %dma_wait3A_275] : memref<136x32xf32, #tpu.memory_space<vmem>> -> memref<136x32xf32, #tpu.memory_space<vmem>>
        %dma_wait3A_277 = arith.constant 0 : i32
        %dma_wait3A_278 = tpu.memref_slice %arg15[%add3A_252, %dma_wait3A_277] : memref<50048x32xf32, #tpu.memory_space<vmem_shared>> -> memref<136x32xf32, #tpu.memory_space<vmem_shared>>
        tpu.wait_dma2 semaphore(%run_scoped3A : memref<!tpu.dma_semaphore, #tpu.memory_space<semaphore_mem>>) src(%dma_wait3A_278 : memref<136x32xf32, #tpu.memory_space<vmem_shared>>) dst(%dma_wait3A_276 : memref<136x32xf32, #tpu.memory_space<vmem>>)
        tpu.yield
      }) : () -> ()
      %scan3A_253 = arith.constant 0 : i32
      %scan3A_254 = arith.constant 0 : i32
      %scan3A_255 = arith.constant 136 : i32
      %scan3A_256 = arith.addi %scan3A_254, %scan3A_255 : i32
      %scan3A_257 = arith.constant 1 : i32
      scf.for %scan3A_259 = %scan3A_254 to %scan3A_256 step %scan3A_257  : i32 {
        %get3A_260 = arith.index_cast %scan3A_259 : i32 to index
        %get3A_261 = arith.constant 0 : index
        %get3A_262 = tpu.vector_load %arg13[%get3A_260, %get3A_261] {strides = array<i32>} : memref<136x32xf32, #tpu.memory_space<vmem>>, vector<1x16xf32>,
        %get3A_263 = vector.shape_cast %get3A_262 : vector<1x16xf32> to vector<16xf32>
        %add3A_264 = arith.addf %get3A_263, %get3A_225 : vector<16xf32>
        %max3A = arith.constant 0.000000e+00 : f32
        %max3A_265 = vector.broadcast %max3A : f32 to vector<16xf32>
        %max3A_266 = arith.maximumf %add3A_264, %max3A_265 : vector<16xf32>
        %swap3A_267 = arith.index_cast %scan3A_259 : i32 to index
        %swap3A_268 = arith.constant 0 : index
        %swap3A_269 = tpu.vector_load %arg13[%swap3A_267, %swap3A_268] {strides = array<i32>} : memref<136x32xf32, #tpu.memory_space<vmem>>, vector<1x16xf32>,
        %swap3A_270 = vector.shape_cast %swap3A_269 : vector<1x16xf32> to vector<16xf32>
        %swap3A_271 = vector.shape_cast %max3A_266 : vector<16xf32> to vector<1x16xf32>
        tpu.vector_store %arg13[%swap3A_267, %swap3A_268], %swap3A_271 {strides = array<i32>} : memref<136x32xf32, #tpu.memory_space<vmem>>, vector<1x16xf32>,
        %get3A_272 = arith.index_cast %scan3A_259 : i32 to index
        %get3A_273 = arith.constant 16 : index
        %get3A_274 = tpu.vector_load %arg13[%get3A_272, %get3A_273] {strides = array<i32>} : memref<136x32xf32, #tpu.memory_space<vmem>>, vector<1x16xf32>,
        %get3A_275 = vector.shape_cast %get3A_274 : vector<1x16xf32> to vector<16xf32>
        %add3A_276 = arith.addf %get3A_275, %get3A_228 : vector<16xf32>
        %max3A_277 = arith.constant 0.000000e+00 : f32
        %max3A_278 = vector.broadcast %max3A_277 : f32 to vector<16xf32>
        %max3A_279 = arith.maximumf %add3A_276, %max3A_278 : vector<16xf32>
        %swap3A_280 = arith.index_cast %scan3A_259 : i32 to index
        %swap3A_281 = arith.constant 16 : index
        %swap3A_282 = tpu.vector_load %arg13[%swap3A_280, %swap3A_281] {strides = array<i32>} : memref<136x32xf32, #tpu.memory_space<vmem>>, vector<1x16xf32>,
        %swap3A_283 = vector.shape_cast %swap3A_282 : vector<1x16xf32> to vector<16xf32>
        %swap3A_284 = vector.shape_cast %max3A_279 : vector<16xf32> to vector<1x16xf32>
        tpu.vector_store %arg13[%swap3A_280, %swap3A_281], %swap3A_284 {strides = array<i32>} : memref<136x32xf32, #tpu.memory_space<vmem>>, vector<1x16xf32>,
      }
      %scan3A_258 = arith.constant 136 : i32
      "tpu.region"() ({
        %run_scoped3A = tpu.sem_alloc : memref<!tpu.dma_semaphore, #tpu.memory_space<semaphore_mem>>
        %dma_start3A_259 = arith.constant 0 : i32
        %dma_start3A_260 = arith.constant 0 : i32
        %dma_start3A_261 = tpu.memref_slice %arg13[%dma_start3A_259, %dma_start3A_260] : memref<136x32xf32, #tpu.memory_space<vmem>> -> memref<136x32xf32, #tpu.memory_space<vmem>>
        %dma_start3A_262 = tpu.memref_slice %arg7[%add3A_252, %add3A_234] : memref<50000x128xf32, #tpu.memory_space<hbm>> -> memref<136x32xf32, #tpu.memory_space<hbm>>
        %dma_start3A_263 = tpu.memref_slice %arg7[%add3A_252, %add3A_234] : memref<50000x128xf32, #tpu.memory_space<hbm>> -> memref<136x32xf32, #tpu.memory_space<hbm>>
        %dma_start3A_264 = arith.constant 0 : i32
        %dma_start3A_265 = arith.constant 0 : i32
        %dma_start3A_266 = tpu.memref_slice %arg13[%dma_start3A_264, %dma_start3A_265] : memref<136x32xf32, #tpu.memory_space<vmem>> -> memref<136x32xf32, #tpu.memory_space<vmem>>
        tpu.enqueue_dma source(%dma_start3A_266 : memref<136x32xf32, #tpu.memory_space<vmem>>) target(%dma_start3A_263 : memref<136x32xf32, #tpu.memory_space<hbm>>) target_semaphore(%run_scoped3A : memref<!tpu.dma_semaphore, #tpu.memory_space<semaphore_mem>>)
        %dma_wait3A_267 = arith.constant 0 : i32
        %dma_wait3A_268 = arith.constant 0 : i32
        %dma_wait3A_269 = tpu.memref_slice %arg13[%dma_wait3A_267, %dma_wait3A_268] : memref<136x32xf32, #tpu.memory_space<vmem>> -> memref<136x32xf32, #tpu.memory_space<vmem>>
        %dma_wait3A_270 = tpu.memref_slice %arg7[%add3A_252, %add3A_234] : memref<50000x128xf32, #tpu.memory_space<hbm>> -> memref<136x32xf32, #tpu.memory_space<hbm>>
        %dma_wait3A_271 = tpu.memref_slice %arg7[%add3A_252, %add3A_234] : memref<50000x128xf32, #tpu.memory_space<hbm>> -> memref<136x32xf32, #tpu.memory_space<hbm>>
        %dma_wait3A_272 = arith.constant 0 : i32
        %dma_wait3A_273 = arith.constant 0 : i32
        %dma_wait3A_274 = tpu.memref_slice %arg13[%dma_wait3A_272, %dma_wait3A_273] : memref<136x32xf32, #tpu.memory_space<vmem>> -> memref<136x32xf32, #tpu.memory_space<vmem>>
        tpu.wait_dma2 semaphore(%run_scoped3A : memref<!tpu.dma_semaphore, #tpu.memory_space<semaphore_mem>>) src(%dma_wait3A_274 : memref<136x32xf32, #tpu.memory_space<vmem>>) dst(%dma_wait3A_271 : memref<136x32xf32, #tpu.memory_space<hbm>>)
        tpu.yield
      }) : () -> ()
    }
    %while3A_245 = arith.constant 1 : i32
    scf.for %while3A_249 = %while3A_243 to %while3A_239 step %while3A_245  : i32 {
      %mul3A_250 = arith.constant 136 : i32
      %mul3A_251 = arith.muli %while3A_249, %mul3A_250 : i32
      %add3A_252 = arith.addi %mul3A_230, %mul3A_251 : i32
      "tpu.region"() ({
        %run_scoped3A = tpu.sem_alloc : memref<!tpu.dma_semaphore, #tpu.memory_space<semaphore_mem>>
        %dma_start3A_259 = arith.constant 0 : i32
        %dma_start3A_260 = arith.constant 0 : i32
        %dma_start3A_261 = tpu.memref_slice %arg13[%dma_start3A_259, %dma_start3A_260] : memref<136x32xf32, #tpu.memory_space<vmem>> -> memref<136x32xf32, #tpu.memory_space<vmem>>
        %dma_start3A_262 = arith.constant 0 : i32
        %dma_start3A_263 = tpu.memref_slice %arg15[%add3A_252, %dma_start3A_262] : memref<50048x32xf32, #tpu.memory_space<vmem_shared>> -> memref<136x32xf32, #tpu.memory_space<vmem_shared>>
        %dma_start3A_264 = arith.constant 0 : i32
        %dma_start3A_265 = arith.constant 0 : i32
        %dma_start3A_266 = tpu.memref_slice %arg13[%dma_start3A_264, %dma_start3A_265] : memref<136x32xf32, #tpu.memory_space<vmem>> -> memref<136x32xf32, #tpu.memory_space<vmem>>
        %dma_start3A_267 = arith.constant 0 : i32
        %dma_start3A_268 = tpu.memref_slice %arg15[%add3A_252, %dma_start3A_267] : memref<50048x32xf32, #tpu.memory_space<vmem_shared>> -> memref<136x32xf32, #tpu.memory_space<vmem_shared>>
        tpu.enqueue_dma source(%dma_start3A_268 : memref<136x32xf32, #tpu.memory_space<vmem_shared>>) target(%dma_start3A_266 : memref<136x32xf32, #tpu.memory_space<vmem>>) target_semaphore(%run_scoped3A : memref<!tpu.dma_semaphore, #tpu.memory_space<semaphore_mem>>)
        %dma_wait3A_269 = arith.constant 0 : i32
        %dma_wait3A_270 = arith.constant 0 : i32
        %dma_wait3A_271 = tpu.memref_slice %arg13[%dma_wait3A_269, %dma_wait3A_270] : memref<136x32xf32, #tpu.memory_space<vmem>> -> memref<136x32xf32, #tpu.memory_space<vmem>>
        %dma_wait3A_272 = arith.constant 0 : i32
        %dma_wait3A_273 = tpu.memref_slice %arg15[%add3A_252, %dma_wait3A_272] : memref<50048x32xf32, #tpu.memory_space<vmem_shared>> -> memref<136x32xf32, #tpu.memory_space<vmem_shared>>
        %dma_wait3A_274 = arith.constant 0 : i32
        %dma_wait3A_275 = arith.constant 0 : i32
        %dma_wait3A_276 = tpu.memref_slice %arg13[%dma_wait3A_274, %dma_wait3A_275] : memref<136x32xf32, #tpu.memory_space<vmem>> -> memref<136x32xf32, #tpu.memory_space<vmem>>
        %dma_wait3A_277 = arith.constant 0 : i32
        %dma_wait3A_278 = tpu.memref_slice %arg15[%add3A_252, %dma_wait3A_277] : memref<50048x32xf32, #tpu.memory_space<vmem_shared>> -> memref<136x32xf32, #tpu.memory_space<vmem_shared>>
        tpu.wait_dma2 semaphore(%run_scoped3A : memref<!tpu.dma_semaphore, #tpu.memory_space<semaphore_mem>>) src(%dma_wait3A_278 : memref<136x32xf32, #tpu.memory_space<vmem_shared>>) dst(%dma_wait3A_276 : memref<136x32xf32, #tpu.memory_space<vmem>>)
        tpu.yield
      }) : () -> ()
      %scan3A_253 = arith.constant 0 : i32
      %scan3A_254 = arith.constant 0 : i32
      %scan3A_255 = arith.constant 136 : i32
      %scan3A_256 = arith.addi %scan3A_254, %scan3A_255 : i32
      %scan3A_257 = arith.constant 1 : i32
      scf.for %scan3A_259 = %scan3A_254 to %scan3A_256 step %scan3A_257  : i32 {
        %get3A_260 = arith.index_cast %scan3A_259 : i32 to index
        %get3A_261 = arith.constant 0 : index
        %get3A_262 = tpu.vector_load %arg13[%get3A_260, %get3A_261] {strides = array<i32>} : memref<136x32xf32, #tpu.memory_space<vmem>>, vector<1x16xf32>,
        %get3A_263 = vector.shape_cast %get3A_262 : vector<1x16xf32> to vector<16xf32>
        %add3A_264 = arith.addf %get3A_263, %get3A_225 : vector<16xf32>
        %max3A = arith.constant 0.000000e+00 : f32
        %max3A_265 = vector.broadcast %max3A : f32 to vector<16xf32>
        %max3A_266 = arith.maximumf %add3A_264, %max3A_265 : vector<16xf32>
        %swap3A_267 = arith.index_cast %scan3A_259 : i32 to index
        %swap3A_268 = arith.constant 0 : index
        %swap3A_269 = tpu.vector_load %arg13[%swap3A_267, %swap3A_268] {strides = array<i32>} : memref<136x32xf32, #tpu.memory_space<vmem>>, vector<1x16xf32>,
        %swap3A_270 = vector.shape_cast %swap3A_269 : vector<1x16xf32> to vector<16xf32>
        %swap3A_271 = vector.shape_cast %max3A_266 : vector<16xf32> to vector<1x16xf32>
        tpu.vector_store %arg13[%swap3A_267, %swap3A_268], %swap3A_271 {strides = array<i32>} : memref<136x32xf32, #tpu.memory_space<vmem>>, vector<1x16xf32>,
        %get3A_272 = arith.index_cast %scan3A_259 : i32 to index
        %get3A_273 = arith.constant 16 : index
        %get3A_274 = tpu.vector_load %arg13[%get3A_272, %get3A_273] {strides = array<i32>} : memref<136x32xf32, #tpu.memory_space<vmem>>, vector<1x16xf32>,
        %get3A_275 = vector.shape_cast %get3A_274 : vector<1x16xf32> to vector<16xf32>
        %add3A_276 = arith.addf %get3A_275, %get3A_228 : vector<16xf32>
        %max3A_277 = arith.constant 0.000000e+00 : f32
        %max3A_278 = vector.broadcast %max3A_277 : f32 to vector<16xf32>
        %max3A_279 = arith.maximumf %add3A_276, %max3A_278 : vector<16xf32>
        %swap3A_280 = arith.index_cast %scan3A_259 : i32 to index
        %swap3A_281 = arith.constant 16 : index
        %swap3A_282 = tpu.vector_load %arg13[%swap3A_280, %swap3A_281] {strides = array<i32>} : memref<136x32xf32, #tpu.memory_space<vmem>>, vector<1x16xf32>,
        %swap3A_283 = vector.shape_cast %swap3A_282 : vector<1x16xf32> to vector<16xf32>
        %swap3A_284 = vector.shape_cast %max3A_279 : vector<16xf32> to vector<1x16xf32>
        tpu.vector_store %arg13[%swap3A_280, %swap3A_281], %swap3A_284 {strides = array<i32>} : memref<136x32xf32, #tpu.memory_space<vmem>>, vector<1x16xf32>,
      }
      %scan3A_258 = arith.constant 136 : i32
      "tpu.region"() ({
        %run_scoped3A = tpu.sem_alloc : memref<!tpu.dma_semaphore, #tpu.memory_space<semaphore_mem>>
        %dma_start3A_259 = arith.constant 0 : i32
        %dma_start3A_260 = arith.constant 0 : i32
        %dma_start3A_261 = tpu.memref_slice %arg13[%dma_start3A_259, %dma_start3A_260] : memref<136x32xf32, #tpu.memory_space<vmem>> -> memref<136x32xf32, #tpu.memory_space<vmem>>
        %dma_start3A_262 = tpu.memref_slice %arg7[%add3A_252, %add3A_234] : memref<50000x128xf32, #tpu.memory_space<hbm>> -> memref<136x32xf32, #tpu.memory_space<hbm>>
        %dma_start3A_263 = tpu.memref_slice %arg7[%add3A_252, %add3A_234] : memref<50000x128xf32, #tpu.memory_space<hbm>> -> memref<136x32xf32, #tpu.memory_space<hbm>>
        %dma_start3A_264 = arith.constant 0 : i32
        %dma_start3A_265 = arith.constant 0 : i32
        %dma_start3A_266 = tpu.memref_slice %arg13[%dma_start3A_264, %dma_start3A_265] : memref<136x32xf32, #tpu.memory_space<vmem>> -> memref<136x32xf32, #tpu.memory_space<vmem>>
        tpu.enqueue_dma source(%dma_start3A_266 : memref<136x32xf32, #tpu.memory_space<vmem>>) target(%dma_start3A_263 : memref<136x32xf32, #tpu.memory_space<hbm>>) target_semaphore(%run_scoped3A : memref<!tpu.dma_semaphore, #tpu.memory_space<semaphore_mem>>)
        %dma_wait3A_267 = arith.constant 0 : i32
        %dma_wait3A_268 = arith.constant 0 : i32
        %dma_wait3A_269 = tpu.memref_slice %arg13[%dma_wait3A_267, %dma_wait3A_268] : memref<136x32xf32, #tpu.memory_space<vmem>> -> memref<136x32xf32, #tpu.memory_space<vmem>>
        %dma_wait3A_270 = tpu.memref_slice %arg7[%add3A_252, %add3A_234] : memref<50000x128xf32, #tpu.memory_space<hbm>> -> memref<136x32xf32, #tpu.memory_space<hbm>>
        %dma_wait3A_271 = tpu.memref_slice %arg7[%add3A_252, %add3A_234] : memref<50000x128xf32, #tpu.memory_space<hbm>> -> memref<136x32xf32, #tpu.memory_space<hbm>>
        %dma_wait3A_272 = arith.constant 0 : i32
        %dma_wait3A_273 = arith.constant 0 : i32
        %dma_wait3A_274 = tpu.memref_slice %arg13[%dma_wait3A_272, %dma_wait3A_273] : memref<136x32xf32, #tpu.memory_space<vmem>> -> memref<136x32xf32, #tpu.memory_space<vmem>>
        tpu.wait_dma2 semaphore(%run_scoped3A : memref<!tpu.dma_semaphore, #tpu.memory_space<semaphore_mem>>) src(%dma_wait3A_274 : memref<136x32xf32, #tpu.memory_space<vmem>>) dst(%dma_wait3A_271 : memref<136x32xf32, #tpu.memory_space<hbm>>)
        tpu.yield
      }) : () -> ()
    }
    %eq3A_246 = arith.constant 15 : i32
    %eq3A_247 = arith.cmpi eq, %arg1, %eq3A_246 : i32
    %convert_element_type3A = arith.extui %eq3A_247 : i1 to i32
    %cond3A = arith.constant 0 : i32
    %cond3A_248 = arith.cmpi ne, %convert_element_type3A, %cond3A : i32
    scf.if %cond3A_248 {
      %add3A_249 = arith.constant 2992 : i32
      %add3A_250 = arith.addi %mul3A_230, %add3A_249 : i32
      "tpu.region"() ({
        %run_scoped3A = tpu.sem_alloc : memref<!tpu.dma_semaphore, #tpu.memory_space<semaphore_mem>>
        %dma_start3A_257 = arith.constant 0 : i32
        %dma_start3A_258 = arith.constant 0 : i32
        %dma_start3A_259 = tpu.memref_slice %arg13[%dma_start3A_257, %dma_start3A_258] : memref<136x32xf32, #tpu.memory_space<vmem>> -> memref<88x32xf32, #tpu.memory_space<vmem>>
        %dma_start3A_260 = arith.constant 0 : i32
        %dma_start3A_261 = tpu.memref_slice %arg15[%add3A_250, %dma_start3A_260] : memref<50048x32xf32, #tpu.memory_space<vmem_shared>> -> memref<88x32xf32, #tpu.memory_space<vmem_shared>>
        %dma_start3A_262 = arith.constant 0 : i32
        %dma_start3A_263 = arith.constant 0 : i32
        %dma_start3A_264 = tpu.memref_slice %arg13[%dma_start3A_262, %dma_start3A_263] : memref<136x32xf32, #tpu.memory_space<vmem>> -> memref<88x32xf32, #tpu.memory_space<vmem>>
        %dma_start3A_265 = arith.constant 0 : i32
        %dma_start3A_266 = tpu.memref_slice %arg15[%add3A_250, %dma_start3A_265] : memref<50048x32xf32, #tpu.memory_space<vmem_shared>> -> memref<88x32xf32, #tpu.memory_space<vmem_shared>>
        tpu.enqueue_dma source(%dma_start3A_266 : memref<88x32xf32, #tpu.memory_space<vmem_shared>>) target(%dma_start3A_264 : memref<88x32xf32, #tpu.memory_space<vmem>>) target_semaphore(%run_scoped3A : memref<!tpu.dma_semaphore, #tpu.memory_space<semaphore_mem>>)
        %dma_wait3A_267 = arith.constant 0 : i32
        %dma_wait3A_268 = arith.constant 0 : i32
        %dma_wait3A_269 = tpu.memref_slice %arg13[%dma_wait3A_267, %dma_wait3A_268] : memref<136x32xf32, #tpu.memory_space<vmem>> -> memref<88x32xf32, #tpu.memory_space<vmem>>
        %dma_wait3A_270 = arith.constant 0 : i32
        %dma_wait3A_271 = tpu.memref_slice %arg15[%add3A_250, %dma_wait3A_270] : memref<50048x32xf32, #tpu.memory_space<vmem_shared>> -> memref<88x32xf32, #tpu.memory_space<vmem_shared>>
        %dma_wait3A_272 = arith.constant 0 : i32
        %dma_wait3A_273 = arith.constant 0 : i32
        %dma_wait3A_274 = tpu.memref_slice %arg13[%dma_wait3A_272, %dma_wait3A_273] : memref<136x32xf32, #tpu.memory_space<vmem>> -> memref<88x32xf32, #tpu.memory_space<vmem>>
        %dma_wait3A_275 = arith.constant 0 : i32
        %dma_wait3A_276 = tpu.memref_slice %arg15[%add3A_250, %dma_wait3A_275] : memref<50048x32xf32, #tpu.memory_space<vmem_shared>> -> memref<88x32xf32, #tpu.memory_space<vmem_shared>>
        tpu.wait_dma2 semaphore(%run_scoped3A : memref<!tpu.dma_semaphore, #tpu.memory_space<semaphore_mem>>) src(%dma_wait3A_276 : memref<88x32xf32, #tpu.memory_space<vmem_shared>>) dst(%dma_wait3A_274 : memref<88x32xf32, #tpu.memory_space<vmem>>)
        tpu.yield
      }) : () -> ()
      %scan3A_251 = arith.constant 0 : i32
      %scan3A_252 = arith.constant 0 : i32
      %scan3A_253 = arith.constant 88 : i32
      %scan3A_254 = arith.addi %scan3A_252, %scan3A_253 : i32
      %scan3A_255 = arith.constant 1 : i32
      scf.for %scan3A_257 = %scan3A_252 to %scan3A_254 step %scan3A_255  : i32 {
        %get3A_258 = arith.index_cast %scan3A_257 : i32 to index
        %get3A_259 = arith.constant 0 : index
        %get3A_260 = tpu.vector_load %arg13[%get3A_258, %get3A_259] {strides = array<i32>} : memref<136x32xf32, #tpu.memory_space<vmem>>, vector<1x16xf32>,
        %get3A_261 = vector.shape_cast %get3A_260 : vector<1x16xf32> to vector<16xf32>
        %add3A_262 = arith.addf %get3A_261, %get3A_225 : vector<16xf32>
        %max3A = arith.constant 0.000000e+00 : f32
        %max3A_263 = vector.broadcast %max3A : f32 to vector<16xf32>
        %max3A_264 = arith.maximumf %add3A_262, %max3A_263 : vector<16xf32>
        %swap3A_265 = arith.index_cast %scan3A_257 : i32 to index
        %swap3A_266 = arith.constant 0 : index
        %swap3A_267 = tpu.vector_load %arg13[%swap3A_265, %swap3A_266] {strides = array<i32>} : memref<136x32xf32, #tpu.memory_space<vmem>>, vector<1x16xf32>,
        %swap3A_268 = vector.shape_cast %swap3A_267 : vector<1x16xf32> to vector<16xf32>
        %swap3A_269 = vector.shape_cast %max3A_264 : vector<16xf32> to vector<1x16xf32>
        tpu.vector_store %arg13[%swap3A_265, %swap3A_266], %swap3A_269 {strides = array<i32>} : memref<136x32xf32, #tpu.memory_space<vmem>>, vector<1x16xf32>,
        %get3A_270 = arith.index_cast %scan3A_257 : i32 to index
        %get3A_271 = arith.constant 16 : index
        %get3A_272 = tpu.vector_load %arg13[%get3A_270, %get3A_271] {strides = array<i32>} : memref<136x32xf32, #tpu.memory_space<vmem>>, vector<1x16xf32>,
        %get3A_273 = vector.shape_cast %get3A_272 : vector<1x16xf32> to vector<16xf32>
        %add3A_274 = arith.addf %get3A_273, %get3A_228 : vector<16xf32>
        %max3A_275 = arith.constant 0.000000e+00 : f32
        %max3A_276 = vector.broadcast %max3A_275 : f32 to vector<16xf32>
        %max3A_277 = arith.maximumf %add3A_274, %max3A_276 : vector<16xf32>
        %swap3A_278 = arith.index_cast %scan3A_257 : i32 to index
        %swap3A_279 = arith.constant 16 : index
        %swap3A_280 = tpu.vector_load %arg13[%swap3A_278, %swap3A_279] {strides = array<i32>} : memref<136x32xf32, #tpu.memory_space<vmem>>, vector<1x16xf32>,
        %swap3A_281 = vector.shape_cast %swap3A_280 : vector<1x16xf32> to vector<16xf32>
        %swap3A_282 = vector.shape_cast %max3A_277 : vector<16xf32> to vector<1x16xf32>
        tpu.vector_store %arg13[%swap3A_278, %swap3A_279], %swap3A_282 {strides = array<i32>} : memref<136x32xf32, #tpu.memory_space<vmem>>, vector<1x16xf32>,
      }
      %scan3A_256 = arith.constant 88 : i32
      "tpu.region"() ({
        %run_scoped3A = tpu.sem_alloc : memref<!tpu.dma_semaphore, #tpu.memory_space<semaphore_mem>>
        %dma_start3A_257 = arith.constant 0 : i32
        %dma_start3A_258 = arith.constant 0 : i32
        %dma_start3A_259 = tpu.memref_slice %arg13[%dma_start3A_257, %dma_start3A_258] : memref<136x32xf32, #tpu.memory_space<vmem>> -> memref<88x32xf32, #tpu.memory_space<vmem>>
        %dma_start3A_260 = tpu.memref_slice %arg7[%add3A_250, %add3A_234] : memref<50000x128xf32, #tpu.memory_space<hbm>> -> memref<88x32xf32, #tpu.memory_space<hbm>>
        %dma_start3A_261 = tpu.memref_slice %arg7[%add3A_250, %add3A_234] : memref<50000x128xf32, #tpu.memory_space<hbm>> -> memref<88x32xf32, #tpu.memory_space<hbm>>
        %dma_start3A_262 = arith.constant 0 : i32
        %dma_start3A_263 = arith.constant 0 : i32
        %dma_start3A_264 = tpu.memref_slice %arg13[%dma_start3A_262, %dma_start3A_263] : memref<136x32xf32, #tpu.memory_space<vmem>> -> memref<88x32xf32, #tpu.memory_space<vmem>>
        tpu.enqueue_dma source(%dma_start3A_264 : memref<88x32xf32, #tpu.memory_space<vmem>>) target(%dma_start3A_261 : memref<88x32xf32, #tpu.memory_space<hbm>>) target_semaphore(%run_scoped3A : memref<!tpu.dma_semaphore, #tpu.memory_space<semaphore_mem>>)
        %dma_wait3A_265 = arith.constant 0 : i32
        %dma_wait3A_266 = arith.constant 0 : i32
        %dma_wait3A_267 = tpu.memref_slice %arg13[%dma_wait3A_265, %dma_wait3A_266] : memref<136x32xf32, #tpu.memory_space<vmem>> -> memref<88x32xf32, #tpu.memory_space<vmem>>
        %dma_wait3A_268 = tpu.memref_slice %arg7[%add3A_250, %add3A_234] : memref<50000x128xf32, #tpu.memory_space<hbm>> -> memref<88x32xf32, #tpu.memory_space<hbm>>
        %dma_wait3A_269 = tpu.memref_slice %arg7[%add3A_250, %add3A_234] : memref<50000x128xf32, #tpu.memory_space<hbm>> -> memref<88x32xf32, #tpu.memory_space<hbm>>
        %dma_wait3A_270 = arith.constant 0 : i32
        %dma_wait3A_271 = arith.constant 0 : i32
        %dma_wait3A_272 = tpu.memref_slice %arg13[%dma_wait3A_270, %dma_wait3A_271] : memref<136x32xf32, #tpu.memory_space<vmem>> -> memref<88x32xf32, #tpu.memory_space<vmem>>
        tpu.wait_dma2 semaphore(%run_scoped3A : memref<!tpu.dma_semaphore, #tpu.memory_space<semaphore_mem>>) src(%dma_wait3A_272 : memref<88x32xf32, #tpu.memory_space<vmem>>) dst(%dma_wait3A_269 : memref<88x32xf32, #tpu.memory_space<hbm>>)
        tpu.yield
      }) : () -> ()
    } else {
    }
    return
  }
}

#map = affine_map<(d0, d1) -> (0, 0)>
#map1 = affine_map<(d0, d1) -> (0)>
module attributes {stable_mosaic.version = 14 : i64} {
  func.func @_sc_gather_body(%arg0: i32, %arg1: i32, %arg2: memref<50000x128xf32, #tpu.memory_space<hbm>>, %arg3: memref<16384xi32, #tpu.memory_space<hbm>>, %arg4: memref<16384xi32, #tpu.memory_space<hbm>>, %arg5: memref<16384x128xf32, #tpu.memory_space<hbm>>, %arg6: memref<16384x128xf32, #tpu.memory_space<hbm>>, %arg7: memref<128xi32, #tpu.memory_space<vmem>>, %arg8: memref<128x128xf32, #tpu.memory_space<vmem>>, %arg9: memref<!tpu.dma_semaphore, #tpu.memory_space<semaphore_mem>>) attributes {dimension_semantics = [#tpu.dimension_semantics<core_parallel>, #tpu.dimension_semantics<subcore_parallel>], iteration_bounds = array<i64: 2, 16>, scalar_prefetch = 0 : i64, scratch_operands = 3 : i64, tpu.core_type = #tpu.core_type<sc_vector_subcore>, window_params = [{transform_indices = #map}, {transform_indices = #map1}, {transform_indices = #map1}, {transform_indices = #map}, {transform_indices = #map}]} {
    %mul3A = arith.constant 2 : i32
    %mul3A_0 = arith.muli %arg1, %mul3A : i32
    %add3A = arith.addi %mul3A_0, %arg0 : i32
    %scan3A = arith.constant 0 : i32
    %scan3A_1 = arith.constant 0 : i32
    %scan3A_2 = arith.constant 4 : i32
    %scan3A_3 = arith.addi %scan3A_1, %scan3A_2 : i32
    %scan3A_4 = arith.constant 1 : i32
    scf.for %scan3A_12 = %scan3A_1 to %scan3A_3 step %scan3A_4  : i32 {
      %mul3A_13 = arith.constant 512 : i32
      %mul3A_14 = arith.muli %add3A, %mul3A_13 : i32
      %mul3A_15 = arith.constant 128 : i32
      %mul3A_16 = arith.muli %scan3A_12, %mul3A_15 : i32
      %add3A_17 = arith.addi %mul3A_14, %mul3A_16 : i32
      "tpu.region"() ({
        %run_scoped3A = tpu.sem_alloc : memref<!tpu.dma_semaphore, #tpu.memory_space<semaphore_mem>>
        %dma_start3A_22 = tpu.memref_slice %arg3[%add3A_17] : memref<16384xi32, #tpu.memory_space<hbm>> -> memref<128xi32, #tpu.memory_space<hbm>>
        %dma_start3A_23 = tpu.memref_slice %arg3[%add3A_17] : memref<16384xi32, #tpu.memory_space<hbm>> -> memref<128xi32, #tpu.memory_space<hbm>>
        tpu.enqueue_dma source(%dma_start3A_23 : memref<128xi32, #tpu.memory_space<hbm>>) target(%arg7 : memref<128xi32, #tpu.memory_space<vmem>>) target_semaphore(%run_scoped3A : memref<!tpu.dma_semaphore, #tpu.memory_space<semaphore_mem>>)
        %dma_wait3A_24 = tpu.memref_slice %arg3[%add3A_17] : memref<16384xi32, #tpu.memory_space<hbm>> -> memref<128xi32, #tpu.memory_space<hbm>>
        %dma_wait3A_25 = tpu.memref_slice %arg3[%add3A_17] : memref<16384xi32, #tpu.memory_space<hbm>> -> memref<128xi32, #tpu.memory_space<hbm>>
        tpu.wait_dma2 semaphore(%run_scoped3A : memref<!tpu.dma_semaphore, #tpu.memory_space<semaphore_mem>>) src(%dma_wait3A_25 : memref<128xi32, #tpu.memory_space<hbm>>) dst(%arg7 : memref<128xi32, #tpu.memory_space<vmem>>)
        tpu.yield
      }) : () -> ()
      %dma_start3A = arith.constant 0 : i32
      %dma_start3A_18 = arith.constant 0 : i32
      %dma_start3A_19 = tpu.memref_slice %arg2[%dma_start3A, %dma_start3A_18] : memref<50000x128xf32, #tpu.memory_space<hbm>> -> memref<50000x128xf32, #tpu.memory_space<hbm>>
      tpu.enqueue_indirect_dma source(%dma_start3A_19 : memref<50000x128xf32, #tpu.memory_space<hbm>>) target(%arg8 : memref<128x128xf32, #tpu.memory_space<vmem>>) offsets(%arg7 : memref<128xi32, #tpu.memory_space<vmem>>) semaphore(%arg9 : memref<!tpu.dma_semaphore, #tpu.memory_space<semaphore_mem>>)
      %dma_wait3A = arith.constant 0 : i32
      %dma_wait3A_20 = arith.constant 0 : i32
      %dma_wait3A_21 = tpu.memref_slice %arg2[%dma_wait3A, %dma_wait3A_20] : memref<50000x128xf32, #tpu.memory_space<hbm>> -> memref<50000x128xf32, #tpu.memory_space<hbm>>
      tpu.wait_indirect_dma semaphore(%arg9 : memref<!tpu.dma_semaphore, #tpu.memory_space<semaphore_mem>>) src(%dma_wait3A_21 : memref<50000x128xf32, #tpu.memory_space<hbm>>) dst(%arg8 : memref<128x128xf32, #tpu.memory_space<vmem>>)
      "tpu.region"() ({
        %run_scoped3A = tpu.sem_alloc : memref<!tpu.dma_semaphore, #tpu.memory_space<semaphore_mem>>
        %dma_start3A_22 = arith.constant 0 : i32
        %dma_start3A_23 = tpu.memref_slice %arg5[%add3A_17, %dma_start3A_22] : memref<16384x128xf32, #tpu.memory_space<hbm>> -> memref<128x128xf32, #tpu.memory_space<hbm>>
        %dma_start3A_24 = arith.constant 0 : i32
        %dma_start3A_25 = tpu.memref_slice %arg5[%add3A_17, %dma_start3A_24] : memref<16384x128xf32, #tpu.memory_space<hbm>> -> memref<128x128xf32, #tpu.memory_space<hbm>>
        tpu.enqueue_dma source(%arg8 : memref<128x128xf32, #tpu.memory_space<vmem>>) target(%dma_start3A_25 : memref<128x128xf32, #tpu.memory_space<hbm>>) target_semaphore(%run_scoped3A : memref<!tpu.dma_semaphore, #tpu.memory_space<semaphore_mem>>)
        %dma_wait3A_26 = arith.constant 0 : i32
        %dma_wait3A_27 = tpu.memref_slice %arg5[%add3A_17, %dma_wait3A_26] : memref<16384x128xf32, #tpu.memory_space<hbm>> -> memref<128x128xf32, #tpu.memory_space<hbm>>
        %dma_wait3A_28 = arith.constant 0 : i32
        %dma_wait3A_29 = tpu.memref_slice %arg5[%add3A_17, %dma_wait3A_28] : memref<16384x128xf32, #tpu.memory_space<hbm>> -> memref<128x128xf32, #tpu.memory_space<hbm>>
        tpu.wait_dma2 semaphore(%run_scoped3A : memref<!tpu.dma_semaphore, #tpu.memory_space<semaphore_mem>>) src(%arg8 : memref<128x128xf32, #tpu.memory_space<vmem>>) dst(%dma_wait3A_29 : memref<128x128xf32, #tpu.memory_space<hbm>>)
        tpu.yield
      }) : () -> ()
    }
    %scan3A_5 = arith.constant 4 : i32
    %scan3A_6 = arith.constant 0 : i32
    %scan3A_7 = arith.constant 0 : i32
    %scan3A_8 = arith.constant 4 : i32
    %scan3A_9 = arith.addi %scan3A_7, %scan3A_8 : i32
    %scan3A_10 = arith.constant 1 : i32
    scf.for %scan3A_12 = %scan3A_7 to %scan3A_9 step %scan3A_10  : i32 {
      %mul3A_13 = arith.constant 512 : i32
      %mul3A_14 = arith.muli %add3A, %mul3A_13 : i32
      %mul3A_15 = arith.constant 128 : i32
      %mul3A_16 = arith.muli %scan3A_12, %mul3A_15 : i32
      %add3A_17 = arith.addi %mul3A_14, %mul3A_16 : i32
      "tpu.region"() ({
        %run_scoped3A = tpu.sem_alloc : memref<!tpu.dma_semaphore, #tpu.memory_space<semaphore_mem>>
        %dma_start3A_22 = tpu.memref_slice %arg4[%add3A_17] : memref<16384xi32, #tpu.memory_space<hbm>> -> memref<128xi32, #tpu.memory_space<hbm>>
        %dma_start3A_23 = tpu.memref_slice %arg4[%add3A_17] : memref<16384xi32, #tpu.memory_space<hbm>> -> memref<128xi32, #tpu.memory_space<hbm>>
        tpu.enqueue_dma source(%dma_start3A_23 : memref<128xi32, #tpu.memory_space<hbm>>) target(%arg7 : memref<128xi32, #tpu.memory_space<vmem>>) target_semaphore(%run_scoped3A : memref<!tpu.dma_semaphore, #tpu.memory_space<semaphore_mem>>)
        %dma_wait3A_24 = tpu.memref_slice %arg4[%add3A_17] : memref<16384xi32, #tpu.memory_space<hbm>> -> memref<128xi32, #tpu.memory_space<hbm>>
        %dma_wait3A_25 = tpu.memref_slice %arg4[%add3A_17] : memref<16384xi32, #tpu.memory_space<hbm>> -> memref<128xi32, #tpu.memory_space<hbm>>
        tpu.wait_dma2 semaphore(%run_scoped3A : memref<!tpu.dma_semaphore, #tpu.memory_space<semaphore_mem>>) src(%dma_wait3A_25 : memref<128xi32, #tpu.memory_space<hbm>>) dst(%arg7 : memref<128xi32, #tpu.memory_space<vmem>>)
        tpu.yield
      }) : () -> ()
      %dma_start3A = arith.constant 0 : i32
      %dma_start3A_18 = arith.constant 0 : i32
      %dma_start3A_19 = tpu.memref_slice %arg2[%dma_start3A, %dma_start3A_18] : memref<50000x128xf32, #tpu.memory_space<hbm>> -> memref<50000x128xf32, #tpu.memory_space<hbm>>
      tpu.enqueue_indirect_dma source(%dma_start3A_19 : memref<50000x128xf32, #tpu.memory_space<hbm>>) target(%arg8 : memref<128x128xf32, #tpu.memory_space<vmem>>) offsets(%arg7 : memref<128xi32, #tpu.memory_space<vmem>>) semaphore(%arg9 : memref<!tpu.dma_semaphore, #tpu.memory_space<semaphore_mem>>)
      %dma_wait3A = arith.constant 0 : i32
      %dma_wait3A_20 = arith.constant 0 : i32
      %dma_wait3A_21 = tpu.memref_slice %arg2[%dma_wait3A, %dma_wait3A_20] : memref<50000x128xf32, #tpu.memory_space<hbm>> -> memref<50000x128xf32, #tpu.memory_space<hbm>>
      tpu.wait_indirect_dma semaphore(%arg9 : memref<!tpu.dma_semaphore, #tpu.memory_space<semaphore_mem>>) src(%dma_wait3A_21 : memref<50000x128xf32, #tpu.memory_space<hbm>>) dst(%arg8 : memref<128x128xf32, #tpu.memory_space<vmem>>)
      "tpu.region"() ({
        %run_scoped3A = tpu.sem_alloc : memref<!tpu.dma_semaphore, #tpu.memory_space<semaphore_mem>>
        %dma_start3A_22 = arith.constant 0 : i32
        %dma_start3A_23 = tpu.memref_slice %arg6[%add3A_17, %dma_start3A_22] : memref<16384x128xf32, #tpu.memory_space<hbm>> -> memref<128x128xf32, #tpu.memory_space<hbm>>
        %dma_start3A_24 = arith.constant 0 : i32
        %dma_start3A_25 = tpu.memref_slice %arg6[%add3A_17, %dma_start3A_24] : memref<16384x128xf32, #tpu.memory_space<hbm>> -> memref<128x128xf32, #tpu.memory_space<hbm>>
        tpu.enqueue_dma source(%arg8 : memref<128x128xf32, #tpu.memory_space<vmem>>) target(%dma_start3A_25 : memref<128x128xf32, #tpu.memory_space<hbm>>) target_semaphore(%run_scoped3A : memref<!tpu.dma_semaphore, #tpu.memory_space<semaphore_mem>>)
        %dma_wait3A_26 = arith.constant 0 : i32
        %dma_wait3A_27 = tpu.memref_slice %arg6[%add3A_17, %dma_wait3A_26] : memref<16384x128xf32, #tpu.memory_space<hbm>> -> memref<128x128xf32, #tpu.memory_space<hbm>>
        %dma_wait3A_28 = arith.constant 0 : i32
        %dma_wait3A_29 = tpu.memref_slice %arg6[%add3A_17, %dma_wait3A_28] : memref<16384x128xf32, #tpu.memory_space<hbm>> -> memref<128x128xf32, #tpu.memory_space<hbm>>
        tpu.wait_dma2 semaphore(%run_scoped3A : memref<!tpu.dma_semaphore, #tpu.memory_space<semaphore_mem>>) src(%arg8 : memref<128x128xf32, #tpu.memory_space<vmem>>) dst(%dma_wait3A_29 : memref<128x128xf32, #tpu.memory_space<hbm>>)
        tpu.yield
      }) : () -> ()
    }
    %scan3A_11 = arith.constant 4 : i32
    return
  }
}

module attributes {stable_mosaic.version = 14 : i64} {
  func.func @_tc_pre_body(%arg0: i32, %arg1: memref<2000x64xf32, #tpu.memory_space<vmem>>, %arg2: memref<64x64xf32, #tpu.memory_space<vmem>>, %arg3: memref<64x64xf32, #tpu.memory_space<vmem>>, %arg4: memref<64x64xf32, #tpu.memory_space<vmem>>, %arg5: memref<64x64xf32, #tpu.memory_space<vmem>>, %arg6: memref<2000x128xf32, #tpu.memory_space<vmem>>) attributes {dimension_semantics = [#tpu.dimension_semantics<arbitrary>], iteration_bounds = array<i64: 25>, scalar_prefetch = 0 : i64, scratch_operands = 0 : i64, tpu.core_type = #tpu.core_type<tc>, window_params = [{transform_indices = @transform_0, window_bounds = array<i64: 2000, 64>}, {pipeline_mode = #tpu.pipeline_mode<synchronous>, transform_indices = @transform_1, window_bounds = array<i64: 64, 64>}, {pipeline_mode = #tpu.pipeline_mode<synchronous>, transform_indices = @transform_2, window_bounds = array<i64: 64, 64>}, {pipeline_mode = #tpu.pipeline_mode<synchronous>, transform_indices = @transform_3, window_bounds = array<i64: 64, 64>}, {pipeline_mode = #tpu.pipeline_mode<synchronous>, transform_indices = @transform_4, window_bounds = array<i64: 64, 64>}, {transform_indices = @transform_5, window_bounds = array<i64: 2000, 128>}]} {
    %get3A = arith.constant 0 : index
    %get3A_0 = arith.constant 0 : index
    %get3A_1 = vector.load %arg1[%get3A, %get3A_0] : memref<2000x64xf32, #tpu.memory_space<vmem>>, vector<2000x64xf32>
    %mul3A = arith.mulf %get3A_1, %get3A_1 : vector<2000x64xf32>
    %get3A_2 = arith.constant 0 : index
    %get3A_3 = arith.constant 0 : index
    %get3A_4 = vector.load %arg2[%get3A_2, %get3A_3] : memref<64x64xf32, #tpu.memory_space<vmem>>, vector<64x64xf32>
    %dot_general3A = arith.constant dense<0.000000e+00> : vector<2000x64xf32>
    %dot_general3A_5 = tpu.matmul %get3A_1, %get3A_4, %dot_general3A {dimension_numbers = #tpu.dot_dimension_numbers<[1], [0], [0], [1], [0, 0, 1, 1], [], []>, precision = #tpu.contract_precision<fp32>, transpose_lhs_hint = false} : vector<2000x64xf32>, vector<64x64xf32>, vector<2000x64xf32> -> vector<2000x64xf32>
    %get3A_6 = arith.constant 0 : index
    %get3A_7 = arith.constant 0 : index
    %get3A_8 = vector.load %arg3[%get3A_6, %get3A_7] : memref<64x64xf32, #tpu.memory_space<vmem>>, vector<64x64xf32>
    %dot_general3A_9 = arith.constant dense<0.000000e+00> : vector<2000x64xf32>
    %dot_general3A_10 = tpu.matmul %mul3A, %get3A_8, %dot_general3A_9 {dimension_numbers = #tpu.dot_dimension_numbers<[1], [0], [0], [1], [0, 0, 1, 1], [], []>, precision = #tpu.contract_precision<fp32>, transpose_lhs_hint = false} : vector<2000x64xf32>, vector<64x64xf32>, vector<2000x64xf32> -> vector<2000x64xf32>
    %add3A = arith.addf %dot_general3A_5, %dot_general3A_10 : vector<2000x64xf32>
    %get3A_11 = arith.constant 0 : index
    %get3A_12 = arith.constant 0 : index
    %get3A_13 = vector.load %arg4[%get3A_11, %get3A_12] : memref<64x64xf32, #tpu.memory_space<vmem>>, vector<64x64xf32>
    %dot_general3A_14 = arith.constant dense<0.000000e+00> : vector<2000x64xf32>
    %dot_general3A_15 = tpu.matmul %get3A_1, %get3A_13, %dot_general3A_14 {dimension_numbers = #tpu.dot_dimension_numbers<[1], [0], [0], [1], [0, 0, 1, 1], [], []>, precision = #tpu.contract_precision<fp32>, transpose_lhs_hint = false} : vector<2000x64xf32>, vector<64x64xf32>, vector<2000x64xf32> -> vector<2000x64xf32>
    %get3A_16 = arith.constant 0 : index
    %get3A_17 = arith.constant 0 : index
    %get3A_18 = vector.load %arg5[%get3A_16, %get3A_17] : memref<64x64xf32, #tpu.memory_space<vmem>>, vector<64x64xf32>
    %dot_general3A_19 = arith.constant dense<0.000000e+00> : vector<2000x64xf32>
    %dot_general3A_20 = tpu.matmul %mul3A, %get3A_18, %dot_general3A_19 {dimension_numbers = #tpu.dot_dimension_numbers<[1], [0], [0], [1], [0, 0, 1, 1], [], []>, precision = #tpu.contract_precision<fp32>, transpose_lhs_hint = false} : vector<2000x64xf32>, vector<64x64xf32>, vector<2000x64xf32> -> vector<2000x64xf32>
    %add3A_21 = arith.addf %dot_general3A_15, %dot_general3A_20 : vector<2000x64xf32>
    %concatenate3A = tpu.concatenate %add3A, %add3A_21 in 1 : vector<2000x64xf32>, vector<2000x64xf32> -> vector<2000x128xf32>
    %swap3A = arith.constant 0 : index
    %swap3A_22 = arith.constant 0 : index
    %swap3A_23 = vector.load %arg6[%swap3A, %swap3A_22] : memref<2000x128xf32, #tpu.memory_space<vmem>>, vector<2000x128xf32>
    tpu.vector_store %arg6[%swap3A, %swap3A_22], %concatenate3A {strides = array<i32>} : memref<2000x128xf32, #tpu.memory_space<vmem>>, vector<2000x128xf32>,
    return
  }
  func.func @transform_0(%arg0: i32) -> (i32, i32) {
    %c0_i32 = arith.constant 0 : i32
    %c0_i32_0 = arith.constant 0 : i32
    return %arg0, %c0_i32 : i32, i32
  }
  func.func @transform_1(%arg0: i32) -> (i32, i32) {
    %c0_i32 = arith.constant 0 : i32
    %c0_i32_0 = arith.constant 0 : i32
    %c0_i32_1 = arith.constant 0 : i32
    return %c0_i32, %c0_i32_0 : i32, i32
  }
  func.func @transform_2(%arg0: i32) -> (i32, i32) {
    %c0_i32 = arith.constant 0 : i32
    %c0_i32_0 = arith.constant 0 : i32
    %c0_i32_1 = arith.constant 0 : i32
    return %c0_i32, %c0_i32_0 : i32, i32
  }
  func.func @transform_3(%arg0: i32) -> (i32, i32) {
    %c0_i32 = arith.constant 0 : i32
    %c0_i32_0 = arith.constant 0 : i32
    %c0_i32_1 = arith.constant 0 : i32
    return %c0_i32, %c0_i32_0 : i32, i32
  }
  func.func @transform_4(%arg0: i32) -> (i32, i32) {
    %c0_i32 = arith.constant 0 : i32
    %c0_i32_0 = arith.constant 0 : i32
    %c0_i32_1 = arith.constant 0 : i32
    return %c0_i32, %c0_i32_0 : i32, i32
  }
  func.func @transform_5(%arg0: i32) -> (i32, i32) {
    %c0_i32 = arith.constant 0 : i32
    %c0_i32_0 = arith.constant 0 : i32
    return %arg0, %c0_i32 : i32, i32
  }
}

module attributes {stable_mosaic.version = 14 : i64} {
  func.func @_tc_fin_body(%arg0: i32, %arg1: memref<2000x128xf32, #tpu.memory_space<vmem>>, %arg2: memref<2000x64xf32, #tpu.memory_space<vmem>>, %arg3: memref<2000x128xf32, #tpu.memory_space<vmem>>) attributes {dimension_semantics = [#tpu.dimension_semantics<arbitrary>], iteration_bounds = array<i64: 25>, scalar_prefetch = 0 : i64, scratch_operands = 0 : i64, tpu.core_type = #tpu.core_type<tc>, window_params = [{transform_indices = @transform_0, window_bounds = array<i64: 2000, 128>}, {transform_indices = @transform_1, window_bounds = array<i64: 2000, 64>}, {transform_indices = @transform_2, window_bounds = array<i64: 2000, 128>}]} {
    %get3A = arith.constant 0 : index
    %get3A_0 = arith.constant 0 : index
    %get3A_1 = vector.load %arg2[%get3A, %get3A_0] : memref<2000x64xf32, #tpu.memory_space<vmem>>, vector<2000x64xf32>
    %get3A_2 = arith.constant 0 : index
    %get3A_3 = arith.constant 0 : index
    %get3A_4 = vector.load %arg1[%get3A_2, %get3A_3] : memref<2000x128xf32, #tpu.memory_space<vmem>>, vector<2000x128xf32>
    %slice3A = vector.extract_strided_slice %get3A_4 {offsets = [0, 64], sizes = [2000, 64], strides = [1, 1]} : vector<2000x128xf32> to vector<2000x64xf32>
    %concatenate3A = tpu.concatenate %get3A_1, %slice3A in 1 : vector<2000x64xf32>, vector<2000x64xf32> -> vector<2000x128xf32>
    %swap3A = arith.constant 0 : index
    %swap3A_5 = arith.constant 0 : index
    %swap3A_6 = vector.load %arg3[%swap3A, %swap3A_5] : memref<2000x128xf32, #tpu.memory_space<vmem>>, vector<2000x128xf32>
    tpu.vector_store %arg3[%swap3A, %swap3A_5], %concatenate3A {strides = array<i32>} : memref<2000x128xf32, #tpu.memory_space<vmem>>, vector<2000x128xf32>,
    return
  }
  func.func @transform_0(%arg0: i32) -> (i32, i32) {
    %c0_i32 = arith.constant 0 : i32
    %c0_i32_0 = arith.constant 0 : i32
    return %arg0, %c0_i32 : i32, i32
  }
  func.func @transform_1(%arg0: i32) -> (i32, i32) {
    %c0_i32 = arith.constant 0 : i32
    %c0_i32_0 = arith.constant 0 : i32
    return %arg0, %c0_i32 : i32, i32
  }
  func.func @transform_2(%arg0: i32) -> (i32, i32) {
    %c0_i32 = arith.constant 0 : i32
    %c0_i32_0 = arith.constant 0 : i32
    return %arg0, %c0_i32 : i32, i32
  }
}

module attributes {stable_mosaic.version = 14 : i64} {
  func.func @_tc_head_body(%arg0: i32, %arg1: memref<2048x128xf32, #tpu.memory_space<vmem>>, %arg2: memref<2048x128xf32, #tpu.memory_space<vmem>>, %arg3: memref<128x64xf32, #tpu.memory_space<vmem>>, %arg4: memref<128x64xf32, #tpu.memory_space<vmem>>, %arg5: memref<1x64xf32, #tpu.memory_space<vmem>>, %arg6: memref<64x32xf32, #tpu.memory_space<vmem>>, %arg7: memref<1x32xf32, #tpu.memory_space<vmem>>, %arg8: memref<1x32xf32, #tpu.memory_space<vmem>>, %arg9: memref<1x1xf32, #tpu.memory_space<vmem>>, %arg10: memref<2048x1xf32, #tpu.memory_space<vmem>>) attributes {dimension_semantics = [#tpu.dimension_semantics<arbitrary>], iteration_bounds = array<i64: 8>, scalar_prefetch = 0 : i64, scratch_operands = 0 : i64, tpu.core_type = #tpu.core_type<tc>, window_params = [{transform_indices = @transform_0, window_bounds = array<i64: 2048, 128>}, {transform_indices = @transform_1, window_bounds = array<i64: 2048, 128>}, {pipeline_mode = #tpu.pipeline_mode<synchronous>, transform_indices = @transform_2, window_bounds = array<i64: 128, 64>}, {pipeline_mode = #tpu.pipeline_mode<synchronous>, transform_indices = @transform_3, window_bounds = array<i64: 128, 64>}, {pipeline_mode = #tpu.pipeline_mode<synchronous>, transform_indices = @transform_4, window_bounds = array<i64: 1, 64>}, {pipeline_mode = #tpu.pipeline_mode<synchronous>, transform_indices = @transform_5, window_bounds = array<i64: 64, 32>}, {pipeline_mode = #tpu.pipeline_mode<synchronous>, transform_indices = @transform_6, window_bounds = array<i64: 1, 32>}, {pipeline_mode = #tpu.pipeline_mode<synchronous>, transform_indices = @transform_7, window_bounds = array<i64: 1, 32>}, {pipeline_mode = #tpu.pipeline_mode<synchronous>, transform_indices = @transform_8, window_bounds = array<i64: 1, 1>}, {transform_indices = @transform_9, window_bounds = array<i64: 2048, 1>}]} {
    %get3A = arith.constant 0 : index
    %get3A_0 = arith.constant 0 : index
    %get3A_1 = vector.load %arg1[%get3A, %get3A_0] : memref<2048x128xf32, #tpu.memory_space<vmem>>, vector<2048x128xf32>
    %get3A_2 = arith.constant 0 : index
    %get3A_3 = arith.constant 0 : index
    %get3A_4 = vector.load %arg2[%get3A_2, %get3A_3] : memref<2048x128xf32, #tpu.memory_space<vmem>>, vector<2048x128xf32>
    %get3A_5 = arith.constant 0 : index
    %get3A_6 = arith.constant 0 : index
    %get3A_7 = vector.load %arg3[%get3A_5, %get3A_6] : memref<128x64xf32, #tpu.memory_space<vmem>>, vector<128x64xf32>
    %dot_general3A = arith.constant dense<0.000000e+00> : vector<2048x64xf32>
    %dot_general3A_8 = tpu.matmul %get3A_1, %get3A_7, %dot_general3A {dimension_numbers = #tpu.dot_dimension_numbers<[1], [0], [0], [1], [0, 0, 1, 1], [], []>, precision = #tpu.contract_precision<fp32>, transpose_lhs_hint = false} : vector<2048x128xf32>, vector<128x64xf32>, vector<2048x64xf32> -> vector<2048x64xf32>
    %get3A_9 = arith.constant 0 : index
    %get3A_10 = arith.constant 0 : index
    %get3A_11 = vector.load %arg4[%get3A_9, %get3A_10] : memref<128x64xf32, #tpu.memory_space<vmem>>, vector<128x64xf32>
    %dot_general3A_12 = arith.constant dense<0.000000e+00> : vector<2048x64xf32>
    %dot_general3A_13 = tpu.matmul %get3A_4, %get3A_11, %dot_general3A_12 {dimension_numbers = #tpu.dot_dimension_numbers<[1], [0], [0], [1], [0, 0, 1, 1], [], []>, precision = #tpu.contract_precision<fp32>, transpose_lhs_hint = false} : vector<2048x128xf32>, vector<128x64xf32>, vector<2048x64xf32> -> vector<2048x64xf32>
    %add3A = arith.addf %dot_general3A_8, %dot_general3A_13 : vector<2048x64xf32>
    %get3A_14 = arith.constant 0 : index
    %get3A_15 = arith.constant 0 : index
    %get3A_16 = vector.load %arg5[%get3A_14, %get3A_15] : memref<1x64xf32, #tpu.memory_space<vmem>>, vector<1x64xf32>
    %add3A_17 = vector.broadcast %get3A_16 : vector<1x64xf32> to vector<2048x64xf32>
    %add3A_18 = arith.addf %add3A, %add3A_17 : vector<2048x64xf32>
    %max3A = arith.constant 0.000000e+00 : f32
    %max3A_19 = vector.broadcast %max3A : f32 to vector<2048x64xf32>
    %max3A_20 = arith.maximumf %add3A_18, %max3A_19 : vector<2048x64xf32>
    %get3A_21 = arith.constant 0 : index
    %get3A_22 = arith.constant 0 : index
    %get3A_23 = vector.load %arg6[%get3A_21, %get3A_22] : memref<64x32xf32, #tpu.memory_space<vmem>>, vector<64x32xf32>
    %dot_general3A_24 = arith.constant dense<0.000000e+00> : vector<2048x32xf32>
    %dot_general3A_25 = tpu.matmul %max3A_20, %get3A_23, %dot_general3A_24 {dimension_numbers = #tpu.dot_dimension_numbers<[1], [0], [0], [1], [0, 0, 1, 1], [], []>, precision = #tpu.contract_precision<fp32>, transpose_lhs_hint = false} : vector<2048x64xf32>, vector<64x32xf32>, vector<2048x32xf32> -> vector<2048x32xf32>
    %get3A_26 = arith.constant 0 : index
    %get3A_27 = arith.constant 0 : index
    %get3A_28 = vector.load %arg7[%get3A_26, %get3A_27] : memref<1x32xf32, #tpu.memory_space<vmem>>, vector<1x32xf32>
    %add3A_29 = vector.broadcast %get3A_28 : vector<1x32xf32> to vector<2048x32xf32>
    %add3A_30 = arith.addf %dot_general3A_25, %add3A_29 : vector<2048x32xf32>
    %get3A_31 = arith.constant 0 : index
    %get3A_32 = arith.constant 0 : index
    %get3A_33 = vector.load %arg8[%get3A_31, %get3A_32] : memref<1x32xf32, #tpu.memory_space<vmem>>, vector<1x32xf32>
    %mul3A = vector.broadcast %get3A_33 : vector<1x32xf32> to vector<2048x32xf32>
    %mul3A_34 = arith.mulf %add3A_30, %mul3A : vector<2048x32xf32>
    %reduce_sum3A = arith.constant dense<0.000000e+00> : vector<2048xf32>
    %reduce_sum3A_35 = vector.multi_reduction <add>, %mul3A_34, %reduce_sum3A [1] : vector<2048x32xf32> to vector<2048xf32>
    %broadcast_in_dim3A = vector.shape_cast %reduce_sum3A_35 : vector<2048xf32> to vector<2048x1xf32>
    %get3A_36 = arith.constant 0 : index
    %get3A_37 = arith.constant 0 : index
    %get3A_38 = vector.load %arg9[%get3A_36, %get3A_37] : memref<1x1xf32, #tpu.memory_space<vmem>>, vector<1x1xf32>
    %add3A_39 = vector.broadcast %get3A_38 : vector<1x1xf32> to vector<2048x1xf32>
    %add3A_40 = arith.addf %broadcast_in_dim3A, %add3A_39 : vector<2048x1xf32>
    %swap3A = arith.constant 0 : index
    %swap3A_41 = arith.constant 0 : index
    %swap3A_42 = vector.load %arg10[%swap3A, %swap3A_41] : memref<2048x1xf32, #tpu.memory_space<vmem>>, vector<2048x1xf32>
    tpu.vector_store %arg10[%swap3A, %swap3A_41], %add3A_40 {strides = array<i32>} : memref<2048x1xf32, #tpu.memory_space<vmem>>, vector<2048x1xf32>,
    return
  }
  func.func @transform_0(%arg0: i32) -> (i32, i32) {
    %c0_i32 = arith.constant 0 : i32
    %c0_i32_0 = arith.constant 0 : i32
    return %arg0, %c0_i32 : i32, i32
  }
  func.func @transform_1(%arg0: i32) -> (i32, i32) {
    %c0_i32 = arith.constant 0 : i32
    %c0_i32_0 = arith.constant 0 : i32
    return %arg0, %c0_i32 : i32, i32
  }
  func.func @transform_2(%arg0: i32) -> (i32, i32) {
    %c0_i32 = arith.constant 0 : i32
    %c0_i32_0 = arith.constant 0 : i32
    %c0_i32_1 = arith.constant 0 : i32
    return %c0_i32, %c0_i32_0 : i32, i32
  }
  func.func @transform_3(%arg0: i32) -> (i32, i32) {
    %c0_i32 = arith.constant 0 : i32
    %c0_i32_0 = arith.constant 0 : i32
    %c0_i32_1 = arith.constant 0 : i32
    return %c0_i32, %c0_i32_0 : i32, i32
  }
  func.func @transform_4(%arg0: i32) -> (i32, i32) {
    %c0_i32 = arith.constant 0 : i32
    %c0_i32_0 = arith.constant 0 : i32
    %c0_i32_1 = arith.constant 0 : i32
    return %c0_i32, %c0_i32_0 : i32, i32
  }
  func.func @transform_5(%arg0: i32) -> (i32, i32) {
    %c0_i32 = arith.constant 0 : i32
    %c0_i32_0 = arith.constant 0 : i32
    %c0_i32_1 = arith.constant 0 : i32
    return %c0_i32, %c0_i32_0 : i32, i32
  }
  func.func @transform_6(%arg0: i32) -> (i32, i32) {
    %c0_i32 = arith.constant 0 : i32
    %c0_i32_0 = arith.constant 0 : i32
    %c0_i32_1 = arith.constant 0 : i32
    return %c0_i32, %c0_i32_0 : i32, i32
  }
  func.func @transform_7(%arg0: i32) -> (i32, i32) {
    %c0_i32 = arith.constant 0 : i32
    %c0_i32_0 = arith.constant 0 : i32
    %c0_i32_1 = arith.constant 0 : i32
    return %c0_i32, %c0_i32_0 : i32, i32
  }
  func.func @transform_8(%arg0: i32) -> (i32, i32) {
    %c0_i32 = arith.constant 0 : i32
    %c0_i32_0 = arith.constant 0 : i32
    %c0_i32_1 = arith.constant 0 : i32
    return %c0_i32, %c0_i32_0 : i32, i32
  }
  func.func @transform_9(%arg0: i32) -> (i32, i32) {
    %c0_i32 = arith.constant 0 : i32
    %c0_i32_0 = arith.constant 0 : i32
    return %arg0, %c0_i32 : i32, i32
  }
}

</mosaic_0001>

<sc_bundles>
// kernel: kernel.10.cloned.1.call-start
scs
__scs_entry_jumppad:
0x0: {  	(pc) =	sbr.rel $0x88, $3  }
0x1: {  	(tag) =	ssettag $0x0;
	lr =	simm.s32 $0x1  }
0x2: {  	[smem:$0x3F89] =	sst lr;
	_ =	strace $0xD0000000  }
0x3: {  	_ = 	snop  }
0x4: {  	_ = 	snop  }
0x5: {  	_ = 	snop  }
0x6: {  	_ = 	snop  }
0x7: {  	_ = 	snop  }
__scs_overlays_trampoline_lowered:
0x8: {  	[smem:$0x3F98] =	sst s0  }
0x9: {  	[smem:$0x3F99] =	sst s1  }
0xa: {  	[smem:$0x3F9A] =	sst s2  }
0xb: {  	[smem:$0x3F9B] =	sst s3  }
0xc: {  	[smem:$0x3F9C] =	sst s4  }
0xd: {  	[smem:$0x3F9D] =	sst s5  }
0xe: {  	[smem:$0x3F9E] =	sst s6  }
0xf: {  	[smem:$0x3F9F] =	sst s7  }
0x10: {  	[smem:$0x3FA0] =	sst s8  }
0x11: {  	[smem:$0x3FA1] =	sst s9;
	s0 =	simm.s32 @!p0 $0x0  }
0x12: {  	s1 =	sld [smem:$0x3F87];
	s0 =	simm.s32 @p0 $0x1  }
0x13: {  	[smem:$0x3FA2] =	sst s0;
	s0 =	simm.s32 @!p1 $0x0  }
0x14: {  	s2 =	sld [smem:$0x3F86];
	s0 =	simm.s32 @p1 $0x1  }
0x15: {  	[smem:$0x3FA3] =	sst s0;
	s0 =	simm.s32 @!p2 $0x0  }
0x16: {  	s3 =	sld [smem:$0x3FDB];
	s0 =	simm.s32 @p2 $0x1  }
0x17: {  	s4 =	simm.s32 $0x1BF5;
	[smem:$0x3FA5] =	sst s0  }
0x18: {  	s0 =	sld [smem:$0x3F88];
	_ =	swait.ge [sflag:s4], $0x0  }
0x19: {  	s7 =	sld [smem:$0x3F89]  }
0x1a: {  	s8 =	sadd.s32 $0xFFFFE003, lr  }
0x1b: {  	s9 =	sadd.s32 $0xFFFFFEF7, lr;
	s5 =	simm.s32 $0xFFFFFFFF;
	p2 =	slt.u32 s8, $0xFFFFF086  }
0x1c: {  	p1 =	slt.u32 s9, $0xF7A;
	s5 =	simm.s32 @!p2 $0x0  }
0x1d: {  	s5 =	simm.s32 @p1 $0x1;
	p0 =	seq.s32 s7, s2  }
0x1e: {  	s7 =	smul.u32 @!p0 $0xF7A, s2;
	p2 =	seq.s32 @!p0 s5, $0x0  }
0x1f: {  	s9 =	smul.u32 $0xF7A, s1;
	s8 =	simm.s32 @!p0 $0x1BF5;
	p2 =	por !p2, p0  }
0x20: {  	[sflag:s8] =	ssyncset.s32 @!p0 $0xFFFFF086;
	s6 =	sadd.s32 @!p0 s3, s7;
	s7 =	simm.s32 @!p0 $0x108  }
0x21: {  	s3 =	sadd.s32 s3, s9;
	s6 =	sadd.s32 @!p0 $0x88, s6;
	s7 =	simm.s32 @p2 $0x1082  }
0x22: {  	[simem:s7], [sflag:s8] =	dma.local @!p0 [hbm:s6], $0xF7A  }
0x23: {  	s9 =	sor.u32 $0xD0000000, s2;
	s6 =	simm.s32 $0x108;
	_ =	swait.ge @!p0 [sflag:s8], $0x0  }
0x24: {  	s3 =	sadd.s32 $0x88, s3;
	s6 =	simm.s32 @!p1 $0x1082;
	[sflag:s4] =	ssyncset.s32 $0xFFFFF086  }
0x25: {  	[simem:s6], [sflag:s4] =	dma.local [hbm:s3], $0xF7A  }
0x26: {  	[smem:$0x3F89] =	sst s1;
	(tag) =	ssettag s2;
	_ =	strace s9  }
0x27: {  	s1 =	sld [smem:$0x3F99]  }
0x28: {  	s2 =	sld [smem:$0x3F9A]  }
0x29: {  	s4 =	sld [smem:$0x3F9C]  }
0x2a: {  	p0 =	seq.s32 s5, $0x0;
	s5 =	sld [smem:$0x3F9D]  }
0x2b: {  	s6 =	sld [smem:$0x3F9E]  }
0x2c: {  	s7 =	sld [smem:$0x3F9F]  }
0x2d: {  	s3 =	simm.s32 $0x108;
	s8 =	sld [smem:$0x3FA0]  }
0x2e: {  	s3 =	simm.s32 @!p0 $0x1082;
	s9 =	sld [smem:$0x3FA1]  }
0x2f: {  	lr =	sadd.s32 s0, s3;
	s0 =	sld [smem:$0x3F98]  }
0x30: {  	s3 =	sld [smem:$0x3F9B]  }
0x31: {  	[smem:$0x3FA4] =	sst s10  }
0x32: {  	s10 =	sld [smem:$0x3FA2];
	_ =	sdelay $0x3  }
0x33: {  	p0 =	seq.s32 s10, $0x1;
	s10 =	sld [smem:$0x3FA4];
	_ =	sdelay $0x3  }
0x34: {  	[smem:$0x3FA4] =	sst s10  }
0x35: {  	s10 =	sld [smem:$0x3FA3];
	_ =	sdelay $0x3  }
0x36: {  	p1 =	seq.s32 s10, $0x1;
	s10 =	sld [smem:$0x3FA4];
	_ =	sdelay $0x3  }
0x37: {  	[smem:$0x3FA4] =	sst s10  }
0x38: {  	s10 =	sld [smem:$0x3FA5]  }
0x39: {  	_ = 	snop;
	(pc) =	sbr.ind lr, $3  }
0x3a: {  	_ = 	snop  }
0x3b: {  	_ = 	snop  }
0x3c: {  	p2 =	seq.s32 s10, $0x1;
	s10 =	sld [smem:$0x3FA4]  }
0x3d: {  	_ =	shalt  }
0x3e: {  	_ =	shalt  }
0x3f: {  	_ =	shalt  }
0x40: {  	_ =	shalt  }
0x41: {  	_ =	shalt  }
0x42: {  	_ =	shalt  }
0x43: {  	_ =	shalt  }
0x44: {  	_ =	shalt  }
0x45: {  	_ =	shalt  }
0x46: {  	_ =	shalt  }
0x47: {  	_ =	shalt  }
0x48: {  	_ =	shalt  }
0x49: {  	_ =	shalt  }
0x4a: {  	_ =	shalt  }
0x4b: {  	_ =	shalt  }
0x4c: {  	_ =	shalt  }
0x4d: {  	_ =	shalt  }
0x4e: {  	_ =	shalt  }
0x4f: {  	_ =	shalt  }
0x50: {  	_ =	shalt  }
0x51: {  	_ =	shalt  }
0x52: {  	_ =	shalt  }
0x53: {  	_ =	shalt  }
0x54: {  	_ =	shalt  }
0x55: {  	_ =	shalt  }
0x56: {  	_ =	shalt  }
0x57: {  	_ =	shalt  }
0x58: {  	_ =	shalt  }
0x59: {  	_ =	shalt  }
0x5a: {  	_ =	shalt  }
0x5b: {  	_ =	shalt  }
0x5c: {  	_ =	shalt  }
0x5d: {  	_ =	shalt  }
0x5e: {  	_ =	shalt  }
0x5f: {  	_ =	shalt  }
0x60: {  	_ =	shalt  }
0x61: {  	_ =	shalt  }
0x62: {  	_ =	shalt  }
0x63: {  	_ =	shalt  }
0x64: {  	_ =	shalt  }
0x65: {  	_ =	shalt  }
0x66: {  	_ =	shalt  }
0x67: {  	_ =	shalt  }
0x68: {  	_ =	shalt  }
0x69: {  	_ =	shalt  }
0x6a: {  	_ =	shalt  }
0x6b: {  	_ =	shalt  }
0x6c: {  	_ =	shalt  }
0x6d: {  	_ =	shalt  }
0x6e: {  	_ =	shalt  }
0x6f: {  	_ =	shalt  }
0x70: {  	_ =	shalt  }
0x71: {  	_ =	shalt  }
0x72: {  	_ =	shalt  }
0x73: {  	_ =	shalt  }
0x74: {  	_ =	shalt  }
0x75: {  	_ =	shalt  }
0x76: {  	_ =	shalt  }
0x77: {  	_ =	shalt  }
0x78: {  	_ =	shalt  }
0x79: {  	_ =	shalt  }
0x7a: {  	_ =	shalt  }
0x7b: {  	_ =	shalt  }
0x7c: {  	_ =	shalt  }
0x7d: {  	_ =	shalt  }
0x7e: {  	_ =	shalt  }
0x7f: {  	_ =	shalt  }
0x80: {  	_ =	shalt  }
0x81: {  	_ =	shalt  }
0x82: {  	_ =	shalt  }
0x83: {  	_ =	shalt  }
0x84: {  	_ =	shalt  }
0x85: {  	_ =	shalt  }
0x86: {  	_ =	shalt  }
0x87: {  	_ =	shalt  }
.Lfunc_end0:
.L_simem_size_0:
called_computation.1_lowered:
.L_overlay_start_0:
0x88: {  	s2 =	sld [smem:$0x3FD9]  }
0x89: {  	s3 =	sld [smem:$0x3FFE];
	_ =	sdelay $0x1  }
0x8a: {  	s1 =	srdreg.scid  }
0x8b: {  	s0 =	sand.u32 $0x1, s1  }
0x8c: {  	s15 =	sshll.u32 s0, $0xA;
	s2 =	sadd.s32 s3, s2  }
0x8d: {  	s2 =	sadd.s32 s2, s15  }
0x8e: {  	[smem:$0x3FB0] =	sst s2  }
0x8f: {  	_ = 	snop  }
0x90: {  	s2 =	sld [smem:$0x3FD0];
	_ =	sdelay $0x2  }
0x91: {  	s4 =	simm.s32 $0xA;
	s5 =	simm.s32 $0x10;
	s16 =	sld [smem:$0x3FC9]  }
0x92: {  	[smem:s5], [sflag:s4] =	dma.local [hbm:s2], $0x1  }
0x93: {  	_ =	swait.eq [sflag:s4], $0x1  }
0x94: {  	s17 =	sld [smem:$0x10]  }
0x95: {  	s18 =	sld [smem:$0x11];
	[sflag:s4] =	ssyncset.done $0x0  }
0x96: {  	s6 =	sld [smem:$0x12];
	[sflag:s4] =	ssyncadd.s32 $0xFFFFFFFF  }
0x97: {  	s19 =	sld [smem:$0x13];
	(tm) =	ssettm $0x1  }
0x98: {  	s7 =	sld [smem:$0x3FFB];
	_ =	sdelay $0x3  }
0x99: {  	_ =	strace s7  }
0x9a: {  	s7 =	sld [smem:$0x3FFC];
	_ =	sdelay $0x3  }
0x9b: {  	_ =	strace s7  }
0x9c: {  	s7 =	sld [smem:$0x3FFD];
	_ =	sdelay $0x3  }
0x9d: {  	_ =	strace s7  }
0x9e: {  	_ =	strace $0x8FFFFFFF  }
0x9f: {  	s20 =	sld [smem:$0x3FDB];
	_ =	sdelay $0x1  }
0xa0: {  	s8 =	simm.s32 $_scs_section_size  }
0xa1: {  	s9 =	simm.s32 $_size__tile_overlayer_lowered;
	s10 =	simm.s32 $_tile_overlayer_lowered  }
0xa2: {  	s23 =	simm.s32 $0x1BFF;
	s22 =	sshll.u32 s10, $0x1;
	s7 =	sadd.s32 s8, s20  }
0xa3: {  	s11 =	simm.s32 $0x0;
	s21 =	sshll.u32 s9, $0x1;
	s9 =	sadd.s32 s22, s7  }
0xa4: {  	[timem:s11], [sflag:s23] =	dma.local [hbm:s9], s21  }
0xa5: {  	_ =	swait.ge [sflag:s23], s21  }
0xa6: {  	s8 =	ssub.s32 $0x0, s21;
	[sflag:s23] =	ssyncset.done $0x0  }
0xa7: {  	[sflag:s23] =	ssyncadd.s32 s8;
	_ =	sdelay $0x1  }
0xa8: {  	s24 =	simm.s32 $0x1B8B  }
0xa9: {  	_ =	swait.ge [sflag:s24], $0x1  }
0xaa: {  	[sflag:s24] =	ssyncset.done $0x0  }
0xab: {  	s25 =	simm.s32 $0x1B8E;
	[sflag:s24] =	ssyncadd.s32 $0xFFFFFFFF  }
0xac: {  	s26 =	simm.s32 $execute0_lowered;
	[smem:$0x3FD2] =	sst s25  }
0xad: {  	s8 =	sshll.u32 s26, $0x1;
	_ =	strace $0x80000049;
	[dreg:$0x1] =	wrdreg $0xFFFFFFFF  }
0xae: {  	s28 =	simm.s32 $_size_execute0_lowered;
	s7 =	sadd.s32 s7, s8;
	[dreg:$0x0] =	wrdreg $0x0  }
0xaf: {  	s8 =	sshll.u32 s28, $0x1;
	[dreg:$0x2] =	wrdreg s7  }
0xb0: {  	[dreg:$0x3] =	wrdreg s8  }
0xb1: {  	[dreg:$0x4] =	wrdreg $0xC0  }
0xb2: {  	_ =	task [dreg:s11], $0x5FFFF  }
0xb3: {  	[dreg:$0x1] =	wrdreg $0xFFFFFFFF  }
0xb4: {  	[dreg:$0x0] =	wrdreg $0x60  }
0xb5: {  	[dreg:$0x2] =	wrdreg s19  }
0xb6: {  	[dreg:$0x3] =	wrdreg s16  }
0xb7: {  	[dreg:$0x4] =	wrdreg s17  }
0xb8: {  	[dreg:$0x5] =	wrdreg s18  }
0xb9: {  	[dreg:$0x6] =	wrdreg s6  }
0xba: {  	[dreg:$0x7] =	wrdreg $0x9  }
0xbb: {  	_ =	task.clear_ibuf [dreg:s11], $0x8FFFF;
	_ =	strace $0x90000049  }
0xbc: {  	s29 =	simm.s32 $0x9;
	_ =	strace $0x8000004B  }
0xbd: {  	_ =	swait.ge [sflag:s29], $0x1  }
0xbe: {  	[sflag:s29] =	ssyncadd.s32 $0xFFFFFFFF  }
0xbf: {  	_ =	strace $0x9000004B  }
0xc0: {  	_ =	sfence  }
0xc1: {  	s30 =	sld [smem:$0x0];
	_ =	sdelay $0x2  }
0xc2: {  	s31 =	sshll.u32 s1, $0xD;
	s1 =	sshrl.u32 s1, $0x2  }
0xc3: {  	s3 =	sand.u32 $0x4000, s31;
	s1 =	sadd.s32 s1, s30  }
0xc4: {  	s0 =	sor.u32 s3, s0;
	s1 =	sshll.u32 s1, $0x11  }
0xc5: {  	s0 =	sor.u32 s1, s0  }
0xc6: {  	s0 =	sadd.s32 $0x8F2B, s0  }
0xc7: {  	[sflag:s0] =	ssyncadd.remote.s32 $0x1  }
0xc8: {  	_ =	sfence.sel $0xFFFF  }
0xc9: {  	[dreg:$0x0] =	wrdreg $0xFFFFFFFF;
	(pc) =	sbr.abs _section_cstart, $3  }
0xca: {  	[dreg:$0x1] =	wrdreg $0xFFFFFFFF  }
0xcb: {  	_ =	task.clear_ibuf [dreg:s11], $0x2FFFF;
	_ =	strace $0x9FFFFFFF  }
0xcc: {  	(tm) =	ssettm $0x7FFFFFFF  }
0xcd: {  	_ =	shalt  }
tec
execute0_lowered:
.L_overlay_start_1:
0x0: {  	(tag) =	ssettag $0x1  }
0x1: {  	s1 =	rddreg [dreg:$0x0]  }
0x2: {  	s13 =	rddreg [dreg:$0x1]  }
0x3: {  	s21 =	rddreg [dreg:$0x2];
	s2 =	srdreg.scid  }
0x4: {  	s14 =	rddreg [dreg:$0x3];
	s0 =	stileid.u32;
	s23 =	sand.u32 $0x1, s2  }
0x5: {  	s22 =	rddreg [dreg:$0x4];
	s4 =	sshll.u32 s0, $0xA;
	s5 =	sshll.u32 s23, $0x9  }
0x6: {  	s3 =	simm.s32 $0x0;
	s2 =	rddreg [dreg:$0x5];
	s19 =	sor.u32 s5, s4  }
0x7: {  	[smem:$0x7FF] =	sst s3;
	s15 =	sshrl.u32 s19, $0x3  }
0x8: {  	_ =	strace $0x8000004A;
	s4 =	simm.s32 $0x2;
	s5 =	sadd.s32 s13, s15  }
0x9: {  	[tilespmem:s3], [sflag:$0x2] =	stream.linear.gather [hbm4b:s5+s3], $0x80, $0x38;
	[tilespmem:$0x4080] =	vst v63  }
0xa: {  	_ =	swait.ge [sflag:s4], $0x80  }
0xb: {  	[sflag:s4] =	ssyncset.done $0x0  }
0xc: {  	s6 =	simm.s32 $0x80;
	s7 =	simm.s32 $0x1;
	[sflag:s4] =	ssyncadd.s32 $0xFFFFFF80  }
0xd: {  	[tilespmem:s6], [sflag:$0x1] =	stream.indirect.gather [hbm4b:s1+s6], $0x80, s3, s6, $0xb8;
	[tilespmem:$0x4080] =	vst v63  }
0xe: {  	_ =	swait.ge [sflag:s7], $0x4000  }
0xf: {  	s16 =	sshll.u32 s19, $0x4;
	[sflag:s7] =	ssyncset.done $0x0  }
0x10: {  	s8 =	sadd.s32 s14, s16;
	[sflag:s7] =	ssyncadd.s32 $0xFFFFC000  }
0x11: {  	[hbm4b:s8+s3] =	stream.linear.scatter [tilespmem:s6], [sflag:$0x2], $0x4000, $0x38;
	[tilespmem:$0x4080] =	vst v63  }
0x12: {  	s10 =	sor.u32 $0x80, s19;
	_ =	swait.ge [sflag:s4], $0x4000  }
0x13: {  	s17 =	sshrl.u32 s10, $0x3;
	[sflag:s4] =	ssyncset.done $0x0  }
0x14: {  	s9 =	sadd.s32 s13, s17;
	[sflag:s4] =	ssyncadd.s32 $0xFFFFC000  }
0x15: {  	[tilespmem:s3], [sflag:$0x2] =	stream.linear.gather [hbm4b:s9+s3], $0x80, $0x38;
	[tilespmem:$0x4080] =	vst v63  }
0x16: {  	_ =	swait.ge [sflag:s4], $0x80  }
0x17: {  	[sflag:s4] =	ssyncset.done $0x0  }
0x18: {  	[sflag:s4] =	ssyncadd.s32 $0xFFFFFF80  }
0x19: {  	[tilespmem:s6], [sflag:$0x1] =	stream.indirect.gather [hbm4b:s1+s6], $0x80, s3, s6, $0xb8;
	[tilespmem:$0x4080] =	vst v63  }
0x1a: {  	_ =	swait.ge [sflag:s7], $0x4000  }
0x1b: {  	s18 =	sshll.u32 s10, $0x4;
	[sflag:s7] =	ssyncset.done $0x0  }
0x1c: {  	s10 =	sadd.s32 s14, s18;
	[sflag:s7] =	ssyncadd.s32 $0xFFFFC000  }
0x1d: {  	[hbm4b:s10+s3] =	stream.linear.scatter [tilespmem:s6], [sflag:$0x2], $0x4000, $0x38;
	[tilespmem:$0x4080] =	vst v63  }
0x1e: {  	s12 =	sor.u32 $0x100, s19;
	_ =	swait.ge [sflag:s4], $0x4000  }
0x1f: {  	s20 =	sshrl.u32 s12, $0x3;
	[sflag:s4] =	ssyncset.done $0x0  }
0x20: {  	s11 =	sadd.s32 s13, s20;
	[sflag:s4] =	ssyncadd.s32 $0xFFFFC000  }
0x21: {  	[tilespmem:s3], [sflag:$0x2] =	stream.linear.gather [hbm4b:s11+s3], $0x80, $0x38;
	[tilespmem:$0x4080] =	vst v63  }
0x22: {  	_ =	swait.ge [sflag:s4], $0x80  }
0x23: {  	[sflag:s4] =	ssyncset.done $0x0  }
0x24: {  	[sflag:s4] =	ssyncadd.s32 $0xFFFFFF80  }
0x25: {  	[tilespmem:s6], [sflag:$0x1] =	stream.indirect.gather [hbm4b:s1+s6], $0x80, s3, s6, $0xb8;
	[tilespmem:$0x4080] =	vst v63  }
0x26: {  	_ =	swait.ge [sflag:s7], $0x4000  }
0x27: {  	s24 =	sshll.u32 s12, $0x4;
	[sflag:s7] =	ssyncset.done $0x0  }
0x28: {  	s12 =	sadd.s32 s14, s24;
	[sflag:s7] =	ssyncadd.s32 $0xFFFFC000  }
0x29: {  	[hbm4b:s12+s3] =	stream.linear.scatter [tilespmem:s6], [sflag:$0x2], $0x4000, $0x38;
	[tilespmem:$0x4080] =	vst v63  }
0x2a: {  	s19 =	sor.u32 $0x180, s19;
	_ =	swait.ge [sflag:s4], $0x4000  }
0x2b: {  	s25 =	sshrl.u32 s19, $0x3;
	[sflag:s4] =	ssyncset.done $0x0  }
0x2c: {  	s13 =	sadd.s32 s13, s25;
	[sflag:s4] =	ssyncadd.s32 $0xFFFFC000  }
0x2d: {  	[tilespmem:s3], [sflag:$0x2] =	stream.linear.gather [hbm4b:s13+s3], $0x80, $0x38;
	[tilespmem:$0x4080] =	vst v63  }
0x2e: {  	_ =	swait.ge [sflag:s4], $0x80  }
0x2f: {  	[sflag:s4] =	ssyncset.done $0x0  }
0x30: {  	[sflag:s4] =	ssyncadd.s32 $0xFFFFFF80  }
0x31: {  	[tilespmem:s6], [sflag:$0x1] =	stream.indirect.gather [hbm4b:s1+s6], $0x80, s3, s6, $0xb8;
	[tilespmem:$0x4080] =	vst v63  }
0x32: {  	_ =	swait.ge [sflag:s7], $0x4000  }
0x33: {  	s26 =	sshll.u32 s19, $0x4;
	[sflag:s7] =	ssyncset.done $0x0  }
0x34: {  	s14 =	sadd.s32 s14, s26;
	[sflag:s7] =	ssyncadd.s32 $0xFFFFC000  }
0x35: {  	[hbm4b:s14+s3] =	stream.linear.scatter [tilespmem:s6], [sflag:$0x2], $0x4000, $0x38;
	[tilespmem:$0x4080] =	vst v63  }
0x36: {  	_ =	swait.ge [sflag:s4], $0x4000  }
0x37: {  	[sflag:s4] =	ssyncset.done $0x0  }
0x38: {  	s15 =	sadd.s32 s21, s15;
	[sflag:s4] =	ssyncadd.s32 $0xFFFFC000  }
0x39: {  	[tilespmem:s3], [sflag:$0x2] =	stream.linear.gather [hbm4b:s15+s3], $0x80, $0x38;
	[tilespmem:$0x4080] =	vst v63  }
0x3a: {  	_ =	swait.ge [sflag:s4], $0x80  }
0x3b: {  	[sflag:s4] =	ssyncset.done $0x0  }
0x3c: {  	[sflag:s4] =	ssyncadd.s32 $0xFFFFFF80  }
0x3d: {  	[tilespmem:s6], [sflag:$0x1] =	stream.indirect.gather [hbm4b:s1+s6], $0x80, s3, s6, $0xb8;
	[tilespmem:$0x4080] =	vst v63  }
0x3e: {  	_ =	swait.ge [sflag:s7], $0x4000  }
0x3f: {  	[sflag:s7] =	ssyncset.done $0x0  }
0x40: {  	s16 =	sadd.s32 s22, s16;
	[sflag:s7] =	ssyncadd.s32 $0xFFFFC000  }
0x41: {  	[hbm4b:s16+s3] =	stream.linear.scatter [tilespmem:s6], [sflag:$0x2], $0x4000, $0x38;
	[tilespmem:$0x4080] =	vst v63  }
0x42: {  	_ =	swait.ge [sflag:s4], $0x4000  }
0x43: {  	[sflag:s4] =	ssyncset.done $0x0  }
0x44: {  	s17 =	sadd.s32 s21, s17;
	[sflag:s4] =	ssyncadd.s32 $0xFFFFC000  }
0x45: {  	[tilespmem:s3], [sflag:$0x2] =	stream.linear.gather [hbm4b:s17+s3], $0x80, $0x38;
	[tilespmem:$0x4080] =	vst v63  }
0x46: {  	_ =	swait.ge [sflag:s4], $0x80  }
0x47: {  	[sflag:s4] =	ssyncset.done $0x0  }
0x48: {  	[sflag:s4] =	ssyncadd.s32 $0xFFFFFF80  }
0x49: {  	[tilespmem:s6], [sflag:$0x1] =	stream.indirect.gather [hbm4b:s1+s6], $0x80, s3, s6, $0xb8;
	[tilespmem:$0x4080] =	vst v63  }
0x4a: {  	_ =	swait.ge [sflag:s7], $0x4000  }
0x4b: {  	[sflag:s7] =	ssyncset.done $0x0  }
0x4c: {  	s18 =	sadd.s32 s22, s18;
	[sflag:s7] =	ssyncadd.s32 $0xFFFFC000  }
0x4d: {  	[hbm4b:s18+s3] =	stream.linear.scatter [tilespmem:s6], [sflag:$0x2], $0x4000, $0x38;
	[tilespmem:$0x4080] =	vst v63  }
0x4e: {  	_ =	swait.ge [sflag:s4], $0x4000  }
0x4f: {  	[sflag:s4] =	ssyncset.done $0x0  }
0x50: {  	s19 =	sadd.s32 s21, s20;
	[sflag:s4] =	ssyncadd.s32 $0xFFFFC000  }
0x51: {  	[tilespmem:s3], [sflag:$0x2] =	stream.linear.gather [hbm4b:s19+s3], $0x80, $0x38;
	[tilespmem:$0x4080] =	vst v63  }
0x52: {  	_ =	swait.ge [sflag:s4], $0x80  }
0x53: {  	[sflag:s4] =	ssyncset.done $0x0  }
0x54: {  	[sflag:s4] =	ssyncadd.s32 $0xFFFFFF80  }
0x55: {  	[tilespmem:s6], [sflag:$0x1] =	stream.indirect.gather [hbm4b:s1+s6], $0x80, s3, s6, $0xb8;
	[tilespmem:$0x4080] =	vst v63  }
0x56: {  	_ =	swait.ge [sflag:s7], $0x4000  }
0x57: {  	[sflag:s7] =	ssyncset.done $0x0  }
0x58: {  	s20 =	sadd.s32 s22, s24;
	[sflag:s7] =	ssyncadd.s32 $0xFFFFC000  }
0x59: {  	[hbm4b:s20+s3] =	stream.linear.scatter [tilespmem:s6], [sflag:$0x2], $0x4000, $0x38;
	[tilespmem:$0x4080] =	vst v63  }
0x5a: {  	_ =	swait.ge [sflag:s4], $0x4000  }
0x5b: {  	[sflag:s4] =	ssyncset.done $0x0  }
0x5c: {  	s23 =	ssub.s32 $0x2, s23;
	s21 =	sadd.s32 s21, s25;
	[sflag:s4] =	ssyncadd.s32 $0xFFFFC000  }
0x5d: {  	[tilespmem:s3], [sflag:$0x2] =	stream.linear.gather [hbm4b:s21+s3], $0x80, $0x38;
	[tilespmem:$0x4080] =	vst v63  }
0x5e: {  	s31 =	sshrl.u32 s23, $0x1;
	_ =	swait.ge [sflag:s4], $0x80  }
0x5f: {  	s23 =	ssub.s32 s23, s31;
	[sflag:s4] =	ssyncset.done $0x0  }
0x60: {  	s23 =	smax.u32 s23, $0x1;
	[sflag:s4] =	ssyncadd.s32 $0xFFFFFF80  }
0x61: {  	[tilespmem:s6], [sflag:$0x1] =	stream.indirect.gather [hbm4b:s1+s6], $0x80, s3, s6, $0xb8;
	[tilespmem:$0x4080] =	vst v63  }
0x62: {  	p0 =	sne.s32 s23, $0x1;
	_ =	swait.ge [sflag:s7], $0x4000  }
.Ltmp0:
0x63: {  	[sflag:s7] =	ssyncset.done $0x0;
	(pc) =	sbr.rel @!p0 .LBB2_2-.Ltmp0, $4  }
0x64: {  	s22 =	sadd.s32 s22, s26;
	[sflag:s7] =	ssyncadd.s32 $0xFFFFC000  }
0x65: {  	[hbm4b:s22+s3] =	stream.linear.scatter [tilespmem:s6], [sflag:$0x2], $0x4000, $0x38;
	[tilespmem:$0x4080] =	vst v63  }
0x66: {  	_ =	swait.ge [sflag:s4], $0x4000  }
0x67: {  	s23 =	sadd.s32 $0xFFFFFFFF, s23;
	[sflag:s4] =	ssyncset.done $0x0  }
.LBB2_1:
0x68: {  	p0 =	sne.s32 s23, $0x1;
	s23 =	sadd.s32 $0xFFFFFFFF, s23;
	[sflag:s4] =	ssyncadd.s32 $0xFFFFC000  }
0x69: {  	[tilespmem:s3], [sflag:$0x2] =	stream.linear.gather [hbm4b:s5+s3], $0x80, $0x38;
	[tilespmem:$0x4080] =	vst v63  }
0x6a: {  	_ =	swait.ge [sflag:s4], $0x80  }
0x6b: {  	[sflag:s4] =	ssyncset.done $0x0  }
0x6c: {  	[sflag:s4] =	ssyncadd.s32 $0xFFFFFF80  }
0x6d: {  	[tilespmem:s6], [sflag:$0x1] =	stream.indirect.gather [hbm4b:s1+s6], $0x80, s3, s6, $0xb8;
	[tilespmem:$0x4080] =	vst v63  }
0x6e: {  	_ =	swait.ge [sflag:s7], $0x4000  }
0x6f: {  	[sflag:s7] =	ssyncset.done $0x0  }
0x70: {  	[sflag:s7] =	ssyncadd.s32 $0xFFFFC000  }
0x71: {  	[hbm4b:s8+s3] =	stream.linear.scatter [tilespmem:s6], [sflag:$0x2], $0x4000, $0x38;
	[tilespmem:$0x4080] =	vst v63  }
0x72: {  	_ =	swait.ge [sflag:s4], $0x4000  }
0x73: {  	[sflag:s4] =	ssyncset.done $0x0  }
0x74: {  	[sflag:s4] =	ssyncadd.s32 $0xFFFFC000  }
0x75: {  	[tilespmem:s3], [sflag:$0x2] =	stream.linear.gather [hbm4b:s9+s3], $0x80, $0x38;
	[tilespmem:$0x4080] =	vst v63  }
0x76: {  	_ =	swait.ge [sflag:s4], $0x80  }
0x77: {  	[sflag:s4] =	ssyncset.done $0x0  }
0x78: {  	[sflag:s4] =	ssyncadd.s32 $0xFFFFFF80  }
0x79: {  	[tilespmem:s6], [sflag:$0x1] =	stream.indirect.gather [hbm4b:s1+s6], $0x80, s3, s6, $0xb8;
	[tilespmem:$0x4080] =	vst v63  }
0x7a: {  	_ =	swait.ge [sflag:s7], $0x4000  }
0x7b: {  	[sflag:s7] =	ssyncset.done $0x0  }
0x7c: {  	[sflag:s7] =	ssyncadd.s32 $0xFFFFC000  }
0x7d: {  	[hbm4b:s10+s3] =	stream.linear.scatter [tilespmem:s6], [sflag:$0x2], $0x4000, $0x38;
	[tilespmem:$0x4080] =	vst v63  }
0x7e: {  	_ =	swait.ge [sflag:s4], $0x4000  }
0x7f: {  	[sflag:s4] =	ssyncset.done $0x0  }
0x80: {  	[sflag:s4] =	ssyncadd.s32 $0xFFFFC000  }
0x81: {  	[tilespmem:s3], [sflag:$0x2] =	stream.linear.gather [hbm4b:s11+s3], $0x80, $0x38;
	[tilespmem:$0x4080] =	vst v63  }
0x82: {  	_ =	swait.ge [sflag:s4], $0x80  }
0x83: {  	[sflag:s4] =	ssyncset.done $0x0  }
0x84: {  	[sflag:s4] =	ssyncadd.s32 $0xFFFFFF80  }
0x85: {  	[tilespmem:s6], [sflag:$0x1] =	stream.indirect.gather [hbm4b:s1+s6], $0x80, s3, s6, $0xb8;
	[tilespmem:$0x4080] =	vst v63  }
0x86: {  	_ =	swait.ge [sflag:s7], $0x4000  }
0x87: {  	[sflag:s7] =	ssyncset.done $0x0  }
0x88: {  	[sflag:s7] =	ssyncadd.s32 $0xFFFFC000  }
0x89: {  	[hbm4b:s12+s3] =	stream.linear.scatter [tilespmem:s6], [sflag:$0x2], $0x4000, $0x38;
	[tilespmem:$0x4080] =	vst v63  }
0x8a: {  	_ =	swait.ge [sflag:s4], $0x4000  }
0x8b: {  	[sflag:s4] =	ssyncset.done $0x0  }
0x8c: {  	[sflag:s4] =	ssyncadd.s32 $0xFFFFC000  }
0x8d: {  	[tilespmem:s3], [sflag:$0x2] =	stream.linear.gather [hbm4b:s13+s3], $0x80, $0x38;
	[tilespmem:$0x4080] =	vst v63  }
0x8e: {  	_ =	swait.ge [sflag:s4], $0x80  }
0x8f: {  	[sflag:s4] =	ssyncset.done $0x0  }
0x90: {  	[sflag:s4] =	ssyncadd.s32 $0xFFFFFF80  }
0x91: {  	[tilespmem:s6], [sflag:$0x1] =	stream.indirect.gather [hbm4b:s1+s6], $0x80, s3, s6, $0xb8;
	[tilespmem:$0x4080] =	vst v63  }
0x92: {  	_ =	swait.ge [sflag:s7], $0x4000  }
0x93: {  	[sflag:s7] =	ssyncset.done $0x0  }
0x94: {  	[sflag:s7] =	ssyncadd.s32 $0xFFFFC000  }
0x95: {  	[hbm4b:s14+s3] =	stream.linear.scatter [tilespmem:s6], [sflag:$0x2], $0x4000, $0x38;
	[tilespmem:$0x4080] =	vst v63  }
0x96: {  	_ =	swait.ge [sflag:s4], $0x4000  }
0x97: {  	[sflag:s4] =	ssyncset.done $0x0  }
0x98: {  	[sflag:s4] =	ssyncadd.s32 $0xFFFFC000  }
0x99: {  	[tilespmem:s3], [sflag:$0x2] =	stream.linear.gather [hbm4b:s15+s3], $0x80, $0x38;
	[tilespmem:$0x4080] =	vst v63  }
0x9a: {  	_ =	swait.ge [sflag:s4], $0x80  }
0x9b: {  	[sflag:s4] =	ssyncset.done $0x0  }
0x9c: {  	[sflag:s4] =	ssyncadd.s32 $0xFFFFFF80  }
0x9d: {  	[tilespmem:s6], [sflag:$0x1] =	stream.indirect.gather [hbm4b:s1+s6], $0x80, s3, s6, $0xb8;
	[tilespmem:$0x4080] =	vst v63  }
0x9e: {  	_ =	swait.ge [sflag:s7], $0x4000  }
0x9f: {  	[sflag:s7] =	ssyncset.done $0x0  }
0xa0: {  	[sflag:s7] =	ssyncadd.s32 $0xFFFFC000  }
0xa1: {  	[hbm4b:s16+s3] =	stream.linear.scatter [tilespmem:s6], [sflag:$0x2], $0x4000, $0x38;
	[tilespmem:$0x4080] =	vst v63  }
0xa2: {  	_ =	swait.ge [sflag:s4], $0x4000  }
0xa3: {  	[sflag:s4] =	ssyncset.done $0x0  }
0xa4: {  	[sflag:s4] =	ssyncadd.s32 $0xFFFFC000  }
0xa5: {  	[tilespmem:s3], [sflag:$0x2] =	stream.linear.gather [hbm4b:s17+s3], $0x80, $0x38;
	[tilespmem:$0x4080] =	vst v63  }
0xa6: {  	_ =	swait.ge [sflag:s4], $0x80  }
0xa7: {  	[sflag:s4] =	ssyncset.done $0x0  }
0xa8: {  	[sflag:s4] =	ssyncadd.s32 $0xFFFFFF80  }
0xa9: {  	[tilespmem:s6], [sflag:$0x1] =	stream.indirect.gather [hbm4b:s1+s6], $0x80, s3, s6, $0xb8;
	[tilespmem:$0x4080] =	vst v63  }
0xaa: {  	_ =	swait.ge [sflag:s7], $0x4000  }
0xab: {  	[sflag:s7] =	ssyncset.done $0x0  }
0xac: {  	[sflag:s7] =	ssyncadd.s32 $0xFFFFC000  }
0xad: {  	[hbm4b:s18+s3] =	stream.linear.scatter [tilespmem:s6], [sflag:$0x2], $0x4000, $0x38;
	[tilespmem:$0x4080] =	vst v63  }
0xae: {  	_ =	swait.ge [sflag:s4], $0x4000  }
0xaf: {  	[sflag:s4] =	ssyncset.done $0x0  }
0xb0: {  	[sflag:s4] =	ssyncadd.s32 $0xFFFFC000  }
0xb1: {  	[tilespmem:s3], [sflag:$0x2] =	stream.linear.gather [hbm4b:s19+s3], $0x80, $0x38;
	[tilespmem:$0x4080] =	vst v63  }
0xb2: {  	_ =	swait.ge [sflag:s4], $0x80  }
0xb3: {  	[sflag:s4] =	ssyncset.done $0x0  }
0xb4: {  	[sflag:s4] =	ssyncadd.s32 $0xFFFFFF80  }
0xb5: {  	[tilespmem:s6], [sflag:$0x1] =	stream.indirect.gather [hbm4b:s1+s6], $0x80, s3, s6, $0xb8;
	[tilespmem:$0x4080] =	vst v63  }
0xb6: {  	_ =	swait.ge [sflag:s7], $0x4000  }
0xb7: {  	[sflag:s7] =	ssyncset.done $0x0  }
0xb8: {  	[sflag:s7] =	ssyncadd.s32 $0xFFFFC000  }
0xb9: {  	[hbm4b:s20+s3] =	stream.linear.scatter [tilespmem:s6], [sflag:$0x2], $0x4000, $0x38;
	[tilespmem:$0x4080] =	vst v63  }
0xba: {  	_ =	swait.ge [sflag:s4], $0x4000  }
0xbb: {  	[sflag:s4] =	ssyncset.done $0x0  }
0xbc: {  	[sflag:s4] =	ssyncadd.s32 $0xFFFFC000  }
0xbd: {  	[tilespmem:s3], [sflag:$0x2] =	stream.linear.gather [hbm4b:s21+s3], $0x80, $0x38;
	[tilespmem:$0x4080] =	vst v63  }
0xbe: {  	_ =	swait.ge [sflag:s4], $0x80  }
0xbf: {  	[sflag:s4] =	ssyncset.done $0x0  }
0xc0: {  	[sflag:s4] =	ssyncadd.s32 $0xFFFFFF80  }
0xc1: {  	[tilespmem:s6], [sflag:$0x1] =	stream.indirect.gather [hbm4b:s1+s6], $0x80, s3, s6, $0xb8;
	[tilespmem:$0x4080] =	vst v63  }
0xc2: {  	_ =	swait.ge [sflag:s7], $0x4000  }
.Ltmp1:
0xc3: {  	[sflag:s7] =	ssyncset.done $0x0;
	(pc) =	sbr.rel @p0 .LBB2_1-.Ltmp1, $4  }
0xc4: {  	[sflag:s7] =	ssyncadd.s32 $0xFFFFC000  }
0xc5: {  	[hbm4b:s22+s3] =	stream.linear.scatter [tilespmem:s6], [sflag:$0x2], $0x4000, $0x38;
	[tilespmem:$0x4080] =	vst v63  }
0xc6: {  	_ =	swait.ge [sflag:s4], $0x4000  }
0xc7: {  	[sflag:s4] =	ssyncset.done $0x0  }
.LBB2_2:
0xc8: {  	[sflag:s4] =	ssyncadd.s32 $0xFFFFC000  }
0xc9: {  	_ =	sfence.sel $0x180000  }
0xca: {  	[bflag:$0x0] =	sbarrier.arrive $0xFFFF  }
0xcb: {  	p0 =	sne.s32 s0, $0x0;
	_ =	strace $0x9000004A  }
0xcc: {  	s0 =	sadd.s32 @!p0 $0x100000, s2;
	[bflag:$0x2] =	sbarrier.arrive $0xFFFF  }
0xcd: {  	[sflag:s0] =	ssyncadd.tile.s32 @!p0 $0x1;
	_ =	shalt  }
.Lfunc_end2:
_tile_overlayer_lowered:
.L_overlay_start_2:
0xce: {  	(tag) =	ssettag $0x2  }
0xcf: {  	s0 =	rddreg [dreg:$0x0];
	s2 =	stileid.u32  }
0xd0: {  	s1 =	rddreg [dreg:$0x1];
	p0 =	sne.s32 s2, $0x0  }
0xd1: {  	s3 =	rddreg [dreg:$0x2];
	[bflag:$0x3] =	sbarrier.arrive $0xFFFF;
	s2 =	simm.s32 @!p0 $0x1C02  }
0xd2: {  	[timem:s3], [sflag:s2] =	dma.local @!p0 [hbm:s0], s1  }
0xd3: {  	s0 =	simm.s32 @!p0 $0x2  }
0xd4: {  	_ =	swait.ge @!p0 [sflag:s0], s1  }
0xd5: {  	s1 =	ssub.s32 @!p0 $0x0, s1;
	[sflag:s0] =	ssyncset.done @!p0 $0x0  }
0xd6: {  	[sflag:s0] =	ssyncadd.s32 @!p0 s1  }
0xd7: {  	[bflag:$0x3] =	sbarrier.arrive $0xFFFF  }
0xd8: {  	_ =	shalt  }

// kernel: kernel.7.cloned.1.call-start
scs
__scs_entry_jumppad:
0x0: {  	(pc) =	sbr.rel $0x88, $3  }
0x1: {  	(tag) =	ssettag $0x0;
	lr =	simm.s32 $0x1  }
0x2: {  	[smem:$0x3F89] =	sst lr;
	_ =	strace $0xD0000000  }
0x3: {  	_ = 	snop  }
0x4: {  	_ = 	snop  }
0x5: {  	_ = 	snop  }
0x6: {  	_ = 	snop  }
0x7: {  	_ = 	snop  }
__scs_overlays_trampoline_lowered:
0x8: {  	[smem:$0x3F98] =	sst s0  }
0x9: {  	[smem:$0x3F99] =	sst s1  }
0xa: {  	[smem:$0x3F9A] =	sst s2  }
0xb: {  	[smem:$0x3F9B] =	sst s3  }
0xc: {  	[smem:$0x3F9C] =	sst s4  }
0xd: {  	[smem:$0x3F9D] =	sst s5  }
0xe: {  	[smem:$0x3F9E] =	sst s6  }
0xf: {  	[smem:$0x3F9F] =	sst s7  }
0x10: {  	[smem:$0x3FA0] =	sst s8  }
0x11: {  	[smem:$0x3FA1] =	sst s9;
	s0 =	simm.s32 @!p0 $0x0  }
0x12: {  	s1 =	sld [smem:$0x3F87];
	s0 =	simm.s32 @p0 $0x1  }
0x13: {  	[smem:$0x3FA2] =	sst s0;
	s0 =	simm.s32 @!p1 $0x0  }
0x14: {  	s2 =	sld [smem:$0x3F86];
	s0 =	simm.s32 @p1 $0x1  }
0x15: {  	[smem:$0x3FA3] =	sst s0;
	s0 =	simm.s32 @!p2 $0x0  }
0x16: {  	s3 =	sld [smem:$0x3FDB];
	s0 =	simm.s32 @p2 $0x1  }
0x17: {  	s4 =	simm.s32 $0x1BF5;
	[smem:$0x3FA5] =	sst s0  }
0x18: {  	s0 =	sld [smem:$0x3F88];
	_ =	swait.ge [sflag:s4], $0x0  }
0x19: {  	s7 =	sld [smem:$0x3F89]  }
0x1a: {  	s8 =	sadd.s32 $0xFFFFE003, lr  }
0x1b: {  	s9 =	sadd.s32 $0xFFFFFEF7, lr;
	s5 =	simm.s32 $0xFFFFFFFF;
	p2 =	slt.u32 s8, $0xFFFFF086  }
0x1c: {  	p1 =	slt.u32 s9, $0xF7A;
	s5 =	simm.s32 @!p2 $0x0  }
0x1d: {  	s5 =	simm.s32 @p1 $0x1;
	p0 =	seq.s32 s7, s2  }
0x1e: {  	s7 =	smul.u32 @!p0 $0xF7A, s2;
	p2 =	seq.s32 @!p0 s5, $0x0  }
0x1f: {  	s9 =	smul.u32 $0xF7A, s1;
	s8 =	simm.s32 @!p0 $0x1BF5;
	p2 =	por !p2, p0  }
0x20: {  	[sflag:s8] =	ssyncset.s32 @!p0 $0xFFFFF086;
	s6 =	sadd.s32 @!p0 s3, s7;
	s7 =	simm.s32 @!p0 $0x108  }
0x21: {  	s3 =	sadd.s32 s3, s9;
	s6 =	sadd.s32 @!p0 $0x88, s6;
	s7 =	simm.s32 @p2 $0x1082  }
0x22: {  	[simem:s7], [sflag:s8] =	dma.local @!p0 [hbm:s6], $0xF7A  }
0x23: {  	s9 =	sor.u32 $0xD0000000, s2;
	s6 =	simm.s32 $0x108;
	_ =	swait.ge @!p0 [sflag:s8], $0x0  }
0x24: {  	s3 =	sadd.s32 $0x88, s3;
	s6 =	simm.s32 @!p1 $0x1082;
	[sflag:s4] =	ssyncset.s32 $0xFFFFF086  }
0x25: {  	[simem:s6], [sflag:s4] =	dma.local [hbm:s3], $0xF7A  }
0x26: {  	[smem:$0x3F89] =	sst s1;
	(tag) =	ssettag s2;
	_ =	strace s9  }
0x27: {  	s1 =	sld [smem:$0x3F99]  }
0x28: {  	s2 =	sld [smem:$0x3F9A]  }
0x29: {  	s4 =	sld [smem:$0x3F9C]  }
0x2a: {  	p0 =	seq.s32 s5, $0x0;
	s5 =	sld [smem:$0x3F9D]  }
0x2b: {  	s6 =	sld [smem:$0x3F9E]  }
0x2c: {  	s7 =	sld [smem:$0x3F9F]  }
0x2d: {  	s3 =	simm.s32 $0x108;
	s8 =	sld [smem:$0x3FA0]  }
0x2e: {  	s3 =	simm.s32 @!p0 $0x1082;
	s9 =	sld [smem:$0x3FA1]  }
0x2f: {  	lr =	sadd.s32 s0, s3;
	s0 =	sld [smem:$0x3F98]  }
0x30: {  	s3 =	sld [smem:$0x3F9B]  }
0x31: {  	[smem:$0x3FA4] =	sst s10  }
0x32: {  	s10 =	sld [smem:$0x3FA2];
	_ =	sdelay $0x3  }
0x33: {  	p0 =	seq.s32 s10, $0x1;
	s10 =	sld [smem:$0x3FA4];
	_ =	sdelay $0x3  }
0x34: {  	[smem:$0x3FA4] =	sst s10  }
0x35: {  	s10 =	sld [smem:$0x3FA3];
	_ =	sdelay $0x3  }
0x36: {  	p1 =	seq.s32 s10, $0x1;
	s10 =	sld [smem:$0x3FA4];
	_ =	sdelay $0x3  }
0x37: {  	[smem:$0x3FA4] =	sst s10  }
0x38: {  	s10 =	sld [smem:$0x3FA5]  }
0x39: {  	_ = 	snop;
	(pc) =	sbr.ind lr, $3  }
0x3a: {  	_ = 	snop  }
0x3b: {  	_ = 	snop  }
0x3c: {  	p2 =	seq.s32 s10, $0x1;
	s10 =	sld [smem:$0x3FA4]  }
0x3d: {  	_ =	shalt  }
0x3e: {  	_ =	shalt  }
0x3f: {  	_ =	shalt  }
0x40: {  	_ =	shalt  }
0x41: {  	_ =	shalt  }
0x42: {  	_ =	shalt  }
0x43: {  	_ =	shalt  }
0x44: {  	_ =	shalt  }
0x45: {  	_ =	shalt  }
0x46: {  	_ =	shalt  }
0x47: {  	_ =	shalt  }
0x48: {  	_ =	shalt  }
0x49: {  	_ =	shalt  }
0x4a: {  	_ =	shalt  }
0x4b: {  	_ =	shalt  }
0x4c: {  	_ =	shalt  }
0x4d: {  	_ =	shalt  }
0x4e: {  	_ =	shalt  }
0x4f: {  	_ =	shalt  }
0x50: {  	_ =	shalt  }
0x51: {  	_ =	shalt  }
0x52: {  	_ =	shalt  }
0x53: {  	_ =	shalt  }
0x54: {  	_ =	shalt  }
0x55: {  	_ =	shalt  }
0x56: {  	_ =	shalt  }
0x57: {  	_ =	shalt  }
0x58: {  	_ =	shalt  }
0x59: {  	_ =	shalt  }
0x5a: {  	_ =	shalt  }
0x5b: {  	_ =	shalt  }
0x5c: {  	_ =	shalt  }
0x5d: {  	_ =	shalt  }
0x5e: {  	_ =	shalt  }
0x5f: {  	_ =	shalt  }
0x60: {  	_ =	shalt  }
0x61: {  	_ =	shalt  }
0x62: {  	_ =	shalt  }
0x63: {  	_ =	shalt  }
0x64: {  	_ =	shalt  }
0x65: {  	_ =	shalt  }
0x66: {  	_ =	shalt  }
0x67: {  	_ =	shalt  }
0x68: {  	_ =	shalt  }
0x69: {  	_ =	shalt  }
0x6a: {  	_ =	shalt  }
0x6b: {  	_ =	shalt  }
0x6c: {  	_ =	shalt  }
0x6d: {  	_ =	shalt  }
0x6e: {  	_ =	shalt  }
0x6f: {  	_ =	shalt  }
0x70: {  	_ =	shalt  }
0x71: {  	_ =	shalt  }
0x72: {  	_ =	shalt  }
0x73: {  	_ =	shalt  }
0x74: {  	_ =	shalt  }
0x75: {  	_ =	shalt  }
0x76: {  	_ =	shalt  }
0x77: {  	_ =	shalt  }
0x78: {  	_ =	shalt  }
0x79: {  	_ =	shalt  }
0x7a: {  	_ =	shalt  }
0x7b: {  	_ =	shalt  }
0x7c: {  	_ =	shalt  }
0x7d: {  	_ =	shalt  }
0x7e: {  	_ =	shalt  }
0x7f: {  	_ =	shalt  }
0x80: {  	_ =	shalt  }
0x81: {  	_ =	shalt  }
0x82: {  	_ =	shalt  }
0x83: {  	_ =	shalt  }
0x84: {  	_ =	shalt  }
0x85: {  	_ =	shalt  }
0x86: {  	_ =	shalt  }
0x87: {  	_ =	shalt  }
.Lfunc_end0:
.L_simem_size_0:
called_computation_lowered:
.L_overlay_start_0:
0x88: {  	s2 =	sld [smem:$0x3FD9]  }
0x89: {  	s3 =	sld [smem:$0x3FFE];
	_ =	sdelay $0x1  }
0x8a: {  	s1 =	srdreg.scid  }
0x8b: {  	s0 =	sand.u32 $0x1, s1  }
0x8c: {  	s14 =	sshll.u32 s0, $0xA;
	s2 =	sadd.s32 s3, s2  }
0x8d: {  	s2 =	sadd.s32 s2, s14  }
0x8e: {  	[smem:$0x3FB0] =	sst s2  }
0x8f: {  	_ = 	snop  }
0x90: {  	s2 =	sld [smem:$0x3FD0];
	_ =	sdelay $0x2  }
0x91: {  	s15 =	simm.s32 $0xA;
	s4 =	simm.s32 $0x10  }
0x92: {  	[smem:s4], [sflag:s15] =	dma.local [hbm:s2], $0x1  }
0x93: {  	_ =	swait.eq [sflag:s15], $0x1  }
0x94: {  	s16 =	sld [smem:$0x11];
	[sflag:s15] =	ssyncset.done $0x0  }
0x95: {  	s17 =	sld [smem:$0x12];
	[sflag:s15] =	ssyncadd.s32 $0xFFFFFFFF  }
0x96: {  	s18 =	sld [smem:$0x13];
	(tm) =	ssettm $0x1  }
0x97: {  	s5 =	sld [smem:$0x3FFB];
	_ =	sdelay $0x3  }
0x98: {  	_ =	strace s5  }
0x99: {  	s5 =	sld [smem:$0x3FFC];
	_ =	sdelay $0x3  }
0x9a: {  	_ =	strace s5  }
0x9b: {  	s5 =	sld [smem:$0x3FFD];
	_ =	sdelay $0x3  }
0x9c: {  	_ =	strace s5  }
0x9d: {  	_ =	strace $0x8FFFFFFF  }
0x9e: {  	s19 =	sld [smem:$0x3FDB];
	_ =	sdelay $0x1  }
0x9f: {  	s6 =	simm.s32 $_scs_section_size  }
0xa0: {  	s7 =	simm.s32 $_size__tile_overlayer_lowered;
	s8 =	simm.s32 $_tile_overlayer_lowered  }
0xa1: {  	s22 =	simm.s32 $0x1BFF;
	s21 =	sshll.u32 s8, $0x1;
	s5 =	sadd.s32 s6, s19  }
0xa2: {  	s9 =	simm.s32 $0x0;
	s20 =	sshll.u32 s7, $0x1;
	s7 =	sadd.s32 s21, s5  }
0xa3: {  	[timem:s9], [sflag:s22] =	dma.local [hbm:s7], s20  }
0xa4: {  	_ =	swait.ge [sflag:s22], s20  }
0xa5: {  	s6 =	ssub.s32 $0x0, s20;
	[sflag:s22] =	ssyncset.done $0x0  }
0xa6: {  	[sflag:s22] =	ssyncadd.s32 s6;
	_ =	sdelay $0x1  }
0xa7: {  	s23 =	simm.s32 $0x1B8B  }
0xa8: {  	_ =	swait.ge [sflag:s23], $0x1  }
0xa9: {  	[sflag:s23] =	ssyncset.done $0x0  }
0xaa: {  	s25 =	simm.s32 $0x1B8E;
	s24 =	sld [smem:$0x3FFE];
	[sflag:s23] =	ssyncadd.s32 $0xFFFFFFFF  }
0xab: {  	s26 =	simm.s32 $execute0_lowered;
	[smem:$0x3FD2] =	sst s25  }
0xac: {  	s7 =	sshll.u32 s26, $0x1;
	_ =	strace $0x80000046;
	[dreg:$0x1] =	wrdreg $0xFFFFFFFF  }
0xad: {  	s28 =	simm.s32 $_size_execute0_lowered;
	s5 =	sadd.s32 s5, s7;
	[dreg:$0x0] =	wrdreg $0x0  }
0xae: {  	s7 =	sshll.u32 s28, $0x1;
	[dreg:$0x2] =	wrdreg s5  }
0xaf: {  	[dreg:$0x3] =	wrdreg s7  }
0xb0: {  	[dreg:$0x4] =	wrdreg $0xC0  }
0xb1: {  	_ =	task [dreg:s9], $0x5FFFF  }
0xb2: {  	[dreg:$0x1] =	wrdreg $0xFFFFFFFF  }
0xb3: {  	[dreg:$0x0] =	wrdreg $0x60  }
0xb4: {  	[dreg:$0x2] =	wrdreg s17  }
0xb5: {  	[dreg:$0x3] =	wrdreg s16  }
0xb6: {  	[dreg:$0x4] =	wrdreg s24  }
0xb7: {  	[dreg:$0x5] =	wrdreg s18  }
0xb8: {  	[dreg:$0x6] =	wrdreg $0x6B200  }
0xb9: {  	[dreg:$0x7] =	wrdreg $0x9  }
0xba: {  	_ =	task.clear_ibuf [dreg:s9], $0x8FFFF;
	_ =	strace $0x90000046  }
0xbb: {  	s29 =	simm.s32 $0x9;
	_ =	strace $0x80000048  }
0xbc: {  	_ =	swait.ge [sflag:s29], $0x1  }
0xbd: {  	[sflag:s29] =	ssyncadd.s32 $0xFFFFFFFF  }
0xbe: {  	_ =	strace $0x90000048  }
0xbf: {  	_ =	sfence  }
0xc0: {  	s30 =	sld [smem:$0x0];
	_ =	sdelay $0x2  }
0xc1: {  	s31 =	sshll.u32 s1, $0xD;
	s1 =	sshrl.u32 s1, $0x2  }
0xc2: {  	s3 =	sand.u32 $0x4000, s31;
	s1 =	sadd.s32 s1, s30  }
0xc3: {  	s0 =	sor.u32 s3, s0;
	s1 =	sshll.u32 s1, $0x11  }
0xc4: {  	s0 =	sor.u32 s1, s0  }
0xc5: {  	s0 =	sadd.s32 $0x8F2B, s0  }
0xc6: {  	[sflag:s0] =	ssyncadd.remote.s32 $0x1  }
0xc7: {  	_ =	sfence.sel $0xFFFF  }
0xc8: {  	[dreg:$0x0] =	wrdreg $0xFFFFFFFF;
	(pc) =	sbr.abs _section_cstart, $3  }
0xc9: {  	[dreg:$0x1] =	wrdreg $0xFFFFFFFF  }
0xca: {  	_ =	task.clear_ibuf [dreg:s9], $0x2FFFF;
	_ =	strace $0x9FFFFFFF  }
0xcb: {  	(tm) =	ssettm $0x7FFFFFFF  }
tec
execute0_lowered:
.L_overlay_start_1:
0x0: {  	(tag) =	ssettag $0x1  }
0x1: {  	s0 =	rddreg [dreg:$0x0]  }
0x2: {  	s2 =	rddreg [dreg:$0x1]  }
0x3: {  	s4 =	rddreg [dreg:$0x2]  }
0x4: {  	s1 =	rddreg [dreg:$0x3]  }
0x5: {  	s3 =	rddreg [dreg:$0x4];
	s5 =	simm.s32 $0x0  }
0x6: {  	s14 =	stileid.u32;
	s23 =	srdreg.scid;
	s20 =	simm.s32 $0x5A00  }
0x7: {  	s21 =	simm.s32 $0x9;
	s22 =	simm.s32 $0x0;
	[smem:$0x7FF] =	sst s5  }
0x8: {  	s7 =	smul.u32 $0x3100, s14;
	s8 =	sand.u32 $0x1, s23;
	s5 =	sadd.s32 $0xF7C00, s4  }
0x9: {  	p0 =	seq.s32 s14, $0xF;
	s26 =	smul.u32 $0x61C00, s14;
	s28 =	sadd.s32 $0x185F00, s3  }
0xa: {  	_ =	strace $0x80000047;
	s11 =	sshll.u32 s8, $0x2;
	s6 =	ssub.s32 $0x2, s8  }
0xb: {  	s25 =	sshll.u32 s8, $0x5;
	[dreg:$0xa] =	wrdreg s28;
	s9 =	sadd.s32 s7, s4  }
0xc: {  	s4 =	sadd.s32 s11, s4;
	s10 =	sshrl.u32 s6, $0x1;
	s15 =	sadd.s32 s0, s7  }
0xd: {  	s7 =	sadd.s32 s2, s7;
	s12 =	sor.u32 $0x40, s25;
	s29 =	sadd.s32 s11, s1  }
0xe: {  	s2 =	sshrl.u32 s26, $0x2;
	s13 =	ssub.s32 s6, s10;
	s6 =	smul.u32 $0xC38, s14  }
0xf: {  	s24 =	sadd.s32 $0xC6A00, s9;
	s10 =	simm.s32 $0x16;
	[dreg:$0x7] =	wrdreg s7  }
0x10: {  	s4 =	sadd.s32 $0xF7A00, s4;
	s0 =	sadd.s32 $0xC2F88, s29;
	[dreg:$0x6] =	wrdreg s15  }
.Ltmp0:
0x11: {  	s16 =	sadd.s32 s2, s3;
	[dreg:$0x8] =	wrdreg s24;
	(pc) =	sbr.rel .LBB2_1-.Ltmp0, $4  }
0x12: {  	s26 =	sadd.s32 $0xC6A10, s9;
	s31 =	sadd.s32 $0x10, s15;
	[dreg:$0x9] =	wrdreg s4  }
0x13: {  	s2 =	simm.s32 $0x20;
	s10 =	simm.s32 @!p0 $0x17;
	[dreg:$0xb] =	wrdreg s0  }
0x14: {  	s30 =	smax.u32 s13, $0x1;
	s13 =	sadd.s32 $0x10, s7;
	[dreg:$0xd] =	wrdreg s31  }
0x15: {  	v1 =	vimm.f32 $0.0e+00;
	v0 =	vmov s8;
	s24 =	simm.s32 $0x80;
	p0 =	sne.s32 s14, $0xF;
	[dreg:$0xc] =	wrdreg s30  }
.LBB2_15:
0x16: {  	s22 =	sadd.s32 $0x1, s22;
	s0 =	rddreg [dreg:$0xc]  }
0x17: {  	p1 =	sne.s32 s22, s0  }
.Ltmp1:
0x18: {  	_ = 	snop;
	(pc) =	sbr.rel @!p1 .LBB2_16-.Ltmp1, $1  }
0x19: {  	_ =	sdelay $0x3  }
.LBB2_1:
0x1a: {  	s0 =	simm.s32 $0x0  }
.LBB2_2:
0x1b: {  	p1 =	sne.s32 s0, $0x4380  }
.Ltmp2:
0x1c: {  	_ = 	snop;
	(pc) =	sbr.rel @p1 .LBB2_2-.Ltmp2, $4  }
0x1d: {  	_ = 	snop  }
0x1e: {  	s4 =	sshra.s32 s0, $0x2  }
0x1f: {  	[tilespmem:s4+$0x5A00] =	vst v1  }
0x20: {  	s0 =	sadd.s32 $0x80, s0;
	[tilespmem:s4+$0x5A10] =	vst v1  }
0x21: {  	s0 =	sadd.s32 $0x0, s16  }
0x22: {  	[spmem:s0] =	stream.linear.scatter [tilespmem:s20], [sflag:$0x9], $0x1100, $0x38;
	[tilespmem:$0x1F220] =	vst v63  }
0x23: {  	s0 =	simm.s32 $0x4400;
	_ =	swait.ge [sflag:s21], $0x1100  }
.LBB2_4:
0x24: {  	s4 =	sshra.s32 s0, $0x2;
	[sflag:s21] =	ssyncset.done $0x0;
	p1 =	sne.s32 s0, $0x5D800  }
.Ltmp3:
0x25: {  	s4 =	sadd.s32 s4, s16;
	[sflag:s21] =	ssyncadd.s32 $0xFFFFEF00;
	(pc) =	sbr.rel @p1 .LBB2_4-.Ltmp3, $3  }
0x26: {  	[spmem:s4] =	stream.linear.scatter [tilespmem:s20], [sflag:$0x9], $0x1100, $0x38;
	[tilespmem:$0x1F220] =	vst v63  }
0x27: {  	s0 =	sadd.s32 $0x4400, s0;
	_ =	sdelay $0x1  }
0x28: {  	_ =	swait.ge [sflag:s21], $0x1100  }
0x29: {  	[sflag:s21] =	ssyncset.done $0x0  }
0x2a: {  	[sflag:s21] =	ssyncadd.s32 $0xFFFFEF00  }
0x2b: {  	[bflag:$0x0] =	sbarrier.arrive $0xFFFF  }
0x2c: {  	s0 =	simm.s32 $0x0;
	s4 =	rddreg [dreg:$0x6]  }
0x2d: {  	[tilespmem:s0], [sflag:$0x9] =	stream.linear.gather [hbm4b:s4+s0], $0x800, $0x38;
	[tilespmem:$0x1F220] =	vst v63  }
0x2e: {  	_ =	swait.ge [sflag:s21], $0x800  }
0x2f: {  	[sflag:s21] =	ssyncset.done $0x0  }
0x30: {  	s7 =	simm.s32 $0x800;
	s18 =	rddreg [dreg:$0x7];
	[sflag:s21] =	ssyncadd.s32 $0xFFFFF800  }
0x31: {  	[tilespmem:s7], [sflag:$0x9] =	stream.linear.gather [hbm4b:s18+s0], $0x800, $0x38;
	[tilespmem:$0x1F220] =	vst v63  }
0x32: {  	_ =	swait.ge [sflag:s21], $0x800  }
0x33: {  	[sflag:s21] =	ssyncset.done $0x0  }
0x34: {  	s23 =	simm.s32 $0x1000;
	s19 =	rddreg [dreg:$0x8];
	[sflag:s21] =	ssyncadd.s32 $0xFFFFF800  }
0x35: {  	[tilespmem:s23], [sflag:$0x9] =	stream.linear.gather [hbm4b:s19+s0], $0x800, $0x38;
	[tilespmem:$0x1F220] =	vst v63  }
0x36: {  	_ =	swait.ge [sflag:s21], $0x800  }
0x37: {  	[sflag:s21] =	ssyncset.done $0x0  }
0x38: {  	[sflag:s21] =	ssyncadd.s32 $0xFFFFF800  }
0x39: {  	v2 =	vld [tilespmem:$0x800]  }
0x3a: {  	v3 =	vld [tilespmem:$0x810]  }
0x3b: {  	v4 =	vld [tilespmem:$0x820]  }
0x3c: {  	v5 =	vld [tilespmem:$0x830]  }
0x3d: {  	v6 =	vld [tilespmem:$0x840]  }
0x3e: {  	v7 =	vld [tilespmem:$0x850];
	v2 =	vadd.s32 v0, v2  }
0x3f: {  	[tilespmem:$0x1800] =	vst v2;
	v2 =	vadd.s32 v0, v3;
	v3 =	vld [tilespmem:$0x860]  }
0x40: {  	[tilespmem:$0x1810] =	vst v2;
	v2 =	vadd.s32 v0, v4;
	v4 =	vld [tilespmem:$0x870]  }
0x41: {  	s29 =	simm.s32 $0x1;
	[tilespmem:$0x1820] =	vst v2;
	v2 =	vadd.s32 v0, v5  }
0x42: {  	s30 =	simm.s32 $0x0;
	s7 =	sand.u32 $0xF, s29;
	[tilespmem:$0x1830] =	vst v2;
	v2 =	vadd.s32 v0, v6  }
0x43: {  	s8 =	sand.u32 $0xF, s30;
	p1 =	seq.s32 s7, $0x0;
	[tilespmem:$0x1840] =	vst v2;
	v2 =	vadd.s32 v0, v7  }
0x44: {  	p2 =	slt.u32 @!p1 s8, $0x3;
	[tilespmem:$0x1850] =	vst v2;
	v2 =	vadd.s32 v0, v3  }
0x45: {  	p2 =	por p2, p1;
	s0 =	sand.u32 $0x3, s29;
	[tilespmem:$0x1860] =	vst v2;
	v2 =	vadd.s32 v0, v4  }
0x46: {  	s25 =	simm.s32 $0x1800;
	s28 =	simm.s32 $0x1A00;
	s9 =	sadd.s32 @!p2 $0x5, s0;
	[tilespmem:$0x1870] =	vst v2  }
0x47: {  	[tilespmem:s28], [sflag:$0x1] =	stream.indirect.gather [hbm4b:s5+s24], $0x20, s25, s24, $0xb8;
	[tilespmem:$0x1F220] =	vst v63  }
0x48: {  	_ =	swait.ge @!p2 [sflag:s9], $0x1000  }
0x49: {  	[sflag:s9] =	ssyncset.done @!p2 $0x0  }
0x4a: {  	[sflag:s9] =	ssyncadd.s32 @!p2 $0xFFFFF000;
	s9 =	sshll.u32 @!p1 s7, $0x7  }
0x4b: {  	v2 =	vld @!p1 [tilespmem:s9+$0x800];
	_ =	sdelay $0x4  }
0x4c: {  	s11 =	sshll.u32 @!p1 s0, $0x7;
	v2 =	vadd.s32 @!p1 v0, v2  }
0x4d: {  	[tilespmem:s11+$0x1800] =	vst @!p1 v2  }
0x4e: {  	v2 =	vld @!p1 [tilespmem:s9+$0x810];
	_ =	sdelay $0x4  }
0x4f: {  	v2 =	vadd.s32 @!p1 v0, v2  }
0x50: {  	[tilespmem:s11+$0x1810] =	vst @!p1 v2  }
0x51: {  	v2 =	vld @!p1 [tilespmem:s9+$0x820];
	_ =	sdelay $0x4  }
0x52: {  	v2 =	vadd.s32 @!p1 v0, v2  }
0x53: {  	[tilespmem:s11+$0x1820] =	vst @!p1 v2  }
0x54: {  	v2 =	vld @!p1 [tilespmem:s9+$0x830];
	_ =	sdelay $0x4  }
0x55: {  	v2 =	vadd.s32 @!p1 v0, v2  }
0x56: {  	[tilespmem:s11+$0x1830] =	vst @!p1 v2  }
0x57: {  	v2 =	vld @!p1 [tilespmem:s9+$0x840];
	_ =	sdelay $0x4  }
0x58: {  	v2 =	vadd.s32 @!p1 v0, v2  }
0x59: {  	[tilespmem:s11+$0x1840] =	vst @!p1 v2  }
0x5a: {  	v2 =	vld @!p1 [tilespmem:s9+$0x850];
	_ =	sdelay $0x4  }
0x5b: {  	v2 =	vadd.s32 @!p1 v0, v2  }
0x5c: {  	[tilespmem:s11+$0x1850] =	vst @!p1 v2  }
0x5d: {  	v2 =	vld @!p1 [tilespmem:s9+$0x860];
	_ =	sdelay $0x4  }
0x5e: {  	v2 =	vadd.s32 @!p1 v0, v2  }
0x5f: {  	[tilespmem:s11+$0x1860] =	vst @!p1 v2  }
0x60: {  	v2 =	vld @!p1 [tilespmem:s9+$0x870];
	_ =	sdelay $0x2  }
0x61: {  	s4 =	sand.u32 $0x3, s30  }
0x62: {  	s17 =	sadd.s32 $0x1, s4  }
0x63: {  	s31 =	sshll.u32 s4, $0xC;
	s14 =	sadd.s32 @!p1 $0x1, s0;
	s9 =	sshll.u32 @!p1 s0, $0xC;
	v2 =	vadd.s32 @!p1 v0, v2  }
0x64: {  	s15 =	sor.u32 @!p1 $0x1800, s11;
	s9 =	sadd.s32 @!p1 $0x1A00, s9;
	[tilespmem:s11+$0x1870] =	vst @!p1 v2;
	s11 =	simm.s32 @!p1 $0x80  }
0x65: {  	[tilespmem:s9], [sflag:s14] =	stream.indirect.gather @!p1 [hbm4b:s5+s11], $0x20, s15, s11, $0xb8;
	[tilespmem:$0x1F220] =	vst v63  }
0x66: {  	s8 =	sshll.u32 s8, $0x7;
	p2 =	por $0x0, $0x0;
	_ =	swait.ge [sflag:s17], $0x1000  }
0x67: {  	p1 =	sne.s32 @!p2 s7, $0x0;
	s7 =	sadd.s32 $0x5, s4;
	[sflag:s17] =	ssyncset.done $0x0  }
0x68: {  	s9 =	sadd.s32 $0x1A00, s31;
	p2 =	por p1, p2;
	[sflag:s17] =	ssyncadd.s32 $0xFFFFF000  }
0x69: {  	[spmem:s3] =	stream.indirect.scatter.add.f32 [tilespmem:s9], [sflag:s7], $0x20, s8, s24, $0xb8;
	[tilespmem:$0x1F220] =	vst v63  }
0x6a: {  	s8 =	simm.s32 $0x3;
	_ =	swait.ge @!p2 [sflag:s7], $0x1000  }
0x6b: {  	s8 =	sand.u32 @!p2 $0x3, s8;
	[sflag:s7] =	ssyncset.done @!p2 $0x0  }
0x6c: {  	[sflag:s7] =	ssyncadd.s32 @!p2 $0xFFFFF000;
	s7 =	sadd.s32 @!p2 $0x5, s8  }
0x6d: {  	_ =	swait.ge @!p2 [sflag:s7], $0x1000  }
0x6e: {  	s4 =	sxor.u32 @!p2 $0x2, s4;
	[sflag:s7] =	ssyncset.done @!p2 $0x0  }
0x6f: {  	s4 =	sadd.s32 @!p2 $0x5, s4;
	[sflag:s7] =	ssyncadd.s32 @!p2 $0xFFFFF000  }
0x70: {  	_ =	swait.ge @!p2 [sflag:s4], $0x1000  }
0x71: {  	[sflag:s4] =	ssyncset.done @!p2 $0x0  }
0x72: {  	[sflag:s4] =	ssyncadd.s32 @!p2 $0xFFFFF000;
	s4 =	sadd.s32 @!p2 $0x5, s0  }
0x73: {  	_ =	swait.ge @!p2 [sflag:s4], $0x1000  }
0x74: {  	s7 =	simm.s32 @!p2 $0x9;
	[sflag:s4] =	ssyncset.done @!p2 $0x0  }
0x75: {  	s9 =	rddreg [dreg:$0xd];
	[sflag:s4] =	ssyncadd.s32 @!p2 $0xFFFFF000;
	s4 =	simm.s32 @!p2 $0x0  }
0x76: {  	[tilespmem:s4], [sflag:$0x9] =	stream.linear.gather @!p2 [hbm4b:s9+s4], $0x800, $0x38;
	[tilespmem:$0x1F220] =	vst v63  }
0x77: {  	_ =	swait.ge @!p2 [sflag:s7], $0x800  }
0x78: {  	[sflag:s7] =	ssyncset.done @!p2 $0x0  }
0x79: {  	s8 =	simm.s32 @!p2 $0x800;
	[sflag:s7] =	ssyncadd.s32 @!p2 $0xFFFFF800  }
0x7a: {  	[tilespmem:s8], [sflag:$0x9] =	stream.linear.gather @!p2 [hbm4b:s13+s4], $0x800, $0x38;
	[tilespmem:$0x1F220] =	vst v63  }
0x7b: {  	_ =	swait.ge @!p2 [sflag:s7], $0x800  }
0x7c: {  	[sflag:s7] =	ssyncset.done @!p2 $0x0  }
0x7d: {  	s8 =	simm.s32 @!p2 $0x1000;
	[sflag:s7] =	ssyncadd.s32 @!p2 $0xFFFFF800  }
0x7e: {  	[tilespmem:s8], [sflag:$0x9] =	stream.linear.gather @!p2 [hbm4b:s26+s4], $0x800, $0x38;
	[tilespmem:$0x1F220] =	vst v63  }
0x7f: {  	_ =	swait.ge @!p2 [sflag:s7], $0x800  }
0x80: {  	[sflag:s7] =	ssyncset.done @!p2 $0x0  }
0x81: {  	[sflag:s7] =	ssyncadd.s32 @!p2 $0xFFFFF800  }
0x82: {  	v7 =	vld @!p2 [tilespmem:$0x860]  }
0x83: {  	v6 =	vld @!p2 [tilespmem:$0x840]  }
0x84: {  	v5 =	vld @!p2 [tilespmem:$0x800]  }
0x85: {  	v4 =	vld @!p2 [tilespmem:$0x810]  }
0x86: {  	s18 =	smov.u32 s13;
	s23 =	simm.s32 $0x4;
	v3 =	vld @!p2 [tilespmem:$0x820]  }
0x87: {  	s17 =	smov.u32 s26;
	s0 =	sadd.s32 @!p2 $0x1, s0;
	s25 =	sadd.s32 $0x10, s9;
	v2 =	vld @!p2 [tilespmem:$0x830];
	v7 =	vadd.s32 @!p2 v0, v7  }
.LBB2_6:
0x88: {  	s17 =	sadd.s32 $0x10, s17  }
0x89: {  	v6 =	vadd.s32 @!p2 v0, v6;
	v8 =	vld @!p2 [tilespmem:$0x850];
	[tilespmem:$0x1860] =	vst @!p2 v7;
	s18 =	sadd.s32 $0x10, s18;
	s14 =	smov.u32 s23;
	s23 =	sadd.s32 $0x1, s23  }
0x8a: {  	p1 =	sne.s32 s23, $0x313;
	v5 =	vadd.s32 @!p2 v0, v5;
	[tilespmem:$0x1840] =	vst @!p2 v6;
	v6 =	vld @!p2 [tilespmem:$0x870]  }
0x8b: {  	s28 =	simm.s32 @!p2 $0x1800;
	s29 =	simm.s32 @!p2 $0x1A00;
	s4 =	sadd.s32 $0xFFFFFFFE, s14;
	[tilespmem:$0x1800] =	vst @!p2 v5;
	v4 =	vadd.s32 @!p2 v0, v4  }
0x8c: {  	s7 =	sadd.s32 $0xFFFFFFFD, s14;
	p3 =	seq.s32 s14, $0x312;
	s30 =	sand.u32 $0xF, s4;
	[tilespmem:$0x1810] =	vst @!p2 v4;
	v3 =	vadd.s32 @!p2 v0, v3  }
0x8d: {  	s11 =	sand.u32 $0x3, s7;
	s15 =	sand.u32 $0xF, s7;
	p4 =	seq.s32 s30, $0x0;
	[tilespmem:$0x1820] =	vst @!p2 v3;
	v2 =	vadd.s32 @!p2 v0, v2  }
0x8e: {  	s7 =	sshll.u32 s11, $0xC;
	p5 =	sne.s32 @!p3 s30, $0x0;
	p6 =	slt.u32 @!p4 s15, $0x3;
	[tilespmem:$0x1830] =	vst @!p2 v2;
	v2 =	vadd.s32 @!p2 v0, v8  }
0x8f: {  	s9 =	sand.u32 $0x3, s4;
	s4 =	simm.s32 @!p2 $0x80;
	p6 =	por p6, p4;
	[tilespmem:$0x1850] =	vst @!p2 v2;
	v2 =	vadd.s32 @!p2 v0, v6  }
0x90: {  	s19 =	sshll.u32 @!p4 s9, $0xC;
	s8 =	sadd.s32 @!p4 $0x1, s9;
	s31 =	sadd.s32 @!p6 $0x5, s9;
	[tilespmem:$0x1870] =	vst @!p2 v2  }
0x91: {  	[tilespmem:s29], [sflag:s0] =	stream.indirect.gather @!p2 [hbm4b:s5+s4], $0x20, s28, s4, $0xb8;
	[tilespmem:$0x1F220] =	vst v63  }
0x92: {  	s0 =	sadd.s32 @!p4 $0x1A00, s19;
	_ =	swait.ge @!p6 [sflag:s31], $0x1000  }
0x93: {  	[sflag:s31] =	ssyncset.done @!p6 $0x0  }
0x94: {  	s28 =	sshll.u32 @!p4 s30, $0x7;
	[sflag:s31] =	ssyncadd.s32 @!p6 $0xFFFFF000  }
0x95: {  	v2 =	vld @!p4 [tilespmem:s28+$0x800];
	_ =	sdelay $0x4  }
0x96: {  	s29 =	sshll.u32 @!p4 s9, $0x7;
	v2 =	vadd.s32 @!p4 v0, v2  }
0x97: {  	s4 =	sor.u32 @!p4 $0x1800, s29;
	[tilespmem:s29+$0x1800] =	vst @!p4 v2  }
0x98: {  	v2 =	vld @!p4 [tilespmem:s28+$0x810];
	_ =	sdelay $0x4  }
0x99: {  	v2 =	vadd.s32 @!p4 v0, v2  }
0x9a: {  	[tilespmem:s29+$0x1810] =	vst @!p4 v2  }
0x9b: {  	v2 =	vld @!p4 [tilespmem:s28+$0x820];
	_ =	sdelay $0x4  }
0x9c: {  	v2 =	vadd.s32 @!p4 v0, v2  }
0x9d: {  	[tilespmem:s29+$0x1820] =	vst @!p4 v2  }
0x9e: {  	v2 =	vld @!p4 [tilespmem:s28+$0x830];
	_ =	sdelay $0x4  }
0x9f: {  	v2 =	vadd.s32 @!p4 v0, v2  }
0xa0: {  	[tilespmem:s29+$0x1830] =	vst @!p4 v2  }
0xa1: {  	v2 =	vld @!p4 [tilespmem:s28+$0x840];
	_ =	sdelay $0x4  }
0xa2: {  	v2 =	vadd.s32 @!p4 v0, v2  }
0xa3: {  	[tilespmem:s29+$0x1840] =	vst @!p4 v2  }
0xa4: {  	v2 =	vld @!p4 [tilespmem:s28+$0x850];
	_ =	sdelay $0x4  }
0xa5: {  	v2 =	vadd.s32 @!p4 v0, v2  }
0xa6: {  	[tilespmem:s29+$0x1850] =	vst @!p4 v2  }
0xa7: {  	v2 =	vld @!p4 [tilespmem:s28+$0x860];
	_ =	sdelay $0x4  }
0xa8: {  	v2 =	vadd.s32 @!p4 v0, v2  }
0xa9: {  	[tilespmem:s29+$0x1860] =	vst @!p4 v2  }
0xaa: {  	v2 =	vld @!p4 [tilespmem:s28+$0x870];
	_ =	sdelay $0x4  }
0xab: {  	v2 =	vadd.s32 @!p4 v0, v2  }
0xac: {  	s19 =	simm.s32 @!p4 $0x80;
	s28 =	sadd.s32 $0x1, s11;
	[tilespmem:s29+$0x1870] =	vst @!p4 v2  }
0xad: {  	[tilespmem:s0], [sflag:s8] =	stream.indirect.gather @!p4 [hbm4b:s5+s19], $0x20, s4, s19, $0xb8;
	[tilespmem:$0x1F220] =	vst v63  }
0xae: {  	_ =	swait.ge [sflag:s28], $0x1000  }
0xaf: {  	p2 =	por p5, p3;
	s4 =	sadd.s32 $0x5, s11;
	[sflag:s28] =	ssyncset.done $0x0  }
0xb0: {  	s0 =	sadd.s32 $0x1A00, s7;
	s7 =	sshll.u32 s15, $0x7;
	[sflag:s28] =	ssyncadd.s32 $0xFFFFF000  }
0xb1: {  	[spmem:s3] =	stream.indirect.scatter.add.f32 [tilespmem:s0], [sflag:s4], $0x20, s7, s24, $0xb8;
	[tilespmem:$0x1F220] =	vst v63  }
0xb2: {  	s7 =	sxor.u32 @!p2 $0x2, s11;
	s0 =	sadd.s32 @!p2 $0x1, s9;
	_ =	swait.ge @!p2 [sflag:s4], $0x1000  }
0xb3: {  	s8 =	sand.u32 @!p2 $0x3, s14;
	[sflag:s4] =	ssyncset.done @!p2 $0x0  }
0xb4: {  	[sflag:s4] =	ssyncadd.s32 @!p2 $0xFFFFF000;
	s4 =	sadd.s32 @!p2 $0x5, s8  }
0xb5: {  	_ =	swait.ge @!p2 [sflag:s4], $0x1000  }
0xb6: {  	[sflag:s4] =	ssyncset.done @!p2 $0x0  }
0xb7: {  	[sflag:s4] =	ssyncadd.s32 @!p2 $0xFFFFF000;
	s4 =	sadd.s32 @!p2 $0x5, s7  }
0xb8: {  	_ =	swait.ge @!p2 [sflag:s4], $0x1000  }
0xb9: {  	[sflag:s4] =	ssyncset.done @!p2 $0x0  }
0xba: {  	[sflag:s4] =	ssyncadd.s32 @!p2 $0xFFFFF000;
	s4 =	sadd.s32 @!p2 $0x5, s9  }
0xbb: {  	_ =	swait.ge @!p2 [sflag:s4], $0x1000  }
0xbc: {  	[sflag:s4] =	ssyncset.done @!p2 $0x0  }
0xbd: {  	s7 =	simm.s32 @!p2 $0x9;
	[sflag:s4] =	ssyncadd.s32 @!p2 $0xFFFFF000;
	s4 =	simm.s32 @!p2 $0x0  }
0xbe: {  	[tilespmem:s4], [sflag:$0x9] =	stream.linear.gather @!p2 [hbm4b:s25+s4], $0x800, $0x38;
	[tilespmem:$0x1F220] =	vst v63  }
0xbf: {  	_ =	swait.ge @!p2 [sflag:s7], $0x800  }
0xc0: {  	[sflag:s7] =	ssyncset.done @!p2 $0x0  }
0xc1: {  	s8 =	simm.s32 @!p2 $0x800;
	[sflag:s7] =	ssyncadd.s32 @!p2 $0xFFFFF800  }
0xc2: {  	[tilespmem:s8], [sflag:$0x9] =	stream.linear.gather @!p2 [hbm4b:s18+s4], $0x800, $0x38;
	[tilespmem:$0x1F220] =	vst v63  }
0xc3: {  	_ =	swait.ge @!p2 [sflag:s7], $0x800  }
0xc4: {  	[sflag:s7] =	ssyncset.done @!p2 $0x0  }
0xc5: {  	s8 =	simm.s32 @!p2 $0x1000;
	[sflag:s7] =	ssyncadd.s32 @!p2 $0xFFFFF800  }
0xc6: {  	[tilespmem:s8], [sflag:$0x9] =	stream.linear.gather @!p2 [hbm4b:s17+s4], $0x800, $0x38;
	[tilespmem:$0x1F220] =	vst v63  }
0xc7: {  	_ =	swait.ge @!p2 [sflag:s7], $0x800  }
0xc8: {  	[sflag:s7] =	ssyncset.done @!p2 $0x0  }
0xc9: {  	[sflag:s7] =	ssyncadd.s32 @!p2 $0xFFFFF800  }
0xca: {  	v7 =	vld @!p2 [tilespmem:$0x860]  }
.Ltmp4:
0xcb: {  	v6 =	vld @!p2 [tilespmem:$0x840];
	(pc) =	sbr.rel @p1 .LBB2_6-.Ltmp4, $4  }
0xcc: {  	v5 =	vld @!p2 [tilespmem:$0x800]  }
0xcd: {  	v4 =	vld @!p2 [tilespmem:$0x810]  }
0xce: {  	v3 =	vld @!p2 [tilespmem:$0x820]  }
0xcf: {  	s25 =	sadd.s32 $0x10, s25;
	v2 =	vld @!p2 [tilespmem:$0x830];
	v7 =	vadd.s32 @!p2 v0, v7  }
0xd0: {  	v6 =	vadd.s32 @!p2 v0, v6;
	v8 =	vld @!p2 [tilespmem:$0x850];
	[tilespmem:$0x1860] =	vst @!p2 v7  }
0xd1: {  	v5 =	vadd.s32 @!p2 v0, v5;
	[tilespmem:$0x1840] =	vst @!p2 v6;
	v6 =	vld @!p2 [tilespmem:$0x870]  }
0xd2: {  	[tilespmem:$0x1800] =	vst @!p2 v5;
	v4 =	vadd.s32 @!p2 v0, v4  }
0xd3: {  	[tilespmem:$0x1810] =	vst @!p2 v4;
	v3 =	vadd.s32 @!p2 v0, v3  }
0xd4: {  	[tilespmem:$0x1820] =	vst @!p2 v3;
	v2 =	vadd.s32 @!p2 v0, v2  }
0xd5: {  	[tilespmem:$0x1830] =	vst @!p2 v2;
	v2 =	vadd.s32 @!p2 v0, v8  }
0xd6: {  	s4 =	simm.s32 @!p2 $0x1800;
	[tilespmem:$0x1850] =	vst @!p2 v2;
	v2 =	vadd.s32 @!p2 v0, v6  }
0xd7: {  	s7 =	simm.s32 @!p2 $0x1A00;
	s8 =	simm.s32 @!p2 $0x80;
	s23 =	simm.s32 $0x5;
	[tilespmem:$0x1870] =	vst @!p2 v2  }
0xd8: {  	[tilespmem:s7], [sflag:s0] =	stream.indirect.gather @!p2 [hbm4b:s5+s8], $0x20, s4, s8, $0xb8;
	[tilespmem:$0x1F220] =	vst v63  }
0xd9: {  	_ =	swait.ge [sflag:s23], $0x1000  }
0xda: {  	[sflag:s23] =	ssyncset.done $0x0  }
0xdb: {  	s25 =	simm.s32 $0x6;
	[sflag:s23] =	ssyncadd.s32 $0xFFFFF000  }
0xdc: {  	_ =	swait.ge [sflag:s25], $0x1000  }
0xdd: {  	[sflag:s25] =	ssyncset.done $0x0  }
0xde: {  	s28 =	simm.s32 $0x7;
	[sflag:s25] =	ssyncadd.s32 $0xFFFFF000  }
0xdf: {  	_ =	swait.ge [sflag:s28], $0x1000  }
0xe0: {  	[sflag:s28] =	ssyncset.done $0x0  }
0xe1: {  	s29 =	simm.s32 $0x8;
	[sflag:s28] =	ssyncadd.s32 $0xFFFFF000  }
0xe2: {  	_ =	swait.ge [sflag:s29], $0x1000  }
0xe3: {  	[sflag:s29] =	ssyncset.done $0x0  }
0xe4: {  	[sflag:s29] =	ssyncadd.s32 $0xFFFFF000  }
0xe5: {  	[bflag:$0x0] =	sbarrier.arrive $0xFFFF  }
0xe6: {  	s31 =	simm.s32 $0x6B00;
	s0 =	simm.s32 $0x0;
	s30 =	rddreg [dreg:$0x9]  }
0xe7: {  	[tilespmem:s31], [sflag:$0x9] =	stream.linear.gather [hbm4b:s30+s0], $0x20, $0x38;
	[tilespmem:$0x1F220] =	vst v63  }
0xe8: {  	_ =	swait.ge [sflag:s21], $0x20  }
0xe9: {  	[sflag:s21] =	ssyncset.done $0x0  }
0xea: {  	[sflag:s21] =	ssyncadd.s32 $0xFFFFFFE0  }
0xeb: {  	v2 =	vld [tilespmem:$0x6B00]  }
0xec: {  	v3 =	vld [tilespmem:$0x6B10]  }
.LBB2_8:
0xed: {  	s4 =	smul.u32 $0x88, s0;
	_ =	sdelay $0x1  }
0xee: {  	s4 =	sadd.s32 s6, s4  }
0xef: {  	s4 =	sshll.u32 s4, $0x7  }
0xf0: {  	s7 =	sshra.s32 s4, $0x2  }
0xf1: {  	s7 =	sadd.s32 s7, s3  }
0xf2: {  	[tilespmem:s20], [sflag:$0x9] =	stream.linear.gather [spmem:s7], $0x1100, $0x38;
	[tilespmem:$0x1F220] =	vst v63  }
0xf3: {  	_ =	swait.ge [sflag:s21], $0x1100  }
0xf4: {  	[sflag:s21] =	ssyncset.done $0x0  }
0xf5: {  	s7 =	simm.s32 $0x0;
	[sflag:s21] =	ssyncadd.s32 $0xFFFFEF00  }
0xf6: {  	s8 =	simm.s32 $0x80;
	v4 =	vld [tilespmem:s7+$0x5A00]  }
.LBB2_9:
0xf7: {  	p1 =	sne.s32 s8, $0x4380;
	v5 =	vld [tilespmem:s7+$0x5A10];
	_ =	sdelay $0x3  }
.Ltmp5:
0xf8: {  	v4 =	vadd.f32 v4, v2;
	(pc) =	sbr.rel @p1 .LBB2_9-.Ltmp5, $4  }
0xf9: {  	v5 =	vadd.f32 v5, v3  }
0xfa: {  	v4 =	vmax.f32 v4, $0.0e+00  }
0xfb: {  	s9 =	sshra.s32 s8, $0x2;
	[tilespmem:s7+$0x5A00] =	vst v4;
	v5 =	vmax.f32 v5, $0.0e+00  }
0xfc: {  	s8 =	sadd.s32 $0x80, s8;
	v4 =	vld [tilespmem:s9+$0x5A00];
	[tilespmem:s7+$0x5A10] =	vst v5;
	s7 =	smov.u32 s9  }
0xfd: {  	v5 =	vld [tilespmem:s7+$0x5A10];
	_ =	sdelay $0x3  }
0xfe: {  	v4 =	vadd.f32 v4, v2  }
0xff: {  	v5 =	vadd.f32 v5, v3  }
0x100: {  	s4 =	sor.u32 s12, s4;
	s0 =	sadd.s32 $0x1, s0;
	v4 =	vmax.f32 v4, $0.0e+00  }
0x101: {  	s4 =	sshrl.u32 s4, $0x3;
	p1 =	sne.s32 s0, s10;
	[tilespmem:s7+$0x5A00] =	vst v4;
	v4 =	vmax.f32 v5, $0.0e+00  }
.Ltmp6:
0x102: {  	s4 =	sadd.s32 s1, s4;
	[tilespmem:s7+$0x5A10] =	vst v4;
	(pc) =	sbr.rel @p1 .LBB2_8-.Ltmp6, $4  }
0x103: {  	[hbm4b:s4+s2] =	stream.strided.scatter [tilespmem:s20], [sflag:$0x9], $0x1100, s24, s2, $0x38;
	[tilespmem:$0x1F220] =	vst v63  }
0x104: {  	_ =	swait.ge [sflag:s21], $0x1100  }
0x105: {  	[sflag:s21] =	ssyncset.done $0x0  }
0x106: {  	[sflag:s21] =	ssyncadd.s32 $0xFFFFEF00  }
.Ltmp7:
0x107: {  	(pc) =	sbr.rel @p0 .LBB2_15-.Ltmp7, $1  }
0x108: {  	_ =	sdelay $0x3  }
0x109: {  	s0 =	rddreg [dreg:$0xa]  }
0x10a: {  	[tilespmem:s20], [sflag:$0x9] =	stream.linear.gather [spmem:s0], $0xB00, $0x38;
	[tilespmem:$0x1F220] =	vst v63  }
0x10b: {  	_ =	swait.ge [sflag:s21], $0xB00  }
0x10c: {  	[sflag:s21] =	ssyncset.done $0x0  }
0x10d: {  	s0 =	simm.s32 $0x0;
	[sflag:s21] =	ssyncadd.s32 $0xFFFFF500  }
0x10e: {  	s4 =	simm.s32 $0x80;
	v4 =	vld [tilespmem:s0+$0x5A00]  }
.LBB2_13:
0x10f: {  	p1 =	sne.s32 s4, $0x2B80;
	v5 =	vld [tilespmem:s0+$0x5A10];
	_ =	sdelay $0x3  }
.Ltmp8:
0x110: {  	v4 =	vadd.f32 v4, v2;
	(pc) =	sbr.rel @p1 .LBB2_13-.Ltmp8, $4  }
0x111: {  	v5 =	vadd.f32 v5, v3  }
0x112: {  	v4 =	vmax.f32 v4, $0.0e+00  }
0x113: {  	s7 =	sshra.s32 s4, $0x2;
	[tilespmem:s0+$0x5A00] =	vst v4;
	v5 =	vmax.f32 v5, $0.0e+00  }
0x114: {  	s4 =	sadd.s32 $0x80, s4;
	v4 =	vld [tilespmem:s7+$0x5A00];
	[tilespmem:s0+$0x5A10] =	vst v5;
	s0 =	smov.u32 s7  }
0x115: {  	v5 =	vld [tilespmem:s0+$0x5A10];
	_ =	sdelay $0x3  }
0x116: {  	v2 =	vadd.f32 v4, v2  }
0x117: {  	v3 =	vadd.f32 v5, v3  }
0x118: {  	v2 =	vmax.f32 v2, $0.0e+00  }
0x119: {  	[tilespmem:s0+$0x5A00] =	vst v2;
	v2 =	vmax.f32 v3, $0.0e+00  }
.Ltmp9:
0x11a: {  	s31 =	rddreg [dreg:$0xb];
	[tilespmem:s0+$0x5A10] =	vst v2;
	(pc) =	sbr.rel .LBB2_15-.Ltmp9, $4  }
0x11b: {  	[hbm4b:s31+s2] =	stream.strided.scatter [tilespmem:s20], [sflag:$0x9], $0xB00, s24, s2, $0x38;
	[tilespmem:$0x1F220] =	vst v63  }
0x11c: {  	_ =	swait.ge [sflag:s21], $0xB00  }
0x11d: {  	[sflag:s21] =	ssyncset.done $0x0  }
0x11e: {  	[sflag:s21] =	ssyncadd.s32 $0xFFFFF500  }
.LBB2_16:
0x11f: {  	_ =	sfence.sel $0x180000  }
0x120: {  	[bflag:$0x0] =	sbarrier.arrive $0xFFFF  }
0x121: {  	_ =	strace $0x90000047  }
0x122: {  	s0 =	stileid.u32;
	[bflag:$0x2] =	sbarrier.arrive $0xFFFF  }
0x123: {  	p0 =	sne.s32 s0, $0x0;
	s0 =	rddreg [dreg:$0x5]  }
0x124: {  	s0 =	sadd.s32 @!p0 $0x100000, s0  }
0x125: {  	[sflag:s0] =	ssyncadd.tile.s32 @!p0 $0x1;
	_ =	shalt  }
.Lfunc_end2:
_tile_overlayer_lowered:
.L_overlay_start_2:
0x126: {  	(tag) =	ssettag $0x2  }
0x127: {  	s0 =	rddreg [dreg:$0x0];
	s2 =	stileid.u32  }
0x128: {  	s1 =	rddreg [dreg:$0x1];
	p0 =	sne.s32 s2, $0x0  }
0x129: {  	s3 =	rddreg [dreg:$0x2];
	[bflag:$0x3] =	sbarrier.arrive $0xFFFF;
	s2 =	simm.s32 @!p0 $0x1C09  }
0x12a: {  	[timem:s3], [sflag:s2] =	dma.local @!p0 [hbm:s0], s1  }
0x12b: {  	s0 =	simm.s32 @!p0 $0x9  }
0x12c: {  	_ =	swait.ge @!p0 [sflag:s0], s1  }
0x12d: {  	s1 =	ssub.s32 @!p0 $0x0, s1;
	[sflag:s0] =	ssyncset.done @!p0 $0x0  }
0x12e: {  	[sflag:s0] =	ssyncadd.s32 @!p0 s1  }
0x12f: {  	[bflag:$0x3] =	sbarrier.arrive $0xFFFF  }
0x130: {  	_ =	shalt  }

</sc_bundles>
